<compile_context>
chip_gen: v7x
topology: tpu7x:2x2x1
jax: 0.10.2.dev20260603
libtpu: 0.0.44.dev20260713+nightly
codegen_flags: <defaults>
</compile_context>

<pallas_src>
import functools

import jax
import jax.numpy as jnp
from jax import lax
from jax.experimental import pallas as pl
from jax.experimental.pallas import tpu as pltpu
from jax.experimental.pallas import tpu_sc as plsc

_I = 8
_C = 16
_H = 256
_W = 256
_N = 64 * 64 * 64
_PLANE = _H * _W
_SENTINEL = _PLANE

_BN = 8192

_NC = 2
_NS = 16
_NW = _NC * _NS
_CH = 8192


def _bf(a):
    return a.astype(jnp.bfloat16).astype(jnp.float32)


def _tc_project_body(tr_ref, tcw_ref, coords_ref, idx_ref, dense_ref):
    x = coords_ref[0:1, :]
    y = coords_ref[1:2, :]
    z = coords_ref[2:3, :]
    xb = _bf(x)
    yb = _bf(y)
    zb = _bf(z)
    tr = tr_ref[...]
    tc = tcw_ref[...]
    trb = _bf(tr)
    tcb = _bf(tc)

    def col(a, j):
        return a[:, j:j + 1]

    u_num = col(trb, 0) * xb + col(trb, 1) * yb + col(trb, 2) * zb + col(trb, 3)
    v_num = col(trb, 4) * xb + col(trb, 5) * yb + col(trb, 6) * zb + col(trb, 7)
    w_num = col(trb, 8) * xb + col(trb, 9) * yb + col(trb, 10) * zb + col(trb, 11)

    z_safe = jnp.where(jnp.abs(w_num) < 1e-8, 1e-8, w_num)
    u = u_num / z_safe
    v = v_num / z_safe
    ui = jnp.round(u).astype(jnp.int32)
    vi = jnp.round(v).astype(jnp.int32)
    valid = (ui >= 0) & (ui < _W) & (vi >= 0) & (vi < _H) & (w_num > 1e-8)
    uc = jnp.clip(ui, 0, _W - 1)
    vc = jnp.clip(vi, 0, _H - 1)
    flat = vc * _W + uc
    idx_ref[...] = jnp.where(valid, flat, _SENTINEL)

    depth = (col(tcb, 8) * xb + col(tcb, 9) * yb + col(tcb, 10) * zb
             + col(tcb, 11))

    t0 = col(tc, 3)
    t1 = col(tc, 7)
    t2 = col(tc, 11)
    cc0 = -(col(tc, 0) * t0 + col(tc, 4) * t1 + col(tc, 8) * t2)
    cc1 = -(col(tc, 1) * t0 + col(tc, 5) * t1 + col(tc, 9) * t2)
    cc2 = -(col(tc, 2) * t0 + col(tc, 6) * t1 + col(tc, 10) * t2)
    dx = x - cc0
    dy = y - cc1
    dz = z - cc2
    nrm = jnp.maximum(jnp.sqrt(dx * dx + dy * dy + dz * dz), 1e-8)
    validf = valid.astype(jnp.float32)
    dense_ref[...] = jnp.stack(
        [depth, validf, dx / nrm, dy / nrm, dz / nrm], axis=0)


def _tc_project(tr, tcw, coords):
    grid = (_N // _BN,)
    return pl.pallas_call(
        _tc_project_body,
        grid=grid,
        in_specs=[
            pl.BlockSpec((_I, 12), lambda n: (0, 0)),
            pl.BlockSpec((_I, 16), lambda n: (0, 0)),
            pl.BlockSpec((3, _BN), lambda n: (0, n)),
        ],
        out_specs=[
            pl.BlockSpec((_I, _BN), lambda n: (0, n)),
            pl.BlockSpec((5, _I, _BN), lambda n: (0, 0, n)),
        ],
        out_shape=[
            jax.ShapeDtypeStruct((_I, _N), jnp.int32),
            jax.ShapeDtypeStruct((5, _I, _N), jnp.float32),
        ],
    )(tr, tcw, coords)


def _sc_gather_body(img_hbm, idx_hbm, dense_hbm, out_hbm, plane_v,
                    idx_v0, idx_v1, val_v0, val_v1, den_v0, den_v1,
                    sem_a0, sem_a1, sem_b0, sem_b1):
    wid = lax.axis_index("s") * _NC + lax.axis_index("c")
    nchunks = _N // _CH
    bufs = ((idx_v0, val_v0, sem_a0, sem_b0), (idx_v1, val_v1, sem_a1,
                                               sem_b1))

    for r in range(4):
        plane = wid * 4 + r
        img = plane // _C
        ch = lax.rem(plane, _C)
        idx0 = img * _N
        out0 = (img * 21 + ch) * _N
        pltpu.async_copy(idx_hbm.at[pl.ds(idx0, _CH)], idx_v0, sem_a0)
        pltpu.async_copy(idx_hbm.at[pl.ds(idx0 + _CH, _CH)], idx_v1, sem_a1)
        with jax.named_scope("plane_load"):
            pltpu.sync_copy(img_hbm.at[pl.ds(plane * _PLANE, _PLANE)],
                            plane_v.at[pl.ds(0, _PLANE)])
        plane_v[pl.ds(_PLANE, 16)] = jnp.zeros((16,), jnp.float32)

        def pair_body(kk, _, idx0=idx0, out0=out0):
            for b, (ibuf, vbuf, isem, osem) in enumerate(bufs):
                k = kk * 2 + b
                base = k * _CH
                pltpu.make_async_copy(idx_hbm.at[pl.ds(idx0 + base, _CH)],
                                      ibuf, isem).wait()

                @pl.when(kk > 0)
                def _(vbuf=vbuf, osem=osem, out0=out0, base=base):
                    pltpu.make_async_copy(
                        vbuf, out_hbm.at[pl.ds(out0 + base, _CH)],
                        osem).wait()

                @plsc.parallel_loop(0, _CH // 16, unroll=8)
                def _(j, ibuf=ibuf, vbuf=vbuf):
                    vi = ibuf[pl.ds(j * 16, 16)]
                    vbuf[pl.ds(j * 16, 16)] = plsc.load_gather(plane_v, [vi])

                @pl.when(k + 2 < nchunks)
                def _(ibuf=ibuf, isem=isem, idx0=idx0, base=base):
                    pltpu.async_copy(
                        idx_hbm.at[pl.ds(idx0 + base + 2 * _CH, _CH)], ibuf,
                        isem)

                pltpu.async_copy(vbuf, out_hbm.at[pl.ds(out0 + base, _CH)],
                                 osem)
            return 0

        with jax.named_scope("gather_phase"):
            lax.fori_loop(0, nchunks // 2, pair_body, 0)
            for b, (ibuf, vbuf, isem, osem) in enumerate(bufs):
                pltpu.make_async_copy(vbuf, out_hbm.at[pl.ds(out0, _CH)],
                                      osem).wait()

    dbufs = ((den_v0, sem_a0, sem_b0), (den_v1, sem_a1, sem_b1))
    for rep in range(2):
        task = wid + _NW * rep

        @pl.when(task < 40)
        def _(task=task):
            d = task // _I
            img = lax.rem(task, _I)
            src0 = (d * _I + img) * _N
            dst0 = (img * 21 + _C + d) * _N

            def pair_body(kk, _):
                for b, (vbuf, isem, osem) in enumerate(dbufs):
                    k = kk * 2 + b
                    base = k * _CH

                    @pl.when(kk > 0)
                    def _(vbuf=vbuf, osem=osem, base=base):
                        pltpu.make_async_copy(
                            vbuf, out_hbm.at[pl.ds(dst0 + base, _CH)],
                            osem).wait()

                    pltpu.async_copy(dense_hbm.at[pl.ds(src0 + base, _CH)],
                                     vbuf, isem)
                    pltpu.make_async_copy(
                        dense_hbm.at[pl.ds(src0 + base, _CH)], vbuf,
                        isem).wait()
                    pltpu.async_copy(vbuf, out_hbm.at[pl.ds(dst0 + base,
                                                            _CH)], osem)
                return 0

            with jax.named_scope("dense_phase"):
                lax.fori_loop(0, nchunks // 2, pair_body, 0)
                for b, (vbuf, isem, osem) in enumerate(dbufs):
                    pltpu.make_async_copy(vbuf, out_hbm.at[pl.ds(dst0, _CH)],
                                          osem).wait()


def _sc_gather(img2d, idx, dense):
    mesh = plsc.VectorSubcoreMesh(core_axis_name="c", subcore_axis_name="s")
    return pl.kernel(
        _sc_gather_body,
        out_type=jax.ShapeDtypeStruct((_I * 21 * _N,), jnp.float32),
        mesh=mesh,
        compiler_params=pltpu.CompilerParams(needs_layout_passes=False),
        scratch_types=[
            pltpu.VMEM((_PLANE + 128,), jnp.float32),
            pltpu.VMEM((_CH,), jnp.int32),
            pltpu.VMEM((_CH,), jnp.int32),
            pltpu.VMEM((_CH,), jnp.float32),
            pltpu.VMEM((_CH,), jnp.float32),
            pltpu.VMEM((_CH,), jnp.float32),
            pltpu.VMEM((_CH,), jnp.float32),
            pltpu.SemaphoreType.DMA,
            pltpu.SemaphoreType.DMA,
            pltpu.SemaphoreType.DMA,
            pltpu.SemaphoreType.DMA,
        ],
    )(img2d, idx, dense)


def kernel(images, transformations, T_cw, coordinates):
    B, I, C, H, W = images.shape
    _, _, Xd, Zd, Yd = coordinates.shape
    coords = coordinates.reshape(3, _N)
    tr = transformations.reshape(I, 12)
    tcw = T_cw.reshape(I, 16)
    idx, dense = _tc_project(tr, tcw, coords)
    img1d = images.reshape(I * C * H * W)
    out = _sc_gather(img1d, idx.reshape(-1), dense.reshape(-1))
    input_grid = out.reshape(B, I, 21, Xd, Zd, Yd)
    return (input_grid, coordinates)

# --- scband reference (transcript-rebuilt; emitter-appended) ---
"""Pipeline reference for scband-base-smear-70549132804587 (READ-ONLY COPY).

The authoritative reference and input builder live on the scoring server;
editing this copy changes nothing except your own understanding.
"""

import jax, jax.numpy as jnp
import numpy as np


def setup_inputs(seed: int = 0) -> dict:
    key = jax.random.key(seed)
    k1, k2, k3, k4 = jax.random.split(key, 4)
    images = jax.random.normal(k1, (1, 8, 16, 256, 256), dtype=jnp.float32)
    transformations = jax.random.normal(k2, (1, 8, 3, 4), dtype=jnp.float32)
    T_cw = jax.random.normal(k3, (1, 8, 4, 4), dtype=jnp.float32)
    coordinates = jax.random.normal(k4, (1, 3, 64, 64, 64), dtype=jnp.float32)
    return {"images": images, "transformations": transformations, "T_cw": T_cw, "coordinates": coordinates}


def _project(coordinates, images, transformations, T_cw):
    # batch_project_voxel_grid_to_images_seperate equivalent (nearest sampling)
    B, I, C, H, W = images.shape
    _, _, Xd, Zd, Yd = coordinates.shape
    N = Xd * Zd * Yd
    pts = coordinates.reshape(B, 3, N)
    ones = jnp.ones((B, 1, N), dtype=pts.dtype)
    homog = jnp.concatenate([pts, ones], axis=1)  # [B,4,N]
    proj = jnp.einsum('bikl,bln->bikn', transformations, homog)  # [B,I,3,N]
    z = proj[:, :, 2, :]
    z_safe = jnp.where(jnp.abs(z) < 1e-8, 1e-8, z)
    u = proj[:, :, 0, :] / z_safe
    v = proj[:, :, 1, :] / z_safe
    ui = jnp.round(u).astype(jnp.int32)
    vi = jnp.round(v).astype(jnp.int32)
    valid = (ui >= 0) & (ui < W) & (vi >= 0) & (vi < H) & (z > 1e-8)
    uc = jnp.clip(ui, 0, W - 1)
    vc = jnp.clip(vi, 0, H - 1)
    flat = vc * W + uc  # [B,I,N]
    img_flat = images.reshape(B, I, C, H * W)
    idx = jnp.broadcast_to(flat[:, :, None, :], (B, I, C, N))
    sampled = jnp.take_along_axis(img_flat, idx, axis=3)  # gather [B,I,C,N]
    validf = valid.astype(images.dtype)
    sampled = sampled * validf[:, :, None, :]
    cam = jnp.einsum('bikl,bln->bikn', T_cw, homog)  # [B,I,4,N]
    depth = cam[:, :, 2:3, :]  # [B,I,1,N]
    Rm = T_cw[:, :, :3, :3]
    t = T_cw[:, :, :3, 3]
    cam_center = -jnp.einsum('bikl,bik->bil', Rm, t)  # [B,I,3] camera center in world
    dirv = pts[:, None, :, :] - cam_center[:, :, :, None]  # [B,I,3,N]
    nrm = jnp.linalg.norm(dirv, axis=2, keepdims=True)
    dirn = dirv / jnp.maximum(nrm, 1e-8)
    rs = lambda a: a.reshape(B, I, -1, Xd, Zd, Yd)
    return rs(sampled), rs(depth), rs(validf[:, :, None, :]), rs(dirn)


def reference(images, transformations, T_cw, coordinates):
    input_grid, projected_depth, validity_indicator, viewing_direction = _project(
        coordinates, images, transformations, T_cw)
    # config: add_projected_depth=True, add_validity_indicator=True, add_viewing_directing=True
    input_grid = jnp.concatenate([input_grid, projected_depth], axis=-4)
    input_grid = jnp.concatenate([input_grid, validity_indicator], axis=-4)
    input_grid = jnp.concatenate([input_grid, viewing_direction], axis=-4)
    return (input_grid, coordinates)

if __name__ == "__main__":
    import jax
    _d = setup_inputs()
    print(jax.jit(kernel)(*tuple(_d.values())))

</pallas_src>

<mosaic_0001>
#map = affine_map<(d0, d1) -> (0)>
module attributes {stable_mosaic.version = 14 : i64} {
  func.func @_sc_gather_body(%arg0: i32, %arg1: i32, %arg2: memref<8388608xf32, #tpu.memory_space<hbm>>, %arg3: memref<2097152xi32, #tpu.memory_space<hbm>>, %arg4: memref<10485760xf32, #tpu.memory_space<hbm>>, %arg5: memref<44040192xf32, #tpu.memory_space<hbm>>, %arg6: memref<65664xf32, #tpu.memory_space<vmem>>, %arg7: memref<8192xi32, #tpu.memory_space<vmem>>, %arg8: memref<8192xi32, #tpu.memory_space<vmem>>, %arg9: memref<8192xf32, #tpu.memory_space<vmem>>, %arg10: memref<8192xf32, #tpu.memory_space<vmem>>, %arg11: memref<8192xf32, #tpu.memory_space<vmem>>, %arg12: memref<8192xf32, #tpu.memory_space<vmem>>, %arg13: memref<!tpu.dma_semaphore, #tpu.memory_space<semaphore_mem>>, %arg14: memref<!tpu.dma_semaphore, #tpu.memory_space<semaphore_mem>>, %arg15: memref<!tpu.dma_semaphore, #tpu.memory_space<semaphore_mem>>, %arg16: memref<!tpu.dma_semaphore, #tpu.memory_space<semaphore_mem>>) attributes {dimension_semantics = [#tpu.dimension_semantics<core_parallel>, #tpu.dimension_semantics<subcore_parallel>], iteration_bounds = array<i64: 2, 16>, scalar_prefetch = 0 : i64, scratch_operands = 11 : i64, tpu.core_type = #tpu.core_type<sc_vector_subcore>, window_params = [{transform_indices = #map}, {transform_indices = #map}, {transform_indices = #map}, {transform_indices = #map}]} {
    %mul3A = arith.constant 2 : i32
    %mul3A_0 = arith.muli %arg1, %mul3A : i32
    %add3A = arith.addi %mul3A_0, %arg0 : i32
    %mul3A_1 = arith.constant 4 : i32
    %mul3A_2 = arith.muli %add3A, %mul3A_1 : i32
    %add3A_3 = arith.constant 0 : i32
    %add3A_4 = arith.addi %mul3A_2, %add3A_3 : i32
    %jit3A = arith.constant 16 : i32
    %div3A = arith.divsi %add3A_4, %jit3A : i32
    %sign3A = arith.constant 0 : i32
    %sign3A_5 = arith.cmpi sgt, %add3A_4, %sign3A : i32
    %sign3A_6 = arith.extui %sign3A_5 : i1 to i32
    %sign3A_7 = arith.constant 0 : i32
    %sign3A_8 = arith.cmpi slt, %add3A_4, %sign3A_7 : i32
    %sign3A_9 = arith.extui %sign3A_8 : i1 to i32
    %sign3A_10 = arith.subi %sign3A_6, %sign3A_9 : i32
    %sign3A_11 = arith.constant 0 : i32
    %sign3A_12 = arith.cmpi sgt, %jit3A, %sign3A_11 : i32
    %sign3A_13 = arith.extui %sign3A_12 : i1 to i32
    %sign3A_14 = arith.constant 0 : i32
    %sign3A_15 = arith.cmpi slt, %jit3A, %sign3A_14 : i32
    %sign3A_16 = arith.extui %sign3A_15 : i1 to i32
    %sign3A_17 = arith.subi %sign3A_13, %sign3A_16 : i32
    %ne3A = arith.cmpi ne, %sign3A_10, %sign3A_17 : i32
    %rem3A = arith.remsi %add3A_4, %jit3A : i32
    %ne3A_18 = arith.constant 0 : i32
    %ne3A_19 = arith.cmpi ne, %rem3A, %ne3A_18 : i32
    %and3A = arith.andi %ne3A, %ne3A_19 : i1
    %sub3A = arith.constant 1 : i32
    %sub3A_20 = arith.subi %div3A, %sub3A : i32
    %select_n3A = arith.select %and3A, %sub3A_20, %div3A : i32
    %rem3A_21 = arith.constant 16 : i32
    %rem3A_22 = arith.remsi %add3A_4, %rem3A_21 : i32
    %mul3A_23 = arith.constant 262144 : i32
    %mul3A_24 = arith.muli %select_n3A, %mul3A_23 : i32
    %mul3A_25 = arith.constant 21 : i32
    %mul3A_26 = arith.muli %select_n3A, %mul3A_25 : i32
    %add3A_27 = arith.addi %mul3A_26, %rem3A_22 : i32
    %mul3A_28 = arith.constant 262144 : i32
    %mul3A_29 = arith.muli %add3A_27, %mul3A_28 : i32
    %dma_start3A = tpu.memref_slice %arg3[%mul3A_24] : memref<2097152xi32, #tpu.memory_space<hbm>> -> memref<8192xi32, #tpu.memory_space<hbm>>
    %dma_start3A_30 = tpu.memref_slice %arg3[%mul3A_24] : memref<2097152xi32, #tpu.memory_space<hbm>> -> memref<8192xi32, #tpu.memory_space<hbm>>
    tpu.enqueue_dma source(%dma_start3A_30 : memref<8192xi32, #tpu.memory_space<hbm>>) target(%arg7 : memref<8192xi32, #tpu.memory_space<vmem>>) target_semaphore(%arg13 : memref<!tpu.dma_semaphore, #tpu.memory_space<semaphore_mem>>)
    %add3A_31 = arith.constant 8192 : i32
    %add3A_32 = arith.addi %mul3A_24, %add3A_31 : i32
    %dma_start3A_33 = tpu.memref_slice %arg3[%add3A_32] : memref<2097152xi32, #tpu.memory_space<hbm>> -> memref<8192xi32, #tpu.memory_space<hbm>>
    %dma_start3A_34 = tpu.memref_slice %arg3[%add3A_32] : memref<2097152xi32, #tpu.memory_space<hbm>> -> memref<8192xi32, #tpu.memory_space<hbm>>
    tpu.enqueue_dma source(%dma_start3A_34 : memref<8192xi32, #tpu.memory_space<hbm>>) target(%arg8 : memref<8192xi32, #tpu.memory_space<vmem>>) target_semaphore(%arg14 : memref<!tpu.dma_semaphore, #tpu.memory_space<semaphore_mem>>)
    "tpu.trace_start"() <{level = 10 : i32, message = "plane_load"}> : () -> ()
    %mul3A_35 = arith.constant 65536 : i32
    %mul3A_36 = arith.muli %add3A_4, %mul3A_35 : i32
    "tpu.region"() ({
      %run_scoped3A = tpu.sem_alloc : memref<!tpu.dma_semaphore, #tpu.memory_space<semaphore_mem>>
      %dma_start3A_239 = arith.constant 0 : i32
      %dma_start3A_240 = tpu.memref_slice %arg6[%dma_start3A_239] : memref<65664xf32, #tpu.memory_space<vmem>> -> memref<65536xf32, #tpu.memory_space<vmem>>
      %dma_start3A_241 = tpu.memref_slice %arg2[%mul3A_36] : memref<8388608xf32, #tpu.memory_space<hbm>> -> memref<65536xf32, #tpu.memory_space<hbm>>
      %dma_start3A_242 = arith.constant 0 : i32
      %dma_start3A_243 = tpu.memref_slice %arg6[%dma_start3A_242] : memref<65664xf32, #tpu.memory_space<vmem>> -> memref<65536xf32, #tpu.memory_space<vmem>>
      %dma_start3A_244 = tpu.memref_slice %arg2[%mul3A_36] : memref<8388608xf32, #tpu.memory_space<hbm>> -> memref<65536xf32, #tpu.memory_space<hbm>>
      tpu.enqueue_dma source(%dma_start3A_244 : memref<65536xf32, #tpu.memory_space<hbm>>) target(%dma_start3A_243 : memref<65536xf32, #tpu.memory_space<vmem>>) target_semaphore(%run_scoped3A : memref<!tpu.dma_semaphore, #tpu.memory_space<semaphore_mem>>)
      %dma_wait3A_245 = arith.constant 0 : i32
      %dma_wait3A_246 = tpu.memref_slice %arg6[%dma_wait3A_245] : memref<65664xf32, #tpu.memory_space<vmem>> -> memref<65536xf32, #tpu.memory_space<vmem>>
      %dma_wait3A_247 = tpu.memref_slice %arg2[%mul3A_36] : memref<8388608xf32, #tpu.memory_space<hbm>> -> memref<65536xf32, #tpu.memory_space<hbm>>
      %dma_wait3A_248 = arith.constant 0 : i32
      %dma_wait3A_249 = tpu.memref_slice %arg6[%dma_wait3A_248] : memref<65664xf32, #tpu.memory_space<vmem>> -> memref<65536xf32, #tpu.memory_space<vmem>>
      %dma_wait3A_250 = tpu.memref_slice %arg2[%mul3A_36] : memref<8388608xf32, #tpu.memory_space<hbm>> -> memref<65536xf32, #tpu.memory_space<hbm>>
      tpu.wait_dma2 semaphore(%run_scoped3A : memref<!tpu.dma_semaphore, #tpu.memory_space<semaphore_mem>>) src(%dma_wait3A_250 : memref<65536xf32, #tpu.memory_space<hbm>>) dst(%dma_wait3A_249 : memref<65536xf32, #tpu.memory_space<vmem>>)
      tpu.yield
    }) : () -> ()
    %broadcast_in_dim3A = arith.constant 0.000000e+00 : f32
    "tpu.trace_stop"() : () -> ()
    %broadcast_in_dim3A_37 = vector.broadcast %broadcast_in_dim3A : f32 to vector<16xf32>
    %swap3A = arith.constant 65536 : index
    %swap3A_38 = tpu.vector_load %arg6[%swap3A] {strides = array<i32>} : memref<65664xf32, #tpu.memory_space<vmem>>, vector<16xf32>,
    tpu.vector_store %arg6[%swap3A], %broadcast_in_dim3A_37 {strides = array<i32>} : memref<65664xf32, #tpu.memory_space<vmem>>, vector<16xf32>,
    "tpu.trace_start"() <{level = 10 : i32, message = "gather_phase"}> : () -> ()
    %scan3A = arith.constant 0 : i32
    %scan3A_39 = arith.constant 0 : i32
    %scan3A_40 = arith.constant 16 : i32
    %scan3A_41 = arith.addi %scan3A_39, %scan3A_40 : i32
    %scan3A_42 = arith.constant 1 : i32
    %scan3A_43 = scf.for %scan3A_239 = %scan3A_39 to %scan3A_41 step %scan3A_42 iter_args(%scan3A_240 = %scan3A) -> (i32)  : i32 {
      %mul3A_241 = arith.constant 2 : i32
      %mul3A_242 = arith.muli %scan3A_239, %mul3A_241 : i32
      %add3A_243 = arith.constant 0 : i32
      %add3A_244 = arith.addi %mul3A_242, %add3A_243 : i32
      %mul3A_245 = arith.constant 8192 : i32
      %mul3A_246 = arith.muli %add3A_244, %mul3A_245 : i32
      %add3A_247 = arith.addi %mul3A_24, %mul3A_246 : i32
      %dma_wait3A_248 = tpu.memref_slice %arg3[%add3A_247] : memref<2097152xi32, #tpu.memory_space<hbm>> -> memref<8192xi32, #tpu.memory_space<hbm>>
      %dma_wait3A_249 = tpu.memref_slice %arg3[%add3A_247] : memref<2097152xi32, #tpu.memory_space<hbm>> -> memref<8192xi32, #tpu.memory_space<hbm>>
      tpu.wait_dma2 semaphore(%arg13 : memref<!tpu.dma_semaphore, #tpu.memory_space<semaphore_mem>>) src(%dma_wait3A_249 : memref<8192xi32, #tpu.memory_space<hbm>>) dst(%arg7 : memref<8192xi32, #tpu.memory_space<vmem>>)
      %gt3A = arith.constant 0 : i32
      %gt3A_250 = arith.cmpi sgt, %scan3A_239, %gt3A : i32
      %convert_element_type3A_251 = arith.extui %gt3A_250 : i1 to i32
      %cond3A_252 = arith.constant 0 : i32
      %cond3A_253 = arith.cmpi ne, %convert_element_type3A_251, %cond3A_252 : i32
      scf.if %cond3A_253 {
        %add3A_294 = arith.addi %mul3A_29, %mul3A_246 : i32
        %dma_wait3A_295 = tpu.memref_slice %arg5[%add3A_294] : memref<44040192xf32, #tpu.memory_space<hbm>> -> memref<8192xf32, #tpu.memory_space<hbm>>
        %dma_wait3A_296 = tpu.memref_slice %arg5[%add3A_294] : memref<44040192xf32, #tpu.memory_space<hbm>> -> memref<8192xf32, #tpu.memory_space<hbm>>
        tpu.wait_dma2 semaphore(%arg15 : memref<!tpu.dma_semaphore, #tpu.memory_space<semaphore_mem>>) src(%arg9 : memref<8192xf32, #tpu.memory_space<vmem>>) dst(%dma_wait3A_296 : memref<8192xf32, #tpu.memory_space<hbm>>)
      } else {
      }
      %parallel_loop3A = arith.constant 0 : i32
      %parallel_loop3A_254 = arith.constant 512 : i32
      %parallel_loop3A_255 = arith.constant 1 : i32
      scf.for %parallel_loop3A_294 = %parallel_loop3A to %parallel_loop3A_254 step %parallel_loop3A_255  : i32 {
        %parallel_loop3A_295 = arith.constant 16 : i32
        %parallel_loop3A_296 = arith.muli %parallel_loop3A_294, %parallel_loop3A_295 : i32
        %parallel_loop3A_297 = arith.index_cast %parallel_loop3A_296 : i32 to index
        %parallel_loop3A_298 = tpu.vector_load %arg7[%parallel_loop3A_297] {strides = array<i32>} : memref<8192xi32, #tpu.memory_space<vmem>>, vector<16xi32>,
        %parallel_loop3A_299 = tpu.vector_load_idx %arg6[%parallel_loop3A_298] : memref<65664xf32, #tpu.memory_space<vmem>>[vector<16xi32>], vector<16xf32>,
        %parallel_loop3A_300 = arith.constant 16 : i32
        %parallel_loop3A_301 = arith.muli %parallel_loop3A_294, %parallel_loop3A_300 : i32
        %parallel_loop3A_302 = arith.index_cast %parallel_loop3A_301 : i32 to index
        %parallel_loop3A_303 = tpu.vector_load %arg9[%parallel_loop3A_302] {strides = array<i32>} : memref<8192xf32, #tpu.memory_space<vmem>>, vector<16xf32>,
        tpu.vector_store %arg9[%parallel_loop3A_302], %parallel_loop3A_299 {strides = array<i32>} : memref<8192xf32, #tpu.memory_space<vmem>>, vector<16xf32>,
      } {sc.loop_unroll_factor = 8 : i64, sc.parallel_access}
      %add3A_256 = arith.constant 2 : i32
      %add3A_257 = arith.addi %add3A_244, %add3A_256 : i32
      %lt3A_258 = arith.constant 32 : i32
      %lt3A_259 = arith.cmpi slt, %add3A_257, %lt3A_258 : i32
      %convert_element_type3A_260 = arith.extui %lt3A_259 : i1 to i32
      %cond3A_261 = arith.constant 0 : i32
      %cond3A_262 = arith.cmpi ne, %convert_element_type3A_260, %cond3A_261 : i32
      scf.if %cond3A_262 {
        %add3A_294 = arith.addi %mul3A_24, %mul3A_246 : i32
        %add3A_295 = arith.constant 16384 : i32
        %add3A_296 = arith.addi %add3A_294, %add3A_295 : i32
        %dma_start3A_297 = tpu.memref_slice %arg3[%add3A_296] : memref<2097152xi32, #tpu.memory_space<hbm>> -> memref<8192xi32, #tpu.memory_space<hbm>>
        %dma_start3A_298 = tpu.memref_slice %arg3[%add3A_296] : memref<2097152xi32, #tpu.memory_space<hbm>> -> memref<8192xi32, #tpu.memory_space<hbm>>
        tpu.enqueue_dma source(%dma_start3A_298 : memref<8192xi32, #tpu.memory_space<hbm>>) target(%arg7 : memref<8192xi32, #tpu.memory_space<vmem>>) target_semaphore(%arg13 : memref<!tpu.dma_semaphore, #tpu.memory_space<semaphore_mem>>)
      } else {
      }
      %add3A_263 = arith.addi %mul3A_29, %mul3A_246 : i32
      %dma_start3A_264 = tpu.memref_slice %arg5[%add3A_263] : memref<44040192xf32, #tpu.memory_space<hbm>> -> memref<8192xf32, #tpu.memory_space<hbm>>
      %dma_start3A_265 = tpu.memref_slice %arg5[%add3A_263] : memref<44040192xf32, #tpu.memory_space<hbm>> -> memref<8192xf32, #tpu.memory_space<hbm>>
      tpu.enqueue_dma source(%arg9 : memref<8192xf32, #tpu.memory_space<vmem>>) target(%dma_start3A_265 : memref<8192xf32, #tpu.memory_space<hbm>>) target_semaphore(%arg15 : memref<!tpu.dma_semaphore, #tpu.memory_space<semaphore_mem>>)
      %mul3A_266 = arith.constant 2 : i32
      %mul3A_267 = arith.muli %scan3A_239, %mul3A_266 : i32
      %add3A_268 = arith.constant 1 : i32
      %add3A_269 = arith.addi %mul3A_267, %add3A_268 : i32
      %mul3A_270 = arith.constant 8192 : i32
      %mul3A_271 = arith.muli %add3A_269, %mul3A_270 : i32
      %add3A_272 = arith.addi %mul3A_24, %mul3A_271 : i32
      %dma_wait3A_273 = tpu.memref_slice %arg3[%add3A_272] : memref<2097152xi32, #tpu.memory_space<hbm>> -> memref<8192xi32, #tpu.memory_space<hbm>>
      %dma_wait3A_274 = tpu.memref_slice %arg3[%add3A_272] : memref<2097152xi32, #tpu.memory_space<hbm>> -> memref<8192xi32, #tpu.memory_space<hbm>>
      tpu.wait_dma2 semaphore(%arg14 : memref<!tpu.dma_semaphore, #tpu.memory_space<semaphore_mem>>) src(%dma_wait3A_274 : memref<8192xi32, #tpu.memory_space<hbm>>) dst(%arg8 : memref<8192xi32, #tpu.memory_space<vmem>>)
      %gt3A_275 = arith.constant 0 : i32
      %gt3A_276 = arith.cmpi sgt, %scan3A_239, %gt3A_275 : i32
      %convert_element_type3A_277 = arith.extui %gt3A_276 : i1 to i32
      %cond3A_278 = arith.constant 0 : i32
      %cond3A_279 = arith.cmpi ne, %convert_element_type3A_277, %cond3A_278 : i32
      scf.if %cond3A_279 {
        %add3A_294 = arith.addi %mul3A_29, %mul3A_271 : i32
        %dma_wait3A_295 = tpu.memref_slice %arg5[%add3A_294] : memref<44040192xf32, #tpu.memory_space<hbm>> -> memref<8192xf32, #tpu.memory_space<hbm>>
        %dma_wait3A_296 = tpu.memref_slice %arg5[%add3A_294] : memref<44040192xf32, #tpu.memory_space<hbm>> -> memref<8192xf32, #tpu.memory_space<hbm>>
        tpu.wait_dma2 semaphore(%arg16 : memref<!tpu.dma_semaphore, #tpu.memory_space<semaphore_mem>>) src(%arg10 : memref<8192xf32, #tpu.memory_space<vmem>>) dst(%dma_wait3A_296 : memref<8192xf32, #tpu.memory_space<hbm>>)
      } else {
      }
      %parallel_loop3A_280 = arith.constant 0 : i32
      %parallel_loop3A_281 = arith.constant 512 : i32
      %parallel_loop3A_282 = arith.constant 1 : i32
      scf.for %parallel_loop3A_294 = %parallel_loop3A_280 to %parallel_loop3A_281 step %parallel_loop3A_282  : i32 {
        %parallel_loop3A_295 = arith.constant 16 : i32
        %parallel_loop3A_296 = arith.muli %parallel_loop3A_294, %parallel_loop3A_295 : i32
        %parallel_loop3A_297 = arith.index_cast %parallel_loop3A_296 : i32 to index
        %parallel_loop3A_298 = tpu.vector_load %arg8[%parallel_loop3A_297] {strides = array<i32>} : memref<8192xi32, #tpu.memory_space<vmem>>, vector<16xi32>,
        %parallel_loop3A_299 = tpu.vector_load_idx %arg6[%parallel_loop3A_298] : memref<65664xf32, #tpu.memory_space<vmem>>[vector<16xi32>], vector<16xf32>,
        %parallel_loop3A_300 = arith.constant 16 : i32
        %parallel_loop3A_301 = arith.muli %parallel_loop3A_294, %parallel_loop3A_300 : i32
        %parallel_loop3A_302 = arith.index_cast %parallel_loop3A_301 : i32 to index
        %parallel_loop3A_303 = tpu.vector_load %arg10[%parallel_loop3A_302] {strides = array<i32>} : memref<8192xf32, #tpu.memory_space<vmem>>, vector<16xf32>,
        tpu.vector_store %arg10[%parallel_loop3A_302], %parallel_loop3A_299 {strides = array<i32>} : memref<8192xf32, #tpu.memory_space<vmem>>, vector<16xf32>,
      } {sc.loop_unroll_factor = 8 : i64, sc.parallel_access}
      %add3A_283 = arith.constant 2 : i32
      %add3A_284 = arith.addi %add3A_269, %add3A_283 : i32
      %lt3A_285 = arith.constant 32 : i32
      %lt3A_286 = arith.cmpi slt, %add3A_284, %lt3A_285 : i32
      %convert_element_type3A_287 = arith.extui %lt3A_286 : i1 to i32
      %cond3A_288 = arith.constant 0 : i32
      %cond3A_289 = arith.cmpi ne, %convert_element_type3A_287, %cond3A_288 : i32
      scf.if %cond3A_289 {
        %add3A_294 = arith.addi %mul3A_24, %mul3A_271 : i32
        %add3A_295 = arith.constant 16384 : i32
        %add3A_296 = arith.addi %add3A_294, %add3A_295 : i32
        %dma_start3A_297 = tpu.memref_slice %arg3[%add3A_296] : memref<2097152xi32, #tpu.memory_space<hbm>> -> memref<8192xi32, #tpu.memory_space<hbm>>
        %dma_start3A_298 = tpu.memref_slice %arg3[%add3A_296] : memref<2097152xi32, #tpu.memory_space<hbm>> -> memref<8192xi32, #tpu.memory_space<hbm>>
        tpu.enqueue_dma source(%dma_start3A_298 : memref<8192xi32, #tpu.memory_space<hbm>>) target(%arg8 : memref<8192xi32, #tpu.memory_space<vmem>>) target_semaphore(%arg14 : memref<!tpu.dma_semaphore, #tpu.memory_space<semaphore_mem>>)
      } else {
      }
      %add3A_290 = arith.addi %mul3A_29, %mul3A_271 : i32
      %dma_start3A_291 = tpu.memref_slice %arg5[%add3A_290] : memref<44040192xf32, #tpu.memory_space<hbm>> -> memref<8192xf32, #tpu.memory_space<hbm>>
      %dma_start3A_292 = tpu.memref_slice %arg5[%add3A_290] : memref<44040192xf32, #tpu.memory_space<hbm>> -> memref<8192xf32, #tpu.memory_space<hbm>>
      tpu.enqueue_dma source(%arg10 : memref<8192xf32, #tpu.memory_space<vmem>>) target(%dma_start3A_292 : memref<8192xf32, #tpu.memory_space<hbm>>) target_semaphore(%arg16 : memref<!tpu.dma_semaphore, #tpu.memory_space<semaphore_mem>>)
      %scan3A_293 = arith.constant 0 : i32
      scf.yield %scan3A_293 : i32
    }
    %scan3A_44 = arith.constant 16 : i32
    %dma_wait3A = tpu.memref_slice %arg5[%mul3A_29] : memref<44040192xf32, #tpu.memory_space<hbm>> -> memref<8192xf32, #tpu.memory_space<hbm>>
    %dma_wait3A_45 = tpu.memref_slice %arg5[%mul3A_29] : memref<44040192xf32, #tpu.memory_space<hbm>> -> memref<8192xf32, #tpu.memory_space<hbm>>
    tpu.wait_dma2 semaphore(%arg15 : memref<!tpu.dma_semaphore, #tpu.memory_space<semaphore_mem>>) src(%arg9 : memref<8192xf32, #tpu.memory_space<vmem>>) dst(%dma_wait3A_45 : memref<8192xf32, #tpu.memory_space<hbm>>)
    %dma_wait3A_46 = tpu.memref_slice %arg5[%mul3A_29] : memref<44040192xf32, #tpu.memory_space<hbm>> -> memref<8192xf32, #tpu.memory_space<hbm>>
    %dma_wait3A_47 = tpu.memref_slice %arg5[%mul3A_29] : memref<44040192xf32, #tpu.memory_space<hbm>> -> memref<8192xf32, #tpu.memory_space<hbm>>
    tpu.wait_dma2 semaphore(%arg16 : memref<!tpu.dma_semaphore, #tpu.memory_space<semaphore_mem>>) src(%arg10 : memref<8192xf32, #tpu.memory_space<vmem>>) dst(%dma_wait3A_47 : memref<8192xf32, #tpu.memory_space<hbm>>)
    "tpu.trace_stop"() : () -> ()
    %mul3A_48 = arith.constant 4 : i32
    %mul3A_49 = arith.muli %add3A, %mul3A_48 : i32
    %add3A_50 = arith.constant 1 : i32
    %add3A_51 = arith.addi %mul3A_49, %add3A_50 : i32
    %jit3A_52 = arith.constant 16 : i32
    %div3A_53 = arith.divsi %add3A_51, %jit3A_52 : i32
    %sign3A_54 = arith.constant 0 : i32
    %sign3A_55 = arith.cmpi sgt, %add3A_51, %sign3A_54 : i32
    %sign3A_56 = arith.extui %sign3A_55 : i1 to i32
    %sign3A_57 = arith.constant 0 : i32
    %sign3A_58 = arith.cmpi slt, %add3A_51, %sign3A_57 : i32
    %sign3A_59 = arith.extui %sign3A_58 : i1 to i32
    %sign3A_60 = arith.subi %sign3A_56, %sign3A_59 : i32
    %sign3A_61 = arith.constant 0 : i32
    %sign3A_62 = arith.cmpi sgt, %jit3A_52, %sign3A_61 : i32
    %sign3A_63 = arith.extui %sign3A_62 : i1 to i32
    %sign3A_64 = arith.constant 0 : i32
    %sign3A_65 = arith.cmpi slt, %jit3A_52, %sign3A_64 : i32
    %sign3A_66 = arith.extui %sign3A_65 : i1 to i32
    %sign3A_67 = arith.subi %sign3A_63, %sign3A_66 : i32
    %ne3A_68 = arith.cmpi ne, %sign3A_60, %sign3A_67 : i32
    %rem3A_69 = arith.remsi %add3A_51, %jit3A_52 : i32
    %ne3A_70 = arith.constant 0 : i32
    %ne3A_71 = arith.cmpi ne, %rem3A_69, %ne3A_70 : i32
    %and3A_72 = arith.andi %ne3A_68, %ne3A_71 : i1
    %sub3A_73 = arith.constant 1 : i32
    %sub3A_74 = arith.subi %div3A_53, %sub3A_73 : i32
    %select_n3A_75 = arith.select %and3A_72, %sub3A_74, %div3A_53 : i32
    %rem3A_76 = arith.constant 16 : i32
    %rem3A_77 = arith.remsi %add3A_51, %rem3A_76 : i32
    %mul3A_78 = arith.constant 262144 : i32
    %mul3A_79 = arith.muli %select_n3A_75, %mul3A_78 : i32
    %mul3A_80 = arith.constant 21 : i32
    %mul3A_81 = arith.muli %select_n3A_75, %mul3A_80 : i32
    %add3A_82 = arith.addi %mul3A_81, %rem3A_77 : i32
    %mul3A_83 = arith.constant 262144 : i32
    %mul3A_84 = arith.muli %add3A_82, %mul3A_83 : i32
    %dma_start3A_85 = tpu.memref_slice %arg3[%mul3A_79] : memref<2097152xi32, #tpu.memory_space<hbm>> -> memref<8192xi32, #tpu.memory_space<hbm>>
    %dma_start3A_86 = tpu.memref_slice %arg3[%mul3A_79] : memref<2097152xi32, #tpu.memory_space<hbm>> -> memref<8192xi32, #tpu.memory_space<hbm>>
    tpu.enqueue_dma source(%dma_start3A_86 : memref<8192xi32, #tpu.memory_space<hbm>>) target(%arg7 : memref<8192xi32, #tpu.memory_space<vmem>>) target_semaphore(%arg13 : memref<!tpu.dma_semaphore, #tpu.memory_space<semaphore_mem>>)
    %add3A_87 = arith.constant 8192 : i32
    %add3A_88 = arith.addi %mul3A_79, %add3A_87 : i32
    %dma_start3A_89 = tpu.memref_slice %arg3[%add3A_88] : memref<2097152xi32, #tpu.memory_space<hbm>> -> memref<8192xi32, #tpu.memory_space<hbm>>
    %dma_start3A_90 = tpu.memref_slice %arg3[%add3A_88] : memref<2097152xi32, #tpu.memory_space<hbm>> -> memref<8192xi32, #tpu.memory_space<hbm>>
    tpu.enqueue_dma source(%dma_start3A_90 : memref<8192xi32, #tpu.memory_space<hbm>>) target(%arg8 : memref<8192xi32, #tpu.memory_space<vmem>>) target_semaphore(%arg14 : memref<!tpu.dma_semaphore, #tpu.memory_space<semaphore_mem>>)
    "tpu.trace_start"() <{level = 10 : i32, message = "plane_load"}> : () -> ()
    %mul3A_91 = arith.constant 65536 : i32
    %mul3A_92 = arith.muli %add3A_51, %mul3A_91 : i32
    "tpu.region"() ({
      %run_scoped3A = tpu.sem_alloc : memref<!tpu.dma_semaphore, #tpu.memory_space<semaphore_mem>>
      %dma_start3A_239 = arith.constant 0 : i32
      %dma_start3A_240 = tpu.memref_slice %arg6[%dma_start3A_239] : memref<65664xf32, #tpu.memory_space<vmem>> -> memref<65536xf32, #tpu.memory_space<vmem>>
      %dma_start3A_241 = tpu.memref_slice %arg2[%mul3A_92] : memref<8388608xf32, #tpu.memory_space<hbm>> -> memref<65536xf32, #tpu.memory_space<hbm>>
      %dma_start3A_242 = arith.constant 0 : i32
      %dma_start3A_243 = tpu.memref_slice %arg6[%dma_start3A_242] : memref<65664xf32, #tpu.memory_space<vmem>> -> memref<65536xf32, #tpu.memory_space<vmem>>
      %dma_start3A_244 = tpu.memref_slice %arg2[%mul3A_92] : memref<8388608xf32, #tpu.memory_space<hbm>> -> memref<65536xf32, #tpu.memory_space<hbm>>
      tpu.enqueue_dma source(%dma_start3A_244 : memref<65536xf32, #tpu.memory_space<hbm>>) target(%dma_start3A_243 : memref<65536xf32, #tpu.memory_space<vmem>>) target_semaphore(%run_scoped3A : memref<!tpu.dma_semaphore, #tpu.memory_space<semaphore_mem>>)
      %dma_wait3A_245 = arith.constant 0 : i32
      %dma_wait3A_246 = tpu.memref_slice %arg6[%dma_wait3A_245] : memref<65664xf32, #tpu.memory_space<vmem>> -> memref<65536xf32, #tpu.memory_space<vmem>>
      %dma_wait3A_247 = tpu.memref_slice %arg2[%mul3A_92] : memref<8388608xf32, #tpu.memory_space<hbm>> -> memref<65536xf32, #tpu.memory_space<hbm>>
      %dma_wait3A_248 = arith.constant 0 : i32
      %dma_wait3A_249 = tpu.memref_slice %arg6[%dma_wait3A_248] : memref<65664xf32, #tpu.memory_space<vmem>> -> memref<65536xf32, #tpu.memory_space<vmem>>
      %dma_wait3A_250 = tpu.memref_slice %arg2[%mul3A_92] : memref<8388608xf32, #tpu.memory_space<hbm>> -> memref<65536xf32, #tpu.memory_space<hbm>>
      tpu.wait_dma2 semaphore(%run_scoped3A : memref<!tpu.dma_semaphore, #tpu.memory_space<semaphore_mem>>) src(%dma_wait3A_250 : memref<65536xf32, #tpu.memory_space<hbm>>) dst(%dma_wait3A_249 : memref<65536xf32, #tpu.memory_space<vmem>>)
      tpu.yield
    }) : () -> ()
    %broadcast_in_dim3A_93 = arith.constant 0.000000e+00 : f32
    "tpu.trace_stop"() : () -> ()
    %broadcast_in_dim3A_94 = vector.broadcast %broadcast_in_dim3A_93 : f32 to vector<16xf32>
    %swap3A_95 = arith.constant 65536 : index
    %swap3A_96 = tpu.vector_load %arg6[%swap3A_95] {strides = array<i32>} : memref<65664xf32, #tpu.memory_space<vmem>>, vector<16xf32>,
    tpu.vector_store %arg6[%swap3A_95], %broadcast_in_dim3A_94 {strides = array<i32>} : memref<65664xf32, #tpu.memory_space<vmem>>, vector<16xf32>,
    "tpu.trace_start"() <{level = 10 : i32, message = "gather_phase"}> : () -> ()
    %scan3A_97 = arith.constant 0 : i32
    %scan3A_98 = arith.constant 0 : i32
    %scan3A_99 = arith.constant 16 : i32
    %scan3A_100 = arith.addi %scan3A_98, %scan3A_99 : i32
    %scan3A_101 = arith.constant 1 : i32
    %scan3A_102 = scf.for %scan3A_239 = %scan3A_98 to %scan3A_100 step %scan3A_101 iter_args(%scan3A_240 = %scan3A_97) -> (i32)  : i32 {
      %mul3A_241 = arith.constant 2 : i32
      %mul3A_242 = arith.muli %scan3A_239, %mul3A_241 : i32
      %add3A_243 = arith.constant 0 : i32
      %add3A_244 = arith.addi %mul3A_242, %add3A_243 : i32
      %mul3A_245 = arith.constant 8192 : i32
      %mul3A_246 = arith.muli %add3A_244, %mul3A_245 : i32
      %add3A_247 = arith.addi %mul3A_79, %mul3A_246 : i32
      %dma_wait3A_248 = tpu.memref_slice %arg3[%add3A_247] : memref<2097152xi32, #tpu.memory_space<hbm>> -> memref<8192xi32, #tpu.memory_space<hbm>>
      %dma_wait3A_249 = tpu.memref_slice %arg3[%add3A_247] : memref<2097152xi32, #tpu.memory_space<hbm>> -> memref<8192xi32, #tpu.memory_space<hbm>>
      tpu.wait_dma2 semaphore(%arg13 : memref<!tpu.dma_semaphore, #tpu.memory_space<semaphore_mem>>) src(%dma_wait3A_249 : memref<8192xi32, #tpu.memory_space<hbm>>) dst(%arg7 : memref<8192xi32, #tpu.memory_space<vmem>>)
      %gt3A = arith.constant 0 : i32
      %gt3A_250 = arith.cmpi sgt, %scan3A_239, %gt3A : i32
      %convert_element_type3A_251 = arith.extui %gt3A_250 : i1 to i32
      %cond3A_252 = arith.constant 0 : i32
      %cond3A_253 = arith.cmpi ne, %convert_element_type3A_251, %cond3A_252 : i32
      scf.if %cond3A_253 {
        %add3A_294 = arith.addi %mul3A_84, %mul3A_246 : i32
        %dma_wait3A_295 = tpu.memref_slice %arg5[%add3A_294] : memref<44040192xf32, #tpu.memory_space<hbm>> -> memref<8192xf32, #tpu.memory_space<hbm>>
        %dma_wait3A_296 = tpu.memref_slice %arg5[%add3A_294] : memref<44040192xf32, #tpu.memory_space<hbm>> -> memref<8192xf32, #tpu.memory_space<hbm>>
        tpu.wait_dma2 semaphore(%arg15 : memref<!tpu.dma_semaphore, #tpu.memory_space<semaphore_mem>>) src(%arg9 : memref<8192xf32, #tpu.memory_space<vmem>>) dst(%dma_wait3A_296 : memref<8192xf32, #tpu.memory_space<hbm>>)
      } else {
      }
      %parallel_loop3A = arith.constant 0 : i32
      %parallel_loop3A_254 = arith.constant 512 : i32
      %parallel_loop3A_255 = arith.constant 1 : i32
      scf.for %parallel_loop3A_294 = %parallel_loop3A to %parallel_loop3A_254 step %parallel_loop3A_255  : i32 {
        %parallel_loop3A_295 = arith.constant 16 : i32
        %parallel_loop3A_296 = arith.muli %parallel_loop3A_294, %parallel_loop3A_295 : i32
        %parallel_loop3A_297 = arith.index_cast %parallel_loop3A_296 : i32 to index
        %parallel_loop3A_298 = tpu.vector_load %arg7[%parallel_loop3A_297] {strides = array<i32>} : memref<8192xi32, #tpu.memory_space<vmem>>, vector<16xi32>,
        %parallel_loop3A_299 = tpu.vector_load_idx %arg6[%parallel_loop3A_298] : memref<65664xf32, #tpu.memory_space<vmem>>[vector<16xi32>], vector<16xf32>,
        %parallel_loop3A_300 = arith.constant 16 : i32
        %parallel_loop3A_301 = arith.muli %parallel_loop3A_294, %parallel_loop3A_300 : i32
        %parallel_loop3A_302 = arith.index_cast %parallel_loop3A_301 : i32 to index
        %parallel_loop3A_303 = tpu.vector_load %arg9[%parallel_loop3A_302] {strides = array<i32>} : memref<8192xf32, #tpu.memory_space<vmem>>, vector<16xf32>,
        tpu.vector_store %arg9[%parallel_loop3A_302], %parallel_loop3A_299 {strides = array<i32>} : memref<8192xf32, #tpu.memory_space<vmem>>, vector<16xf32>,
      } {sc.loop_unroll_factor = 8 : i64, sc.parallel_access}
      %add3A_256 = arith.constant 2 : i32
      %add3A_257 = arith.addi %add3A_244, %add3A_256 : i32
      %lt3A_258 = arith.constant 32 : i32
      %lt3A_259 = arith.cmpi slt, %add3A_257, %lt3A_258 : i32
      %convert_element_type3A_260 = arith.extui %lt3A_259 : i1 to i32
      %cond3A_261 = arith.constant 0 : i32
      %cond3A_262 = arith.cmpi ne, %convert_element_type3A_260, %cond3A_261 : i32
      scf.if %cond3A_262 {
        %add3A_294 = arith.addi %mul3A_79, %mul3A_246 : i32
        %add3A_295 = arith.constant 16384 : i32
        %add3A_296 = arith.addi %add3A_294, %add3A_295 : i32
        %dma_start3A_297 = tpu.memref_slice %arg3[%add3A_296] : memref<2097152xi32, #tpu.memory_space<hbm>> -> memref<8192xi32, #tpu.memory_space<hbm>>
        %dma_start3A_298 = tpu.memref_slice %arg3[%add3A_296] : memref<2097152xi32, #tpu.memory_space<hbm>> -> memref<8192xi32, #tpu.memory_space<hbm>>
        tpu.enqueue_dma source(%dma_start3A_298 : memref<8192xi32, #tpu.memory_space<hbm>>) target(%arg7 : memref<8192xi32, #tpu.memory_space<vmem>>) target_semaphore(%arg13 : memref<!tpu.dma_semaphore, #tpu.memory_space<semaphore_mem>>)
      } else {
      }
      %add3A_263 = arith.addi %mul3A_84, %mul3A_246 : i32
      %dma_start3A_264 = tpu.memref_slice %arg5[%add3A_263] : memref<44040192xf32, #tpu.memory_space<hbm>> -> memref<8192xf32, #tpu.memory_space<hbm>>
      %dma_start3A_265 = tpu.memref_slice %arg5[%add3A_263] : memref<44040192xf32, #tpu.memory_space<hbm>> -> memref<8192xf32, #tpu.memory_space<hbm>>
      tpu.enqueue_dma source(%arg9 : memref<8192xf32, #tpu.memory_space<vmem>>) target(%dma_start3A_265 : memref<8192xf32, #tpu.memory_space<hbm>>) target_semaphore(%arg15 : memref<!tpu.dma_semaphore, #tpu.memory_space<semaphore_mem>>)
      %mul3A_266 = arith.constant 2 : i32
      %mul3A_267 = arith.muli %scan3A_239, %mul3A_266 : i32
      %add3A_268 = arith.constant 1 : i32
      %add3A_269 = arith.addi %mul3A_267, %add3A_268 : i32
      %mul3A_270 = arith.constant 8192 : i32
      %mul3A_271 = arith.muli %add3A_269, %mul3A_270 : i32
      %add3A_272 = arith.addi %mul3A_79, %mul3A_271 : i32
      %dma_wait3A_273 = tpu.memref_slice %arg3[%add3A_272] : memref<2097152xi32, #tpu.memory_space<hbm>> -> memref<8192xi32, #tpu.memory_space<hbm>>
      %dma_wait3A_274 = tpu.memref_slice %arg3[%add3A_272] : memref<2097152xi32, #tpu.memory_space<hbm>> -> memref<8192xi32, #tpu.memory_space<hbm>>
      tpu.wait_dma2 semaphore(%arg14 : memref<!tpu.dma_semaphore, #tpu.memory_space<semaphore_mem>>) src(%dma_wait3A_274 : memref<8192xi32, #tpu.memory_space<hbm>>) dst(%arg8 : memref<8192xi32, #tpu.memory_space<vmem>>)
      %gt3A_275 = arith.constant 0 : i32
      %gt3A_276 = arith.cmpi sgt, %scan3A_239, %gt3A_275 : i32
      %convert_element_type3A_277 = arith.extui %gt3A_276 : i1 to i32
      %cond3A_278 = arith.constant 0 : i32
      %cond3A_279 = arith.cmpi ne, %convert_element_type3A_277, %cond3A_278 : i32
      scf.if %cond3A_279 {
        %add3A_294 = arith.addi %mul3A_84, %mul3A_271 : i32
        %dma_wait3A_295 = tpu.memref_slice %arg5[%add3A_294] : memref<44040192xf32, #tpu.memory_space<hbm>> -> memref<8192xf32, #tpu.memory_space<hbm>>
        %dma_wait3A_296 = tpu.memref_slice %arg5[%add3A_294] : memref<44040192xf32, #tpu.memory_space<hbm>> -> memref<8192xf32, #tpu.memory_space<hbm>>
        tpu.wait_dma2 semaphore(%arg16 : memref<!tpu.dma_semaphore, #tpu.memory_space<semaphore_mem>>) src(%arg10 : memref<8192xf32, #tpu.memory_space<vmem>>) dst(%dma_wait3A_296 : memref<8192xf32, #tpu.memory_space<hbm>>)
      } else {
      }
      %parallel_loop3A_280 = arith.constant 0 : i32
      %parallel_loop3A_281 = arith.constant 512 : i32
      %parallel_loop3A_282 = arith.constant 1 : i32
      scf.for %parallel_loop3A_294 = %parallel_loop3A_280 to %parallel_loop3A_281 step %parallel_loop3A_282  : i32 {
        %parallel_loop3A_295 = arith.constant 16 : i32
        %parallel_loop3A_296 = arith.muli %parallel_loop3A_294, %parallel_loop3A_295 : i32
        %parallel_loop3A_297 = arith.index_cast %parallel_loop3A_296 : i32 to index
        %parallel_loop3A_298 = tpu.vector_load %arg8[%parallel_loop3A_297] {strides = array<i32>} : memref<8192xi32, #tpu.memory_space<vmem>>, vector<16xi32>,
        %parallel_loop3A_299 = tpu.vector_load_idx %arg6[%parallel_loop3A_298] : memref<65664xf32, #tpu.memory_space<vmem>>[vector<16xi32>], vector<16xf32>,
        %parallel_loop3A_300 = arith.constant 16 : i32
        %parallel_loop3A_301 = arith.muli %parallel_loop3A_294, %parallel_loop3A_300 : i32
        %parallel_loop3A_302 = arith.index_cast %parallel_loop3A_301 : i32 to index
        %parallel_loop3A_303 = tpu.vector_load %arg10[%parallel_loop3A_302] {strides = array<i32>} : memref<8192xf32, #tpu.memory_space<vmem>>, vector<16xf32>,
        tpu.vector_store %arg10[%parallel_loop3A_302], %parallel_loop3A_299 {strides = array<i32>} : memref<8192xf32, #tpu.memory_space<vmem>>, vector<16xf32>,
      } {sc.loop_unroll_factor = 8 : i64, sc.parallel_access}
      %add3A_283 = arith.constant 2 : i32
      %add3A_284 = arith.addi %add3A_269, %add3A_283 : i32
      %lt3A_285 = arith.constant 32 : i32
      %lt3A_286 = arith.cmpi slt, %add3A_284, %lt3A_285 : i32
      %convert_element_type3A_287 = arith.extui %lt3A_286 : i1 to i32
      %cond3A_288 = arith.constant 0 : i32
      %cond3A_289 = arith.cmpi ne, %convert_element_type3A_287, %cond3A_288 : i32
      scf.if %cond3A_289 {
        %add3A_294 = arith.addi %mul3A_79, %mul3A_271 : i32
        %add3A_295 = arith.constant 16384 : i32
        %add3A_296 = arith.addi %add3A_294, %add3A_295 : i32
        %dma_start3A_297 = tpu.memref_slice %arg3[%add3A_296] : memref<2097152xi32, #tpu.memory_space<hbm>> -> memref<8192xi32, #tpu.memory_space<hbm>>
        %dma_start3A_298 = tpu.memref_slice %arg3[%add3A_296] : memref<2097152xi32, #tpu.memory_space<hbm>> -> memref<8192xi32, #tpu.memory_space<hbm>>
        tpu.enqueue_dma source(%dma_start3A_298 : memref<8192xi32, #tpu.memory_space<hbm>>) target(%arg8 : memref<8192xi32, #tpu.memory_space<vmem>>) target_semaphore(%arg14 : memref<!tpu.dma_semaphore, #tpu.memory_space<semaphore_mem>>)
      } else {
      }
      %add3A_290 = arith.addi %mul3A_84, %mul3A_271 : i32
      %dma_start3A_291 = tpu.memref_slice %arg5[%add3A_290] : memref<44040192xf32, #tpu.memory_space<hbm>> -> memref<8192xf32, #tpu.memory_space<hbm>>
      %dma_start3A_292 = tpu.memref_slice %arg5[%add3A_290] : memref<44040192xf32, #tpu.memory_space<hbm>> -> memref<8192xf32, #tpu.memory_space<hbm>>
      tpu.enqueue_dma source(%arg10 : memref<8192xf32, #tpu.memory_space<vmem>>) target(%dma_start3A_292 : memref<8192xf32, #tpu.memory_space<hbm>>) target_semaphore(%arg16 : memref<!tpu.dma_semaphore, #tpu.memory_space<semaphore_mem>>)
      %scan3A_293 = arith.constant 0 : i32
      scf.yield %scan3A_293 : i32
    }
    %scan3A_103 = arith.constant 16 : i32
    %dma_wait3A_104 = tpu.memref_slice %arg5[%mul3A_84] : memref<44040192xf32, #tpu.memory_space<hbm>> -> memref<8192xf32, #tpu.memory_space<hbm>>
    %dma_wait3A_105 = tpu.memref_slice %arg5[%mul3A_84] : memref<44040192xf32, #tpu.memory_space<hbm>> -> memref<8192xf32, #tpu.memory_space<hbm>>
    tpu.wait_dma2 semaphore(%arg15 : memref<!tpu.dma_semaphore, #tpu.memory_space<semaphore_mem>>) src(%arg9 : memref<8192xf32, #tpu.memory_space<vmem>>) dst(%dma_wait3A_105 : memref<8192xf32, #tpu.memory_space<hbm>>)
    %dma_wait3A_106 = tpu.memref_slice %arg5[%mul3A_84] : memref<44040192xf32, #tpu.memory_space<hbm>> -> memref<8192xf32, #tpu.memory_space<hbm>>
    %dma_wait3A_107 = tpu.memref_slice %arg5[%mul3A_84] : memref<44040192xf32, #tpu.memory_space<hbm>> -> memref<8192xf32, #tpu.memory_space<hbm>>
    tpu.wait_dma2 semaphore(%arg16 : memref<!tpu.dma_semaphore, #tpu.memory_space<semaphore_mem>>) src(%arg10 : memref<8192xf32, #tpu.memory_space<vmem>>) dst(%dma_wait3A_107 : memref<8192xf32, #tpu.memory_space<hbm>>)
    "tpu.trace_stop"() : () -> ()
    %mul3A_108 = arith.constant 4 : i32
    %mul3A_109 = arith.muli %add3A, %mul3A_108 : i32
    %add3A_110 = arith.constant 2 : i32
    %add3A_111 = arith.addi %mul3A_109, %add3A_110 : i32
    %jit3A_112 = arith.constant 16 : i32
    %div3A_113 = arith.divsi %add3A_111, %jit3A_112 : i32
    %sign3A_114 = arith.constant 0 : i32
    %sign3A_115 = arith.cmpi sgt, %add3A_111, %sign3A_114 : i32
    %sign3A_116 = arith.extui %sign3A_115 : i1 to i32
    %sign3A_117 = arith.constant 0 : i32
    %sign3A_118 = arith.cmpi slt, %add3A_111, %sign3A_117 : i32
    %sign3A_119 = arith.extui %sign3A_118 : i1 to i32
    %sign3A_120 = arith.subi %sign3A_116, %sign3A_119 : i32
    %sign3A_121 = arith.constant 0 : i32
    %sign3A_122 = arith.cmpi sgt, %jit3A_112, %sign3A_121 : i32
    %sign3A_123 = arith.extui %sign3A_122 : i1 to i32
    %sign3A_124 = arith.constant 0 : i32
    %sign3A_125 = arith.cmpi slt, %jit3A_112, %sign3A_124 : i32
    %sign3A_126 = arith.extui %sign3A_125 : i1 to i32
    %sign3A_127 = arith.subi %sign3A_123, %sign3A_126 : i32
    %ne3A_128 = arith.cmpi ne, %sign3A_120, %sign3A_127 : i32
    %rem3A_129 = arith.remsi %add3A_111, %jit3A_112 : i32
    %ne3A_130 = arith.constant 0 : i32
    %ne3A_131 = arith.cmpi ne, %rem3A_129, %ne3A_130 : i32
    %and3A_132 = arith.andi %ne3A_128, %ne3A_131 : i1
    %sub3A_133 = arith.constant 1 : i32
    %sub3A_134 = arith.subi %div3A_113, %sub3A_133 : i32
    %select_n3A_135 = arith.select %and3A_132, %sub3A_134, %div3A_113 : i32
    %rem3A_136 = arith.constant 16 : i32
    %rem3A_137 = arith.remsi %add3A_111, %rem3A_136 : i32
    %mul3A_138 = arith.constant 262144 : i32
    %mul3A_139 = arith.muli %select_n3A_135, %mul3A_138 : i32
    %mul3A_140 = arith.constant 21 : i32
    %mul3A_141 = arith.muli %select_n3A_135, %mul3A_140 : i32
    %add3A_142 = arith.addi %mul3A_141, %rem3A_137 : i32
    %mul3A_143 = arith.constant 262144 : i32
    %mul3A_144 = arith.muli %add3A_142, %mul3A_143 : i32
    %dma_start3A_145 = tpu.memref_slice %arg3[%mul3A_139] : memref<2097152xi32, #tpu.memory_space<hbm>> -> memref<8192xi32, #tpu.memory_space<hbm>>
    %dma_start3A_146 = tpu.memref_slice %arg3[%mul3A_139] : memref<2097152xi32, #tpu.memory_space<hbm>> -> memref<8192xi32, #tpu.memory_space<hbm>>
    tpu.enqueue_dma source(%dma_start3A_146 : memref<8192xi32, #tpu.memory_space<hbm>>) target(%arg7 : memref<8192xi32, #tpu.memory_space<vmem>>) target_semaphore(%arg13 : memref<!tpu.dma_semaphore, #tpu.memory_space<semaphore_mem>>)
    %add3A_147 = arith.constant 8192 : i32
    %add3A_148 = arith.addi %mul3A_139, %add3A_147 : i32
    %dma_start3A_149 = tpu.memref_slice %arg3[%add3A_148] : memref<2097152xi32, #tpu.memory_space<hbm>> -> memref<8192xi32, #tpu.memory_space<hbm>>
    %dma_start3A_150 = tpu.memref_slice %arg3[%add3A_148] : memref<2097152xi32, #tpu.memory_space<hbm>> -> memref<8192xi32, #tpu.memory_space<hbm>>
    tpu.enqueue_dma source(%dma_start3A_150 : memref<8192xi32, #tpu.memory_space<hbm>>) target(%arg8 : memref<8192xi32, #tpu.memory_space<vmem>>) target_semaphore(%arg14 : memref<!tpu.dma_semaphore, #tpu.memory_space<semaphore_mem>>)
    "tpu.trace_start"() <{level = 10 : i32, message = "plane_load"}> : () -> ()
    %mul3A_151 = arith.constant 65536 : i32
    %mul3A_152 = arith.muli %add3A_111, %mul3A_151 : i32
    "tpu.region"() ({
      %run_scoped3A = tpu.sem_alloc : memref<!tpu.dma_semaphore, #tpu.memory_space<semaphore_mem>>
      %dma_start3A_239 = arith.constant 0 : i32
      %dma_start3A_240 = tpu.memref_slice %arg6[%dma_start3A_239] : memref<65664xf32, #tpu.memory_space<vmem>> -> memref<65536xf32, #tpu.memory_space<vmem>>
      %dma_start3A_241 = tpu.memref_slice %arg2[%mul3A_152] : memref<8388608xf32, #tpu.memory_space<hbm>> -> memref<65536xf32, #tpu.memory_space<hbm>>
      %dma_start3A_242 = arith.constant 0 : i32
      %dma_start3A_243 = tpu.memref_slice %arg6[%dma_start3A_242] : memref<65664xf32, #tpu.memory_space<vmem>> -> memref<65536xf32, #tpu.memory_space<vmem>>
      %dma_start3A_244 = tpu.memref_slice %arg2[%mul3A_152] : memref<8388608xf32, #tpu.memory_space<hbm>> -> memref<65536xf32, #tpu.memory_space<hbm>>
      tpu.enqueue_dma source(%dma_start3A_244 : memref<65536xf32, #tpu.memory_space<hbm>>) target(%dma_start3A_243 : memref<65536xf32, #tpu.memory_space<vmem>>) target_semaphore(%run_scoped3A : memref<!tpu.dma_semaphore, #tpu.memory_space<semaphore_mem>>)
      %dma_wait3A_245 = arith.constant 0 : i32
      %dma_wait3A_246 = tpu.memref_slice %arg6[%dma_wait3A_245] : memref<65664xf32, #tpu.memory_space<vmem>> -> memref<65536xf32, #tpu.memory_space<vmem>>
      %dma_wait3A_247 = tpu.memref_slice %arg2[%mul3A_152] : memref<8388608xf32, #tpu.memory_space<hbm>> -> memref<65536xf32, #tpu.memory_space<hbm>>
      %dma_wait3A_248 = arith.constant 0 : i32
      %dma_wait3A_249 = tpu.memref_slice %arg6[%dma_wait3A_248] : memref<65664xf32, #tpu.memory_space<vmem>> -> memref<65536xf32, #tpu.memory_space<vmem>>
      %dma_wait3A_250 = tpu.memref_slice %arg2[%mul3A_152] : memref<8388608xf32, #tpu.memory_space<hbm>> -> memref<65536xf32, #tpu.memory_space<hbm>>
      tpu.wait_dma2 semaphore(%run_scoped3A : memref<!tpu.dma_semaphore, #tpu.memory_space<semaphore_mem>>) src(%dma_wait3A_250 : memref<65536xf32, #tpu.memory_space<hbm>>) dst(%dma_wait3A_249 : memref<65536xf32, #tpu.memory_space<vmem>>)
      tpu.yield
    }) : () -> ()
    %broadcast_in_dim3A_153 = arith.constant 0.000000e+00 : f32
    "tpu.trace_stop"() : () -> ()
    %broadcast_in_dim3A_154 = vector.broadcast %broadcast_in_dim3A_153 : f32 to vector<16xf32>
    %swap3A_155 = arith.constant 65536 : index
    %swap3A_156 = tpu.vector_load %arg6[%swap3A_155] {strides = array<i32>} : memref<65664xf32, #tpu.memory_space<vmem>>, vector<16xf32>,
    tpu.vector_store %arg6[%swap3A_155], %broadcast_in_dim3A_154 {strides = array<i32>} : memref<65664xf32, #tpu.memory_space<vmem>>, vector<16xf32>,
    "tpu.trace_start"() <{level = 10 : i32, message = "gather_phase"}> : () -> ()
    %scan3A_157 = arith.constant 0 : i32
    %scan3A_158 = arith.constant 0 : i32
    %scan3A_159 = arith.constant 16 : i32
    %scan3A_160 = arith.addi %scan3A_158, %scan3A_159 : i32
    %scan3A_161 = arith.constant 1 : i32
    %scan3A_162 = scf.for %scan3A_239 = %scan3A_158 to %scan3A_160 step %scan3A_161 iter_args(%scan3A_240 = %scan3A_157) -> (i32)  : i32 {
      %mul3A_241 = arith.constant 2 : i32
      %mul3A_242 = arith.muli %scan3A_239, %mul3A_241 : i32
      %add3A_243 = arith.constant 0 : i32
      %add3A_244 = arith.addi %mul3A_242, %add3A_243 : i32
      %mul3A_245 = arith.constant 8192 : i32
      %mul3A_246 = arith.muli %add3A_244, %mul3A_245 : i32
      %add3A_247 = arith.addi %mul3A_139, %mul3A_246 : i32
      %dma_wait3A_248 = tpu.memref_slice %arg3[%add3A_247] : memref<2097152xi32, #tpu.memory_space<hbm>> -> memref<8192xi32, #tpu.memory_space<hbm>>
      %dma_wait3A_249 = tpu.memref_slice %arg3[%add3A_247] : memref<2097152xi32, #tpu.memory_space<hbm>> -> memref<8192xi32, #tpu.memory_space<hbm>>
      tpu.wait_dma2 semaphore(%arg13 : memref<!tpu.dma_semaphore, #tpu.memory_space<semaphore_mem>>) src(%dma_wait3A_249 : memref<8192xi32, #tpu.memory_space<hbm>>) dst(%arg7 : memref<8192xi32, #tpu.memory_space<vmem>>)
      %gt3A = arith.constant 0 : i32
      %gt3A_250 = arith.cmpi sgt, %scan3A_239, %gt3A : i32
      %convert_element_type3A_251 = arith.extui %gt3A_250 : i1 to i32
      %cond3A_252 = arith.constant 0 : i32
      %cond3A_253 = arith.cmpi ne, %convert_element_type3A_251, %cond3A_252 : i32
      scf.if %cond3A_253 {
        %add3A_294 = arith.addi %mul3A_144, %mul3A_246 : i32
        %dma_wait3A_295 = tpu.memref_slice %arg5[%add3A_294] : memref<44040192xf32, #tpu.memory_space<hbm>> -> memref<8192xf32, #tpu.memory_space<hbm>>
        %dma_wait3A_296 = tpu.memref_slice %arg5[%add3A_294] : memref<44040192xf32, #tpu.memory_space<hbm>> -> memref<8192xf32, #tpu.memory_space<hbm>>
        tpu.wait_dma2 semaphore(%arg15 : memref<!tpu.dma_semaphore, #tpu.memory_space<semaphore_mem>>) src(%arg9 : memref<8192xf32, #tpu.memory_space<vmem>>) dst(%dma_wait3A_296 : memref<8192xf32, #tpu.memory_space<hbm>>)
      } else {
      }
      %parallel_loop3A = arith.constant 0 : i32
      %parallel_loop3A_254 = arith.constant 512 : i32
      %parallel_loop3A_255 = arith.constant 1 : i32
      scf.for %parallel_loop3A_294 = %parallel_loop3A to %parallel_loop3A_254 step %parallel_loop3A_255  : i32 {
        %parallel_loop3A_295 = arith.constant 16 : i32
        %parallel_loop3A_296 = arith.muli %parallel_loop3A_294, %parallel_loop3A_295 : i32
        %parallel_loop3A_297 = arith.index_cast %parallel_loop3A_296 : i32 to index
        %parallel_loop3A_298 = tpu.vector_load %arg7[%parallel_loop3A_297] {strides = array<i32>} : memref<8192xi32, #tpu.memory_space<vmem>>, vector<16xi32>,
        %parallel_loop3A_299 = tpu.vector_load_idx %arg6[%parallel_loop3A_298] : memref<65664xf32, #tpu.memory_space<vmem>>[vector<16xi32>], vector<16xf32>,
        %parallel_loop3A_300 = arith.constant 16 : i32
        %parallel_loop3A_301 = arith.muli %parallel_loop3A_294, %parallel_loop3A_300 : i32
        %parallel_loop3A_302 = arith.index_cast %parallel_loop3A_301 : i32 to index
        %parallel_loop3A_303 = tpu.vector_load %arg9[%parallel_loop3A_302] {strides = array<i32>} : memref<8192xf32, #tpu.memory_space<vmem>>, vector<16xf32>,
        tpu.vector_store %arg9[%parallel_loop3A_302], %parallel_loop3A_299 {strides = array<i32>} : memref<8192xf32, #tpu.memory_space<vmem>>, vector<16xf32>,
      } {sc.loop_unroll_factor = 8 : i64, sc.parallel_access}
      %add3A_256 = arith.constant 2 : i32
      %add3A_257 = arith.addi %add3A_244, %add3A_256 : i32
      %lt3A_258 = arith.constant 32 : i32
      %lt3A_259 = arith.cmpi slt, %add3A_257, %lt3A_258 : i32
      %convert_element_type3A_260 = arith.extui %lt3A_259 : i1 to i32
      %cond3A_261 = arith.constant 0 : i32
      %cond3A_262 = arith.cmpi ne, %convert_element_type3A_260, %cond3A_261 : i32
      scf.if %cond3A_262 {
        %add3A_294 = arith.addi %mul3A_139, %mul3A_246 : i32
        %add3A_295 = arith.constant 16384 : i32
        %add3A_296 = arith.addi %add3A_294, %add3A_295 : i32
        %dma_start3A_297 = tpu.memref_slice %arg3[%add3A_296] : memref<2097152xi32, #tpu.memory_space<hbm>> -> memref<8192xi32, #tpu.memory_space<hbm>>
        %dma_start3A_298 = tpu.memref_slice %arg3[%add3A_296] : memref<2097152xi32, #tpu.memory_space<hbm>> -> memref<8192xi32, #tpu.memory_space<hbm>>
        tpu.enqueue_dma source(%dma_start3A_298 : memref<8192xi32, #tpu.memory_space<hbm>>) target(%arg7 : memref<8192xi32, #tpu.memory_space<vmem>>) target_semaphore(%arg13 : memref<!tpu.dma_semaphore, #tpu.memory_space<semaphore_mem>>)
      } else {
      }
      %add3A_263 = arith.addi %mul3A_144, %mul3A_246 : i32
      %dma_start3A_264 = tpu.memref_slice %arg5[%add3A_263] : memref<44040192xf32, #tpu.memory_space<hbm>> -> memref<8192xf32, #tpu.memory_space<hbm>>
      %dma_start3A_265 = tpu.memref_slice %arg5[%add3A_263] : memref<44040192xf32, #tpu.memory_space<hbm>> -> memref<8192xf32, #tpu.memory_space<hbm>>
      tpu.enqueue_dma source(%arg9 : memref<8192xf32, #tpu.memory_space<vmem>>) target(%dma_start3A_265 : memref<8192xf32, #tpu.memory_space<hbm>>) target_semaphore(%arg15 : memref<!tpu.dma_semaphore, #tpu.memory_space<semaphore_mem>>)
      %mul3A_266 = arith.constant 2 : i32
      %mul3A_267 = arith.muli %scan3A_239, %mul3A_266 : i32
      %add3A_268 = arith.constant 1 : i32
      %add3A_269 = arith.addi %mul3A_267, %add3A_268 : i32
      %mul3A_270 = arith.constant 8192 : i32
      %mul3A_271 = arith.muli %add3A_269, %mul3A_270 : i32
      %add3A_272 = arith.addi %mul3A_139, %mul3A_271 : i32
      %dma_wait3A_273 = tpu.memref_slice %arg3[%add3A_272] : memref<2097152xi32, #tpu.memory_space<hbm>> -> memref<8192xi32, #tpu.memory_space<hbm>>
      %dma_wait3A_274 = tpu.memref_slice %arg3[%add3A_272] : memref<2097152xi32, #tpu.memory_space<hbm>> -> memref<8192xi32, #tpu.memory_space<hbm>>
      tpu.wait_dma2 semaphore(%arg14 : memref<!tpu.dma_semaphore, #tpu.memory_space<semaphore_mem>>) src(%dma_wait3A_274 : memref<8192xi32, #tpu.memory_space<hbm>>) dst(%arg8 : memref<8192xi32, #tpu.memory_space<vmem>>)
      %gt3A_275 = arith.constant 0 : i32
      %gt3A_276 = arith.cmpi sgt, %scan3A_239, %gt3A_275 : i32
      %convert_element_type3A_277 = arith.extui %gt3A_276 : i1 to i32
      %cond3A_278 = arith.constant 0 : i32
      %cond3A_279 = arith.cmpi ne, %convert_element_type3A_277, %cond3A_278 : i32
      scf.if %cond3A_279 {
        %add3A_294 = arith.addi %mul3A_144, %mul3A_271 : i32
        %dma_wait3A_295 = tpu.memref_slice %arg5[%add3A_294] : memref<44040192xf32, #tpu.memory_space<hbm>> -> memref<8192xf32, #tpu.memory_space<hbm>>
        %dma_wait3A_296 = tpu.memref_slice %arg5[%add3A_294] : memref<44040192xf32, #tpu.memory_space<hbm>> -> memref<8192xf32, #tpu.memory_space<hbm>>
        tpu.wait_dma2 semaphore(%arg16 : memref<!tpu.dma_semaphore, #tpu.memory_space<semaphore_mem>>) src(%arg10 : memref<8192xf32, #tpu.memory_space<vmem>>) dst(%dma_wait3A_296 : memref<8192xf32, #tpu.memory_space<hbm>>)
      } else {
      }
      %parallel_loop3A_280 = arith.constant 0 : i32
      %parallel_loop3A_281 = arith.constant 512 : i32
      %parallel_loop3A_282 = arith.constant 1 : i32
      scf.for %parallel_loop3A_294 = %parallel_loop3A_280 to %parallel_loop3A_281 step %parallel_loop3A_282  : i32 {
        %parallel_loop3A_295 = arith.constant 16 : i32
        %parallel_loop3A_296 = arith.muli %parallel_loop3A_294, %parallel_loop3A_295 : i32
        %parallel_loop3A_297 = arith.index_cast %parallel_loop3A_296 : i32 to index
        %parallel_loop3A_298 = tpu.vector_load %arg8[%parallel_loop3A_297] {strides = array<i32>} : memref<8192xi32, #tpu.memory_space<vmem>>, vector<16xi32>,
        %parallel_loop3A_299 = tpu.vector_load_idx %arg6[%parallel_loop3A_298] : memref<65664xf32, #tpu.memory_space<vmem>>[vector<16xi32>], vector<16xf32>,
        %parallel_loop3A_300 = arith.constant 16 : i32
        %parallel_loop3A_301 = arith.muli %parallel_loop3A_294, %parallel_loop3A_300 : i32
        %parallel_loop3A_302 = arith.index_cast %parallel_loop3A_301 : i32 to index
        %parallel_loop3A_303 = tpu.vector_load %arg10[%parallel_loop3A_302] {strides = array<i32>} : memref<8192xf32, #tpu.memory_space<vmem>>, vector<16xf32>,
        tpu.vector_store %arg10[%parallel_loop3A_302], %parallel_loop3A_299 {strides = array<i32>} : memref<8192xf32, #tpu.memory_space<vmem>>, vector<16xf32>,
      } {sc.loop_unroll_factor = 8 : i64, sc.parallel_access}
      %add3A_283 = arith.constant 2 : i32
      %add3A_284 = arith.addi %add3A_269, %add3A_283 : i32
      %lt3A_285 = arith.constant 32 : i32
      %lt3A_286 = arith.cmpi slt, %add3A_284, %lt3A_285 : i32
      %convert_element_type3A_287 = arith.extui %lt3A_286 : i1 to i32
      %cond3A_288 = arith.constant 0 : i32
      %cond3A_289 = arith.cmpi ne, %convert_element_type3A_287, %cond3A_288 : i32
      scf.if %cond3A_289 {
        %add3A_294 = arith.addi %mul3A_139, %mul3A_271 : i32
        %add3A_295 = arith.constant 16384 : i32
        %add3A_296 = arith.addi %add3A_294, %add3A_295 : i32
        %dma_start3A_297 = tpu.memref_slice %arg3[%add3A_296] : memref<2097152xi32, #tpu.memory_space<hbm>> -> memref<8192xi32, #tpu.memory_space<hbm>>
        %dma_start3A_298 = tpu.memref_slice %arg3[%add3A_296] : memref<2097152xi32, #tpu.memory_space<hbm>> -> memref<8192xi32, #tpu.memory_space<hbm>>
        tpu.enqueue_dma source(%dma_start3A_298 : memref<8192xi32, #tpu.memory_space<hbm>>) target(%arg8 : memref<8192xi32, #tpu.memory_space<vmem>>) target_semaphore(%arg14 : memref<!tpu.dma_semaphore, #tpu.memory_space<semaphore_mem>>)
      } else {
      }
      %add3A_290 = arith.addi %mul3A_144, %mul3A_271 : i32
      %dma_start3A_291 = tpu.memref_slice %arg5[%add3A_290] : memref<44040192xf32, #tpu.memory_space<hbm>> -> memref<8192xf32, #tpu.memory_space<hbm>>
      %dma_start3A_292 = tpu.memref_slice %arg5[%add3A_290] : memref<44040192xf32, #tpu.memory_space<hbm>> -> memref<8192xf32, #tpu.memory_space<hbm>>
      tpu.enqueue_dma source(%arg10 : memref<8192xf32, #tpu.memory_space<vmem>>) target(%dma_start3A_292 : memref<8192xf32, #tpu.memory_space<hbm>>) target_semaphore(%arg16 : memref<!tpu.dma_semaphore, #tpu.memory_space<semaphore_mem>>)
      %scan3A_293 = arith.constant 0 : i32
      scf.yield %scan3A_293 : i32
    }
    %scan3A_163 = arith.constant 16 : i32
    %dma_wait3A_164 = tpu.memref_slice %arg5[%mul3A_144] : memref<44040192xf32, #tpu.memory_space<hbm>> -> memref<8192xf32, #tpu.memory_space<hbm>>
    %dma_wait3A_165 = tpu.memref_slice %arg5[%mul3A_144] : memref<44040192xf32, #tpu.memory_space<hbm>> -> memref<8192xf32, #tpu.memory_space<hbm>>
    tpu.wait_dma2 semaphore(%arg15 : memref<!tpu.dma_semaphore, #tpu.memory_space<semaphore_mem>>) src(%arg9 : memref<8192xf32, #tpu.memory_space<vmem>>) dst(%dma_wait3A_165 : memref<8192xf32, #tpu.memory_space<hbm>>)
    %dma_wait3A_166 = tpu.memref_slice %arg5[%mul3A_144] : memref<44040192xf32, #tpu.memory_space<hbm>> -> memref<8192xf32, #tpu.memory_space<hbm>>
    %dma_wait3A_167 = tpu.memref_slice %arg5[%mul3A_144] : memref<44040192xf32, #tpu.memory_space<hbm>> -> memref<8192xf32, #tpu.memory_space<hbm>>
    tpu.wait_dma2 semaphore(%arg16 : memref<!tpu.dma_semaphore, #tpu.memory_space<semaphore_mem>>) src(%arg10 : memref<8192xf32, #tpu.memory_space<vmem>>) dst(%dma_wait3A_167 : memref<8192xf32, #tpu.memory_space<hbm>>)
    "tpu.trace_stop"() : () -> ()
    %mul3A_168 = arith.constant 4 : i32
    %mul3A_169 = arith.muli %add3A, %mul3A_168 : i32
    %add3A_170 = arith.constant 3 : i32
    %add3A_171 = arith.addi %mul3A_169, %add3A_170 : i32
    %jit3A_172 = arith.constant 16 : i32
    %div3A_173 = arith.divsi %add3A_171, %jit3A_172 : i32
    %sign3A_174 = arith.constant 0 : i32
    %sign3A_175 = arith.cmpi sgt, %add3A_171, %sign3A_174 : i32
    %sign3A_176 = arith.extui %sign3A_175 : i1 to i32
    %sign3A_177 = arith.constant 0 : i32
    %sign3A_178 = arith.cmpi slt, %add3A_171, %sign3A_177 : i32
    %sign3A_179 = arith.extui %sign3A_178 : i1 to i32
    %sign3A_180 = arith.subi %sign3A_176, %sign3A_179 : i32
    %sign3A_181 = arith.constant 0 : i32
    %sign3A_182 = arith.cmpi sgt, %jit3A_172, %sign3A_181 : i32
    %sign3A_183 = arith.extui %sign3A_182 : i1 to i32
    %sign3A_184 = arith.constant 0 : i32
    %sign3A_185 = arith.cmpi slt, %jit3A_172, %sign3A_184 : i32
    %sign3A_186 = arith.extui %sign3A_185 : i1 to i32
    %sign3A_187 = arith.subi %sign3A_183, %sign3A_186 : i32
    %ne3A_188 = arith.cmpi ne, %sign3A_180, %sign3A_187 : i32
    %rem3A_189 = arith.remsi %add3A_171, %jit3A_172 : i32
    %ne3A_190 = arith.constant 0 : i32
    %ne3A_191 = arith.cmpi ne, %rem3A_189, %ne3A_190 : i32
    %and3A_192 = arith.andi %ne3A_188, %ne3A_191 : i1
    %sub3A_193 = arith.constant 1 : i32
    %sub3A_194 = arith.subi %div3A_173, %sub3A_193 : i32
    %select_n3A_195 = arith.select %and3A_192, %sub3A_194, %div3A_173 : i32
    %rem3A_196 = arith.constant 16 : i32
    %rem3A_197 = arith.remsi %add3A_171, %rem3A_196 : i32
    %mul3A_198 = arith.constant 262144 : i32
    %mul3A_199 = arith.muli %select_n3A_195, %mul3A_198 : i32
    %mul3A_200 = arith.constant 21 : i32
    %mul3A_201 = arith.muli %select_n3A_195, %mul3A_200 : i32
    %add3A_202 = arith.addi %mul3A_201, %rem3A_197 : i32
    %mul3A_203 = arith.constant 262144 : i32
    %mul3A_204 = arith.muli %add3A_202, %mul3A_203 : i32
    %dma_start3A_205 = tpu.memref_slice %arg3[%mul3A_199] : memref<2097152xi32, #tpu.memory_space<hbm>> -> memref<8192xi32, #tpu.memory_space<hbm>>
    %dma_start3A_206 = tpu.memref_slice %arg3[%mul3A_199] : memref<2097152xi32, #tpu.memory_space<hbm>> -> memref<8192xi32, #tpu.memory_space<hbm>>
    tpu.enqueue_dma source(%dma_start3A_206 : memref<8192xi32, #tpu.memory_space<hbm>>) target(%arg7 : memref<8192xi32, #tpu.memory_space<vmem>>) target_semaphore(%arg13 : memref<!tpu.dma_semaphore, #tpu.memory_space<semaphore_mem>>)
    %add3A_207 = arith.constant 8192 : i32
    %add3A_208 = arith.addi %mul3A_199, %add3A_207 : i32
    %dma_start3A_209 = tpu.memref_slice %arg3[%add3A_208] : memref<2097152xi32, #tpu.memory_space<hbm>> -> memref<8192xi32, #tpu.memory_space<hbm>>
    %dma_start3A_210 = tpu.memref_slice %arg3[%add3A_208] : memref<2097152xi32, #tpu.memory_space<hbm>> -> memref<8192xi32, #tpu.memory_space<hbm>>
    tpu.enqueue_dma source(%dma_start3A_210 : memref<8192xi32, #tpu.memory_space<hbm>>) target(%arg8 : memref<8192xi32, #tpu.memory_space<vmem>>) target_semaphore(%arg14 : memref<!tpu.dma_semaphore, #tpu.memory_space<semaphore_mem>>)
    "tpu.trace_start"() <{level = 10 : i32, message = "plane_load"}> : () -> ()
    %mul3A_211 = arith.constant 65536 : i32
    %mul3A_212 = arith.muli %add3A_171, %mul3A_211 : i32
    "tpu.region"() ({
      %run_scoped3A = tpu.sem_alloc : memref<!tpu.dma_semaphore, #tpu.memory_space<semaphore_mem>>
      %dma_start3A_239 = arith.constant 0 : i32
      %dma_start3A_240 = tpu.memref_slice %arg6[%dma_start3A_239] : memref<65664xf32, #tpu.memory_space<vmem>> -> memref<65536xf32, #tpu.memory_space<vmem>>
      %dma_start3A_241 = tpu.memref_slice %arg2[%mul3A_212] : memref<8388608xf32, #tpu.memory_space<hbm>> -> memref<65536xf32, #tpu.memory_space<hbm>>
      %dma_start3A_242 = arith.constant 0 : i32
      %dma_start3A_243 = tpu.memref_slice %arg6[%dma_start3A_242] : memref<65664xf32, #tpu.memory_space<vmem>> -> memref<65536xf32, #tpu.memory_space<vmem>>
      %dma_start3A_244 = tpu.memref_slice %arg2[%mul3A_212] : memref<8388608xf32, #tpu.memory_space<hbm>> -> memref<65536xf32, #tpu.memory_space<hbm>>
      tpu.enqueue_dma source(%dma_start3A_244 : memref<65536xf32, #tpu.memory_space<hbm>>) target(%dma_start3A_243 : memref<65536xf32, #tpu.memory_space<vmem>>) target_semaphore(%run_scoped3A : memref<!tpu.dma_semaphore, #tpu.memory_space<semaphore_mem>>)
      %dma_wait3A_245 = arith.constant 0 : i32
      %dma_wait3A_246 = tpu.memref_slice %arg6[%dma_wait3A_245] : memref<65664xf32, #tpu.memory_space<vmem>> -> memref<65536xf32, #tpu.memory_space<vmem>>
      %dma_wait3A_247 = tpu.memref_slice %arg2[%mul3A_212] : memref<8388608xf32, #tpu.memory_space<hbm>> -> memref<65536xf32, #tpu.memory_space<hbm>>
      %dma_wait3A_248 = arith.constant 0 : i32
      %dma_wait3A_249 = tpu.memref_slice %arg6[%dma_wait3A_248] : memref<65664xf32, #tpu.memory_space<vmem>> -> memref<65536xf32, #tpu.memory_space<vmem>>
      %dma_wait3A_250 = tpu.memref_slice %arg2[%mul3A_212] : memref<8388608xf32, #tpu.memory_space<hbm>> -> memref<65536xf32, #tpu.memory_space<hbm>>
      tpu.wait_dma2 semaphore(%run_scoped3A : memref<!tpu.dma_semaphore, #tpu.memory_space<semaphore_mem>>) src(%dma_wait3A_250 : memref<65536xf32, #tpu.memory_space<hbm>>) dst(%dma_wait3A_249 : memref<65536xf32, #tpu.memory_space<vmem>>)
      tpu.yield
    }) : () -> ()
    %broadcast_in_dim3A_213 = arith.constant 0.000000e+00 : f32
    "tpu.trace_stop"() : () -> ()
    %broadcast_in_dim3A_214 = vector.broadcast %broadcast_in_dim3A_213 : f32 to vector<16xf32>
    %swap3A_215 = arith.constant 65536 : index
    %swap3A_216 = tpu.vector_load %arg6[%swap3A_215] {strides = array<i32>} : memref<65664xf32, #tpu.memory_space<vmem>>, vector<16xf32>,
    tpu.vector_store %arg6[%swap3A_215], %broadcast_in_dim3A_214 {strides = array<i32>} : memref<65664xf32, #tpu.memory_space<vmem>>, vector<16xf32>,
    "tpu.trace_start"() <{level = 10 : i32, message = "gather_phase"}> : () -> ()
    %scan3A_217 = arith.constant 0 : i32
    %scan3A_218 = arith.constant 0 : i32
    %scan3A_219 = arith.constant 16 : i32
    %scan3A_220 = arith.addi %scan3A_218, %scan3A_219 : i32
    %scan3A_221 = arith.constant 1 : i32
    %scan3A_222 = scf.for %scan3A_239 = %scan3A_218 to %scan3A_220 step %scan3A_221 iter_args(%scan3A_240 = %scan3A_217) -> (i32)  : i32 {
      %mul3A_241 = arith.constant 2 : i32
      %mul3A_242 = arith.muli %scan3A_239, %mul3A_241 : i32
      %add3A_243 = arith.constant 0 : i32
      %add3A_244 = arith.addi %mul3A_242, %add3A_243 : i32
      %mul3A_245 = arith.constant 8192 : i32
      %mul3A_246 = arith.muli %add3A_244, %mul3A_245 : i32
      %add3A_247 = arith.addi %mul3A_199, %mul3A_246 : i32
      %dma_wait3A_248 = tpu.memref_slice %arg3[%add3A_247] : memref<2097152xi32, #tpu.memory_space<hbm>> -> memref<8192xi32, #tpu.memory_space<hbm>>
      %dma_wait3A_249 = tpu.memref_slice %arg3[%add3A_247] : memref<2097152xi32, #tpu.memory_space<hbm>> -> memref<8192xi32, #tpu.memory_space<hbm>>
      tpu.wait_dma2 semaphore(%arg13 : memref<!tpu.dma_semaphore, #tpu.memory_space<semaphore_mem>>) src(%dma_wait3A_249 : memref<8192xi32, #tpu.memory_space<hbm>>) dst(%arg7 : memref<8192xi32, #tpu.memory_space<vmem>>)
      %gt3A = arith.constant 0 : i32
      %gt3A_250 = arith.cmpi sgt, %scan3A_239, %gt3A : i32
      %convert_element_type3A_251 = arith.extui %gt3A_250 : i1 to i32
      %cond3A_252 = arith.constant 0 : i32
      %cond3A_253 = arith.cmpi ne, %convert_element_type3A_251, %cond3A_252 : i32
      scf.if %cond3A_253 {
        %add3A_294 = arith.addi %mul3A_204, %mul3A_246 : i32
        %dma_wait3A_295 = tpu.memref_slice %arg5[%add3A_294] : memref<44040192xf32, #tpu.memory_space<hbm>> -> memref<8192xf32, #tpu.memory_space<hbm>>
        %dma_wait3A_296 = tpu.memref_slice %arg5[%add3A_294] : memref<44040192xf32, #tpu.memory_space<hbm>> -> memref<8192xf32, #tpu.memory_space<hbm>>
        tpu.wait_dma2 semaphore(%arg15 : memref<!tpu.dma_semaphore, #tpu.memory_space<semaphore_mem>>) src(%arg9 : memref<8192xf32, #tpu.memory_space<vmem>>) dst(%dma_wait3A_296 : memref<8192xf32, #tpu.memory_space<hbm>>)
      } else {
      }
      %parallel_loop3A = arith.constant 0 : i32
      %parallel_loop3A_254 = arith.constant 512 : i32
      %parallel_loop3A_255 = arith.constant 1 : i32
      scf.for %parallel_loop3A_294 = %parallel_loop3A to %parallel_loop3A_254 step %parallel_loop3A_255  : i32 {
        %parallel_loop3A_295 = arith.constant 16 : i32
        %parallel_loop3A_296 = arith.muli %parallel_loop3A_294, %parallel_loop3A_295 : i32
        %parallel_loop3A_297 = arith.index_cast %parallel_loop3A_296 : i32 to index
        %parallel_loop3A_298 = tpu.vector_load %arg7[%parallel_loop3A_297] {strides = array<i32>} : memref<8192xi32, #tpu.memory_space<vmem>>, vector<16xi32>,
        %parallel_loop3A_299 = tpu.vector_load_idx %arg6[%parallel_loop3A_298] : memref<65664xf32, #tpu.memory_space<vmem>>[vector<16xi32>], vector<16xf32>,
        %parallel_loop3A_300 = arith.constant 16 : i32
        %parallel_loop3A_301 = arith.muli %parallel_loop3A_294, %parallel_loop3A_300 : i32
        %parallel_loop3A_302 = arith.index_cast %parallel_loop3A_301 : i32 to index
        %parallel_loop3A_303 = tpu.vector_load %arg9[%parallel_loop3A_302] {strides = array<i32>} : memref<8192xf32, #tpu.memory_space<vmem>>, vector<16xf32>,
        tpu.vector_store %arg9[%parallel_loop3A_302], %parallel_loop3A_299 {strides = array<i32>} : memref<8192xf32, #tpu.memory_space<vmem>>, vector<16xf32>,
      } {sc.loop_unroll_factor = 8 : i64, sc.parallel_access}
      %add3A_256 = arith.constant 2 : i32
      %add3A_257 = arith.addi %add3A_244, %add3A_256 : i32
      %lt3A_258 = arith.constant 32 : i32
      %lt3A_259 = arith.cmpi slt, %add3A_257, %lt3A_258 : i32
      %convert_element_type3A_260 = arith.extui %lt3A_259 : i1 to i32
      %cond3A_261 = arith.constant 0 : i32
      %cond3A_262 = arith.cmpi ne, %convert_element_type3A_260, %cond3A_261 : i32
      scf.if %cond3A_262 {
        %add3A_294 = arith.addi %mul3A_199, %mul3A_246 : i32
        %add3A_295 = arith.constant 16384 : i32
        %add3A_296 = arith.addi %add3A_294, %add3A_295 : i32
        %dma_start3A_297 = tpu.memref_slice %arg3[%add3A_296] : memref<2097152xi32, #tpu.memory_space<hbm>> -> memref<8192xi32, #tpu.memory_space<hbm>>
        %dma_start3A_298 = tpu.memref_slice %arg3[%add3A_296] : memref<2097152xi32, #tpu.memory_space<hbm>> -> memref<8192xi32, #tpu.memory_space<hbm>>
        tpu.enqueue_dma source(%dma_start3A_298 : memref<8192xi32, #tpu.memory_space<hbm>>) target(%arg7 : memref<8192xi32, #tpu.memory_space<vmem>>) target_semaphore(%arg13 : memref<!tpu.dma_semaphore, #tpu.memory_space<semaphore_mem>>)
      } else {
      }
      %add3A_263 = arith.addi %mul3A_204, %mul3A_246 : i32
      %dma_start3A_264 = tpu.memref_slice %arg5[%add3A_263] : memref<44040192xf32, #tpu.memory_space<hbm>> -> memref<8192xf32, #tpu.memory_space<hbm>>
      %dma_start3A_265 = tpu.memref_slice %arg5[%add3A_263] : memref<44040192xf32, #tpu.memory_space<hbm>> -> memref<8192xf32, #tpu.memory_space<hbm>>
      tpu.enqueue_dma source(%arg9 : memref<8192xf32, #tpu.memory_space<vmem>>) target(%dma_start3A_265 : memref<8192xf32, #tpu.memory_space<hbm>>) target_semaphore(%arg15 : memref<!tpu.dma_semaphore, #tpu.memory_space<semaphore_mem>>)
      %mul3A_266 = arith.constant 2 : i32
      %mul3A_267 = arith.muli %scan3A_239, %mul3A_266 : i32
      %add3A_268 = arith.constant 1 : i32
      %add3A_269 = arith.addi %mul3A_267, %add3A_268 : i32
      %mul3A_270 = arith.constant 8192 : i32
      %mul3A_271 = arith.muli %add3A_269, %mul3A_270 : i32
      %add3A_272 = arith.addi %mul3A_199, %mul3A_271 : i32
      %dma_wait3A_273 = tpu.memref_slice %arg3[%add3A_272] : memref<2097152xi32, #tpu.memory_space<hbm>> -> memref<8192xi32, #tpu.memory_space<hbm>>
      %dma_wait3A_274 = tpu.memref_slice %arg3[%add3A_272] : memref<2097152xi32, #tpu.memory_space<hbm>> -> memref<8192xi32, #tpu.memory_space<hbm>>
      tpu.wait_dma2 semaphore(%arg14 : memref<!tpu.dma_semaphore, #tpu.memory_space<semaphore_mem>>) src(%dma_wait3A_274 : memref<8192xi32, #tpu.memory_space<hbm>>) dst(%arg8 : memref<8192xi32, #tpu.memory_space<vmem>>)
      %gt3A_275 = arith.constant 0 : i32
      %gt3A_276 = arith.cmpi sgt, %scan3A_239, %gt3A_275 : i32
      %convert_element_type3A_277 = arith.extui %gt3A_276 : i1 to i32
      %cond3A_278 = arith.constant 0 : i32
      %cond3A_279 = arith.cmpi ne, %convert_element_type3A_277, %cond3A_278 : i32
      scf.if %cond3A_279 {
        %add3A_294 = arith.addi %mul3A_204, %mul3A_271 : i32
        %dma_wait3A_295 = tpu.memref_slice %arg5[%add3A_294] : memref<44040192xf32, #tpu.memory_space<hbm>> -> memref<8192xf32, #tpu.memory_space<hbm>>
        %dma_wait3A_296 = tpu.memref_slice %arg5[%add3A_294] : memref<44040192xf32, #tpu.memory_space<hbm>> -> memref<8192xf32, #tpu.memory_space<hbm>>
        tpu.wait_dma2 semaphore(%arg16 : memref<!tpu.dma_semaphore, #tpu.memory_space<semaphore_mem>>) src(%arg10 : memref<8192xf32, #tpu.memory_space<vmem>>) dst(%dma_wait3A_296 : memref<8192xf32, #tpu.memory_space<hbm>>)
      } else {
      }
      %parallel_loop3A_280 = arith.constant 0 : i32
      %parallel_loop3A_281 = arith.constant 512 : i32
      %parallel_loop3A_282 = arith.constant 1 : i32
      scf.for %parallel_loop3A_294 = %parallel_loop3A_280 to %parallel_loop3A_281 step %parallel_loop3A_282  : i32 {
        %parallel_loop3A_295 = arith.constant 16 : i32
        %parallel_loop3A_296 = arith.muli %parallel_loop3A_294, %parallel_loop3A_295 : i32
        %parallel_loop3A_297 = arith.index_cast %parallel_loop3A_296 : i32 to index
        %parallel_loop3A_298 = tpu.vector_load %arg8[%parallel_loop3A_297] {strides = array<i32>} : memref<8192xi32, #tpu.memory_space<vmem>>, vector<16xi32>,
        %parallel_loop3A_299 = tpu.vector_load_idx %arg6[%parallel_loop3A_298] : memref<65664xf32, #tpu.memory_space<vmem>>[vector<16xi32>], vector<16xf32>,
        %parallel_loop3A_300 = arith.constant 16 : i32
        %parallel_loop3A_301 = arith.muli %parallel_loop3A_294, %parallel_loop3A_300 : i32
        %parallel_loop3A_302 = arith.index_cast %parallel_loop3A_301 : i32 to index
        %parallel_loop3A_303 = tpu.vector_load %arg10[%parallel_loop3A_302] {strides = array<i32>} : memref<8192xf32, #tpu.memory_space<vmem>>, vector<16xf32>,
        tpu.vector_store %arg10[%parallel_loop3A_302], %parallel_loop3A_299 {strides = array<i32>} : memref<8192xf32, #tpu.memory_space<vmem>>, vector<16xf32>,
      } {sc.loop_unroll_factor = 8 : i64, sc.parallel_access}
      %add3A_283 = arith.constant 2 : i32
      %add3A_284 = arith.addi %add3A_269, %add3A_283 : i32
      %lt3A_285 = arith.constant 32 : i32
      %lt3A_286 = arith.cmpi slt, %add3A_284, %lt3A_285 : i32
      %convert_element_type3A_287 = arith.extui %lt3A_286 : i1 to i32
      %cond3A_288 = arith.constant 0 : i32
      %cond3A_289 = arith.cmpi ne, %convert_element_type3A_287, %cond3A_288 : i32
      scf.if %cond3A_289 {
        %add3A_294 = arith.addi %mul3A_199, %mul3A_271 : i32
        %add3A_295 = arith.constant 16384 : i32
        %add3A_296 = arith.addi %add3A_294, %add3A_295 : i32
        %dma_start3A_297 = tpu.memref_slice %arg3[%add3A_296] : memref<2097152xi32, #tpu.memory_space<hbm>> -> memref<8192xi32, #tpu.memory_space<hbm>>
        %dma_start3A_298 = tpu.memref_slice %arg3[%add3A_296] : memref<2097152xi32, #tpu.memory_space<hbm>> -> memref<8192xi32, #tpu.memory_space<hbm>>
        tpu.enqueue_dma source(%dma_start3A_298 : memref<8192xi32, #tpu.memory_space<hbm>>) target(%arg8 : memref<8192xi32, #tpu.memory_space<vmem>>) target_semaphore(%arg14 : memref<!tpu.dma_semaphore, #tpu.memory_space<semaphore_mem>>)
      } else {
      }
      %add3A_290 = arith.addi %mul3A_204, %mul3A_271 : i32
      %dma_start3A_291 = tpu.memref_slice %arg5[%add3A_290] : memref<44040192xf32, #tpu.memory_space<hbm>> -> memref<8192xf32, #tpu.memory_space<hbm>>
      %dma_start3A_292 = tpu.memref_slice %arg5[%add3A_290] : memref<44040192xf32, #tpu.memory_space<hbm>> -> memref<8192xf32, #tpu.memory_space<hbm>>
      tpu.enqueue_dma source(%arg10 : memref<8192xf32, #tpu.memory_space<vmem>>) target(%dma_start3A_292 : memref<8192xf32, #tpu.memory_space<hbm>>) target_semaphore(%arg16 : memref<!tpu.dma_semaphore, #tpu.memory_space<semaphore_mem>>)
      %scan3A_293 = arith.constant 0 : i32
      scf.yield %scan3A_293 : i32
    }
    %scan3A_223 = arith.constant 16 : i32
    %dma_wait3A_224 = tpu.memref_slice %arg5[%mul3A_204] : memref<44040192xf32, #tpu.memory_space<hbm>> -> memref<8192xf32, #tpu.memory_space<hbm>>
    %dma_wait3A_225 = tpu.memref_slice %arg5[%mul3A_204] : memref<44040192xf32, #tpu.memory_space<hbm>> -> memref<8192xf32, #tpu.memory_space<hbm>>
    tpu.wait_dma2 semaphore(%arg15 : memref<!tpu.dma_semaphore, #tpu.memory_space<semaphore_mem>>) src(%arg9 : memref<8192xf32, #tpu.memory_space<vmem>>) dst(%dma_wait3A_225 : memref<8192xf32, #tpu.memory_space<hbm>>)
    %dma_wait3A_226 = tpu.memref_slice %arg5[%mul3A_204] : memref<44040192xf32, #tpu.memory_space<hbm>> -> memref<8192xf32, #tpu.memory_space<hbm>>
    %dma_wait3A_227 = tpu.memref_slice %arg5[%mul3A_204] : memref<44040192xf32, #tpu.memory_space<hbm>> -> memref<8192xf32, #tpu.memory_space<hbm>>
    tpu.wait_dma2 semaphore(%arg16 : memref<!tpu.dma_semaphore, #tpu.memory_space<semaphore_mem>>) src(%arg10 : memref<8192xf32, #tpu.memory_space<vmem>>) dst(%dma_wait3A_227 : memref<8192xf32, #tpu.memory_space<hbm>>)
    "tpu.trace_stop"() : () -> ()
    %add3A_228 = arith.constant 0 : i32
    %add3A_229 = arith.addi %add3A, %add3A_228 : i32
    %lt3A = arith.constant 40 : i32
    %lt3A_230 = arith.cmpi slt, %add3A_229, %lt3A : i32
    %convert_element_type3A = arith.extui %lt3A_230 : i1 to i32
    %cond3A = arith.constant 0 : i32
    %cond3A_231 = arith.cmpi ne, %convert_element_type3A, %cond3A : i32
    scf.if %cond3A_231 {
      %jit3A_239 = arith.constant 8 : i32
      %div3A_240 = arith.divsi %add3A_229, %jit3A_239 : i32
      %sign3A_241 = arith.constant 0 : i32
      %sign3A_242 = arith.cmpi sgt, %add3A_229, %sign3A_241 : i32
      %sign3A_243 = arith.extui %sign3A_242 : i1 to i32
      %sign3A_244 = arith.constant 0 : i32
      %sign3A_245 = arith.cmpi slt, %add3A_229, %sign3A_244 : i32
      %sign3A_246 = arith.extui %sign3A_245 : i1 to i32
      %sign3A_247 = arith.subi %sign3A_243, %sign3A_246 : i32
      %sign3A_248 = arith.constant 0 : i32
      %sign3A_249 = arith.cmpi sgt, %jit3A_239, %sign3A_248 : i32
      %sign3A_250 = arith.extui %sign3A_249 : i1 to i32
      %sign3A_251 = arith.constant 0 : i32
      %sign3A_252 = arith.cmpi slt, %jit3A_239, %sign3A_251 : i32
      %sign3A_253 = arith.extui %sign3A_252 : i1 to i32
      %sign3A_254 = arith.subi %sign3A_250, %sign3A_253 : i32
      %ne3A_255 = arith.cmpi ne, %sign3A_247, %sign3A_254 : i32
      %rem3A_256 = arith.remsi %add3A_229, %jit3A_239 : i32
      %ne3A_257 = arith.constant 0 : i32
      %ne3A_258 = arith.cmpi ne, %rem3A_256, %ne3A_257 : i32
      %and3A_259 = arith.andi %ne3A_255, %ne3A_258 : i1
      %sub3A_260 = arith.constant 1 : i32
      %sub3A_261 = arith.subi %div3A_240, %sub3A_260 : i32
      %select_n3A_262 = arith.select %and3A_259, %sub3A_261, %div3A_240 : i32
      %rem3A_263 = arith.constant 8 : i32
      %rem3A_264 = arith.remsi %add3A_229, %rem3A_263 : i32
      %mul3A_265 = arith.constant 8 : i32
      %mul3A_266 = arith.muli %select_n3A_262, %mul3A_265 : i32
      %add3A_267 = arith.addi %mul3A_266, %rem3A_264 : i32
      %mul3A_268 = arith.constant 262144 : i32
      %mul3A_269 = arith.muli %add3A_267, %mul3A_268 : i32
      %mul3A_270 = arith.constant 21 : i32
      %mul3A_271 = arith.muli %rem3A_264, %mul3A_270 : i32
      %add3A_272 = arith.constant 16 : i32
      %add3A_273 = arith.addi %mul3A_271, %add3A_272 : i32
      %add3A_274 = arith.addi %add3A_273, %select_n3A_262 : i32
      %mul3A_275 = arith.constant 262144 : i32
      %mul3A_276 = arith.muli %add3A_274, %mul3A_275 : i32
      "tpu.trace_start"() <{level = 10 : i32, message = "dense_phase"}> : () -> ()
      %scan3A_277 = arith.constant 0 : i32
      %scan3A_278 = arith.constant 0 : i32
      %scan3A_279 = arith.constant 16 : i32
      %scan3A_280 = arith.addi %scan3A_278, %scan3A_279 : i32
      %scan3A_281 = arith.constant 1 : i32
      %scan3A_282 = scf.for %scan3A_288 = %scan3A_278 to %scan3A_280 step %scan3A_281 iter_args(%scan3A_289 = %scan3A_277) -> (i32)  : i32 {
        %mul3A_290 = arith.constant 2 : i32
        %mul3A_291 = arith.muli %scan3A_288, %mul3A_290 : i32
        %add3A_292 = arith.constant 0 : i32
        %add3A_293 = arith.addi %mul3A_291, %add3A_292 : i32
        %mul3A_294 = arith.constant 8192 : i32
        %mul3A_295 = arith.muli %add3A_293, %mul3A_294 : i32
        %gt3A = arith.constant 0 : i32
        %gt3A_296 = arith.cmpi sgt, %scan3A_288, %gt3A : i32
        %convert_element_type3A_297 = arith.extui %gt3A_296 : i1 to i32
        %cond3A_298 = arith.constant 0 : i32
        %cond3A_299 = arith.cmpi ne, %convert_element_type3A_297, %cond3A_298 : i32
        scf.if %cond3A_299 {
          %add3A_330 = arith.addi %mul3A_276, %mul3A_295 : i32
          %dma_wait3A_331 = tpu.memref_slice %arg5[%add3A_330] : memref<44040192xf32, #tpu.memory_space<hbm>> -> memref<8192xf32, #tpu.memory_space<hbm>>
          %dma_wait3A_332 = tpu.memref_slice %arg5[%add3A_330] : memref<44040192xf32, #tpu.memory_space<hbm>> -> memref<8192xf32, #tpu.memory_space<hbm>>
          tpu.wait_dma2 semaphore(%arg15 : memref<!tpu.dma_semaphore, #tpu.memory_space<semaphore_mem>>) src(%arg11 : memref<8192xf32, #tpu.memory_space<vmem>>) dst(%dma_wait3A_332 : memref<8192xf32, #tpu.memory_space<hbm>>)
        } else {
        }
        %add3A_300 = arith.addi %mul3A_269, %mul3A_295 : i32
        %dma_start3A_301 = tpu.memref_slice %arg4[%add3A_300] : memref<10485760xf32, #tpu.memory_space<hbm>> -> memref<8192xf32, #tpu.memory_space<hbm>>
        %dma_start3A_302 = tpu.memref_slice %arg4[%add3A_300] : memref<10485760xf32, #tpu.memory_space<hbm>> -> memref<8192xf32, #tpu.memory_space<hbm>>
        tpu.enqueue_dma source(%dma_start3A_302 : memref<8192xf32, #tpu.memory_space<hbm>>) target(%arg11 : memref<8192xf32, #tpu.memory_space<vmem>>) target_semaphore(%arg13 : memref<!tpu.dma_semaphore, #tpu.memory_space<semaphore_mem>>)
        %add3A_303 = arith.addi %mul3A_269, %mul3A_295 : i32
        %dma_wait3A_304 = tpu.memref_slice %arg4[%add3A_303] : memref<10485760xf32, #tpu.memory_space<hbm>> -> memref<8192xf32, #tpu.memory_space<hbm>>
        %dma_wait3A_305 = tpu.memref_slice %arg4[%add3A_303] : memref<10485760xf32, #tpu.memory_space<hbm>> -> memref<8192xf32, #tpu.memory_space<hbm>>
        tpu.wait_dma2 semaphore(%arg13 : memref<!tpu.dma_semaphore, #tpu.memory_space<semaphore_mem>>) src(%dma_wait3A_305 : memref<8192xf32, #tpu.memory_space<hbm>>) dst(%arg11 : memref<8192xf32, #tpu.memory_space<vmem>>)
        %add3A_306 = arith.addi %mul3A_276, %mul3A_295 : i32
        %dma_start3A_307 = tpu.memref_slice %arg5[%add3A_306] : memref<44040192xf32, #tpu.memory_space<hbm>> -> memref<8192xf32, #tpu.memory_space<hbm>>
        %dma_start3A_308 = tpu.memref_slice %arg5[%add3A_306] : memref<44040192xf32, #tpu.memory_space<hbm>> -> memref<8192xf32, #tpu.memory_space<hbm>>
        tpu.enqueue_dma source(%arg11 : memref<8192xf32, #tpu.memory_space<vmem>>) target(%dma_start3A_308 : memref<8192xf32, #tpu.memory_space<hbm>>) target_semaphore(%arg15 : memref<!tpu.dma_semaphore, #tpu.memory_space<semaphore_mem>>)
        %mul3A_309 = arith.constant 2 : i32
        %mul3A_310 = arith.muli %scan3A_288, %mul3A_309 : i32
        %add3A_311 = arith.constant 1 : i32
        %add3A_312 = arith.addi %mul3A_310, %add3A_311 : i32
        %mul3A_313 = arith.constant 8192 : i32
        %mul3A_314 = arith.muli %add3A_312, %mul3A_313 : i32
        %gt3A_315 = arith.constant 0 : i32
        %gt3A_316 = arith.cmpi sgt, %scan3A_288, %gt3A_315 : i32
        %convert_element_type3A_317 = arith.extui %gt3A_316 : i1 to i32
        %cond3A_318 = arith.constant 0 : i32
        %cond3A_319 = arith.cmpi ne, %convert_element_type3A_317, %cond3A_318 : i32
        scf.if %cond3A_319 {
          %add3A_330 = arith.addi %mul3A_276, %mul3A_314 : i32
          %dma_wait3A_331 = tpu.memref_slice %arg5[%add3A_330] : memref<44040192xf32, #tpu.memory_space<hbm>> -> memref<8192xf32, #tpu.memory_space<hbm>>
          %dma_wait3A_332 = tpu.memref_slice %arg5[%add3A_330] : memref<44040192xf32, #tpu.memory_space<hbm>> -> memref<8192xf32, #tpu.memory_space<hbm>>
          tpu.wait_dma2 semaphore(%arg16 : memref<!tpu.dma_semaphore, #tpu.memory_space<semaphore_mem>>) src(%arg12 : memref<8192xf32, #tpu.memory_space<vmem>>) dst(%dma_wait3A_332 : memref<8192xf32, #tpu.memory_space<hbm>>)
        } else {
        }
        %add3A_320 = arith.addi %mul3A_269, %mul3A_314 : i32
        %dma_start3A_321 = tpu.memref_slice %arg4[%add3A_320] : memref<10485760xf32, #tpu.memory_space<hbm>> -> memref<8192xf32, #tpu.memory_space<hbm>>
        %dma_start3A_322 = tpu.memref_slice %arg4[%add3A_320] : memref<10485760xf32, #tpu.memory_space<hbm>> -> memref<8192xf32, #tpu.memory_space<hbm>>
        tpu.enqueue_dma source(%dma_start3A_322 : memref<8192xf32, #tpu.memory_space<hbm>>) target(%arg12 : memref<8192xf32, #tpu.memory_space<vmem>>) target_semaphore(%arg14 : memref<!tpu.dma_semaphore, #tpu.memory_space<semaphore_mem>>)
        %add3A_323 = arith.addi %mul3A_269, %mul3A_314 : i32
        %dma_wait3A_324 = tpu.memref_slice %arg4[%add3A_323] : memref<10485760xf32, #tpu.memory_space<hbm>> -> memref<8192xf32, #tpu.memory_space<hbm>>
        %dma_wait3A_325 = tpu.memref_slice %arg4[%add3A_323] : memref<10485760xf32, #tpu.memory_space<hbm>> -> memref<8192xf32, #tpu.memory_space<hbm>>
        tpu.wait_dma2 semaphore(%arg14 : memref<!tpu.dma_semaphore, #tpu.memory_space<semaphore_mem>>) src(%dma_wait3A_325 : memref<8192xf32, #tpu.memory_space<hbm>>) dst(%arg12 : memref<8192xf32, #tpu.memory_space<vmem>>)
        %add3A_326 = arith.addi %mul3A_276, %mul3A_314 : i32
        %dma_start3A_327 = tpu.memref_slice %arg5[%add3A_326] : memref<44040192xf32, #tpu.memory_space<hbm>> -> memref<8192xf32, #tpu.memory_space<hbm>>
        %dma_start3A_328 = tpu.memref_slice %arg5[%add3A_326] : memref<44040192xf32, #tpu.memory_space<hbm>> -> memref<8192xf32, #tpu.memory_space<hbm>>
        tpu.enqueue_dma source(%arg12 : memref<8192xf32, #tpu.memory_space<vmem>>) target(%dma_start3A_328 : memref<8192xf32, #tpu.memory_space<hbm>>) target_semaphore(%arg16 : memref<!tpu.dma_semaphore, #tpu.memory_space<semaphore_mem>>)
        %scan3A_329 = arith.constant 0 : i32
        scf.yield %scan3A_329 : i32
      }
      %scan3A_283 = arith.constant 16 : i32
      %dma_wait3A_284 = tpu.memref_slice %arg5[%mul3A_276] : memref<44040192xf32, #tpu.memory_space<hbm>> -> memref<8192xf32, #tpu.memory_space<hbm>>
      %dma_wait3A_285 = tpu.memref_slice %arg5[%mul3A_276] : memref<44040192xf32, #tpu.memory_space<hbm>> -> memref<8192xf32, #tpu.memory_space<hbm>>
      tpu.wait_dma2 semaphore(%arg15 : memref<!tpu.dma_semaphore, #tpu.memory_space<semaphore_mem>>) src(%arg11 : memref<8192xf32, #tpu.memory_space<vmem>>) dst(%dma_wait3A_285 : memref<8192xf32, #tpu.memory_space<hbm>>)
      %dma_wait3A_286 = tpu.memref_slice %arg5[%mul3A_276] : memref<44040192xf32, #tpu.memory_space<hbm>> -> memref<8192xf32, #tpu.memory_space<hbm>>
      %dma_wait3A_287 = tpu.memref_slice %arg5[%mul3A_276] : memref<44040192xf32, #tpu.memory_space<hbm>> -> memref<8192xf32, #tpu.memory_space<hbm>>
      tpu.wait_dma2 semaphore(%arg16 : memref<!tpu.dma_semaphore, #tpu.memory_space<semaphore_mem>>) src(%arg12 : memref<8192xf32, #tpu.memory_space<vmem>>) dst(%dma_wait3A_287 : memref<8192xf32, #tpu.memory_space<hbm>>)
      "tpu.trace_stop"() : () -> ()
    } else {
    }
    %add3A_232 = arith.constant 32 : i32
    %add3A_233 = arith.addi %add3A, %add3A_232 : i32
    %lt3A_234 = arith.constant 40 : i32
    %lt3A_235 = arith.cmpi slt, %add3A_233, %lt3A_234 : i32
    %convert_element_type3A_236 = arith.extui %lt3A_235 : i1 to i32
    %cond3A_237 = arith.constant 0 : i32
    %cond3A_238 = arith.cmpi ne, %convert_element_type3A_236, %cond3A_237 : i32
    scf.if %cond3A_238 {
      %jit3A_239 = arith.constant 8 : i32
      %div3A_240 = arith.divsi %add3A_233, %jit3A_239 : i32
      %sign3A_241 = arith.constant 0 : i32
      %sign3A_242 = arith.cmpi sgt, %add3A_233, %sign3A_241 : i32
      %sign3A_243 = arith.extui %sign3A_242 : i1 to i32
      %sign3A_244 = arith.constant 0 : i32
      %sign3A_245 = arith.cmpi slt, %add3A_233, %sign3A_244 : i32
      %sign3A_246 = arith.extui %sign3A_245 : i1 to i32
      %sign3A_247 = arith.subi %sign3A_243, %sign3A_246 : i32
      %sign3A_248 = arith.constant 0 : i32
      %sign3A_249 = arith.cmpi sgt, %jit3A_239, %sign3A_248 : i32
      %sign3A_250 = arith.extui %sign3A_249 : i1 to i32
      %sign3A_251 = arith.constant 0 : i32
      %sign3A_252 = arith.cmpi slt, %jit3A_239, %sign3A_251 : i32
      %sign3A_253 = arith.extui %sign3A_252 : i1 to i32
      %sign3A_254 = arith.subi %sign3A_250, %sign3A_253 : i32
      %ne3A_255 = arith.cmpi ne, %sign3A_247, %sign3A_254 : i32
      %rem3A_256 = arith.remsi %add3A_233, %jit3A_239 : i32
      %ne3A_257 = arith.constant 0 : i32
      %ne3A_258 = arith.cmpi ne, %rem3A_256, %ne3A_257 : i32
      %and3A_259 = arith.andi %ne3A_255, %ne3A_258 : i1
      %sub3A_260 = arith.constant 1 : i32
      %sub3A_261 = arith.subi %div3A_240, %sub3A_260 : i32
      %select_n3A_262 = arith.select %and3A_259, %sub3A_261, %div3A_240 : i32
      %rem3A_263 = arith.constant 8 : i32
      %rem3A_264 = arith.remsi %add3A_233, %rem3A_263 : i32
      %mul3A_265 = arith.constant 8 : i32
      %mul3A_266 = arith.muli %select_n3A_262, %mul3A_265 : i32
      %add3A_267 = arith.addi %mul3A_266, %rem3A_264 : i32
      %mul3A_268 = arith.constant 262144 : i32
      %mul3A_269 = arith.muli %add3A_267, %mul3A_268 : i32
      %mul3A_270 = arith.constant 21 : i32
      %mul3A_271 = arith.muli %rem3A_264, %mul3A_270 : i32
      %add3A_272 = arith.constant 16 : i32
      %add3A_273 = arith.addi %mul3A_271, %add3A_272 : i32
      %add3A_274 = arith.addi %add3A_273, %select_n3A_262 : i32
      %mul3A_275 = arith.constant 262144 : i32
      %mul3A_276 = arith.muli %add3A_274, %mul3A_275 : i32
      "tpu.trace_start"() <{level = 10 : i32, message = "dense_phase"}> : () -> ()
      %scan3A_277 = arith.constant 0 : i32
      %scan3A_278 = arith.constant 0 : i32
      %scan3A_279 = arith.constant 16 : i32
      %scan3A_280 = arith.addi %scan3A_278, %scan3A_279 : i32
      %scan3A_281 = arith.constant 1 : i32
      %scan3A_282 = scf.for %scan3A_288 = %scan3A_278 to %scan3A_280 step %scan3A_281 iter_args(%scan3A_289 = %scan3A_277) -> (i32)  : i32 {
        %mul3A_290 = arith.constant 2 : i32
        %mul3A_291 = arith.muli %scan3A_288, %mul3A_290 : i32
        %add3A_292 = arith.constant 0 : i32
        %add3A_293 = arith.addi %mul3A_291, %add3A_292 : i32
        %mul3A_294 = arith.constant 8192 : i32
        %mul3A_295 = arith.muli %add3A_293, %mul3A_294 : i32
        %gt3A = arith.constant 0 : i32
        %gt3A_296 = arith.cmpi sgt, %scan3A_288, %gt3A : i32
        %convert_element_type3A_297 = arith.extui %gt3A_296 : i1 to i32
        %cond3A_298 = arith.constant 0 : i32
        %cond3A_299 = arith.cmpi ne, %convert_element_type3A_297, %cond3A_298 : i32
        scf.if %cond3A_299 {
          %add3A_330 = arith.addi %mul3A_276, %mul3A_295 : i32
          %dma_wait3A_331 = tpu.memref_slice %arg5[%add3A_330] : memref<44040192xf32, #tpu.memory_space<hbm>> -> memref<8192xf32, #tpu.memory_space<hbm>>
          %dma_wait3A_332 = tpu.memref_slice %arg5[%add3A_330] : memref<44040192xf32, #tpu.memory_space<hbm>> -> memref<8192xf32, #tpu.memory_space<hbm>>
          tpu.wait_dma2 semaphore(%arg15 : memref<!tpu.dma_semaphore, #tpu.memory_space<semaphore_mem>>) src(%arg11 : memref<8192xf32, #tpu.memory_space<vmem>>) dst(%dma_wait3A_332 : memref<8192xf32, #tpu.memory_space<hbm>>)
        } else {
        }
        %add3A_300 = arith.addi %mul3A_269, %mul3A_295 : i32
        %dma_start3A_301 = tpu.memref_slice %arg4[%add3A_300] : memref<10485760xf32, #tpu.memory_space<hbm>> -> memref<8192xf32, #tpu.memory_space<hbm>>
        %dma_start3A_302 = tpu.memref_slice %arg4[%add3A_300] : memref<10485760xf32, #tpu.memory_space<hbm>> -> memref<8192xf32, #tpu.memory_space<hbm>>
        tpu.enqueue_dma source(%dma_start3A_302 : memref<8192xf32, #tpu.memory_space<hbm>>) target(%arg11 : memref<8192xf32, #tpu.memory_space<vmem>>) target_semaphore(%arg13 : memref<!tpu.dma_semaphore, #tpu.memory_space<semaphore_mem>>)
        %add3A_303 = arith.addi %mul3A_269, %mul3A_295 : i32
        %dma_wait3A_304 = tpu.memref_slice %arg4[%add3A_303] : memref<10485760xf32, #tpu.memory_space<hbm>> -> memref<8192xf32, #tpu.memory_space<hbm>>
        %dma_wait3A_305 = tpu.memref_slice %arg4[%add3A_303] : memref<10485760xf32, #tpu.memory_space<hbm>> -> memref<8192xf32, #tpu.memory_space<hbm>>
        tpu.wait_dma2 semaphore(%arg13 : memref<!tpu.dma_semaphore, #tpu.memory_space<semaphore_mem>>) src(%dma_wait3A_305 : memref<8192xf32, #tpu.memory_space<hbm>>) dst(%arg11 : memref<8192xf32, #tpu.memory_space<vmem>>)
        %add3A_306 = arith.addi %mul3A_276, %mul3A_295 : i32
        %dma_start3A_307 = tpu.memref_slice %arg5[%add3A_306] : memref<44040192xf32, #tpu.memory_space<hbm>> -> memref<8192xf32, #tpu.memory_space<hbm>>
        %dma_start3A_308 = tpu.memref_slice %arg5[%add3A_306] : memref<44040192xf32, #tpu.memory_space<hbm>> -> memref<8192xf32, #tpu.memory_space<hbm>>
        tpu.enqueue_dma source(%arg11 : memref<8192xf32, #tpu.memory_space<vmem>>) target(%dma_start3A_308 : memref<8192xf32, #tpu.memory_space<hbm>>) target_semaphore(%arg15 : memref<!tpu.dma_semaphore, #tpu.memory_space<semaphore_mem>>)
        %mul3A_309 = arith.constant 2 : i32
        %mul3A_310 = arith.muli %scan3A_288, %mul3A_309 : i32
        %add3A_311 = arith.constant 1 : i32
        %add3A_312 = arith.addi %mul3A_310, %add3A_311 : i32
        %mul3A_313 = arith.constant 8192 : i32
        %mul3A_314 = arith.muli %add3A_312, %mul3A_313 : i32
        %gt3A_315 = arith.constant 0 : i32
        %gt3A_316 = arith.cmpi sgt, %scan3A_288, %gt3A_315 : i32
        %convert_element_type3A_317 = arith.extui %gt3A_316 : i1 to i32
        %cond3A_318 = arith.constant 0 : i32
        %cond3A_319 = arith.cmpi ne, %convert_element_type3A_317, %cond3A_318 : i32
        scf.if %cond3A_319 {
          %add3A_330 = arith.addi %mul3A_276, %mul3A_314 : i32
          %dma_wait3A_331 = tpu.memref_slice %arg5[%add3A_330] : memref<44040192xf32, #tpu.memory_space<hbm>> -> memref<8192xf32, #tpu.memory_space<hbm>>
          %dma_wait3A_332 = tpu.memref_slice %arg5[%add3A_330] : memref<44040192xf32, #tpu.memory_space<hbm>> -> memref<8192xf32, #tpu.memory_space<hbm>>
          tpu.wait_dma2 semaphore(%arg16 : memref<!tpu.dma_semaphore, #tpu.memory_space<semaphore_mem>>) src(%arg12 : memref<8192xf32, #tpu.memory_space<vmem>>) dst(%dma_wait3A_332 : memref<8192xf32, #tpu.memory_space<hbm>>)
        } else {
        }
        %add3A_320 = arith.addi %mul3A_269, %mul3A_314 : i32
        %dma_start3A_321 = tpu.memref_slice %arg4[%add3A_320] : memref<10485760xf32, #tpu.memory_space<hbm>> -> memref<8192xf32, #tpu.memory_space<hbm>>
        %dma_start3A_322 = tpu.memref_slice %arg4[%add3A_320] : memref<10485760xf32, #tpu.memory_space<hbm>> -> memref<8192xf32, #tpu.memory_space<hbm>>
        tpu.enqueue_dma source(%dma_start3A_322 : memref<8192xf32, #tpu.memory_space<hbm>>) target(%arg12 : memref<8192xf32, #tpu.memory_space<vmem>>) target_semaphore(%arg14 : memref<!tpu.dma_semaphore, #tpu.memory_space<semaphore_mem>>)
        %add3A_323 = arith.addi %mul3A_269, %mul3A_314 : i32
        %dma_wait3A_324 = tpu.memref_slice %arg4[%add3A_323] : memref<10485760xf32, #tpu.memory_space<hbm>> -> memref<8192xf32, #tpu.memory_space<hbm>>
        %dma_wait3A_325 = tpu.memref_slice %arg4[%add3A_323] : memref<10485760xf32, #tpu.memory_space<hbm>> -> memref<8192xf32, #tpu.memory_space<hbm>>
        tpu.wait_dma2 semaphore(%arg14 : memref<!tpu.dma_semaphore, #tpu.memory_space<semaphore_mem>>) src(%dma_wait3A_325 : memref<8192xf32, #tpu.memory_space<hbm>>) dst(%arg12 : memref<8192xf32, #tpu.memory_space<vmem>>)
        %add3A_326 = arith.addi %mul3A_276, %mul3A_314 : i32
        %dma_start3A_327 = tpu.memref_slice %arg5[%add3A_326] : memref<44040192xf32, #tpu.memory_space<hbm>> -> memref<8192xf32, #tpu.memory_space<hbm>>
        %dma_start3A_328 = tpu.memref_slice %arg5[%add3A_326] : memref<44040192xf32, #tpu.memory_space<hbm>> -> memref<8192xf32, #tpu.memory_space<hbm>>
        tpu.enqueue_dma source(%arg12 : memref<8192xf32, #tpu.memory_space<vmem>>) target(%dma_start3A_328 : memref<8192xf32, #tpu.memory_space<hbm>>) target_semaphore(%arg16 : memref<!tpu.dma_semaphore, #tpu.memory_space<semaphore_mem>>)
        %scan3A_329 = arith.constant 0 : i32
        scf.yield %scan3A_329 : i32
      }
      %scan3A_283 = arith.constant 16 : i32
      %dma_wait3A_284 = tpu.memref_slice %arg5[%mul3A_276] : memref<44040192xf32, #tpu.memory_space<hbm>> -> memref<8192xf32, #tpu.memory_space<hbm>>
      %dma_wait3A_285 = tpu.memref_slice %arg5[%mul3A_276] : memref<44040192xf32, #tpu.memory_space<hbm>> -> memref<8192xf32, #tpu.memory_space<hbm>>
      tpu.wait_dma2 semaphore(%arg15 : memref<!tpu.dma_semaphore, #tpu.memory_space<semaphore_mem>>) src(%arg11 : memref<8192xf32, #tpu.memory_space<vmem>>) dst(%dma_wait3A_285 : memref<8192xf32, #tpu.memory_space<hbm>>)
      %dma_wait3A_286 = tpu.memref_slice %arg5[%mul3A_276] : memref<44040192xf32, #tpu.memory_space<hbm>> -> memref<8192xf32, #tpu.memory_space<hbm>>
      %dma_wait3A_287 = tpu.memref_slice %arg5[%mul3A_276] : memref<44040192xf32, #tpu.memory_space<hbm>> -> memref<8192xf32, #tpu.memory_space<hbm>>
      tpu.wait_dma2 semaphore(%arg16 : memref<!tpu.dma_semaphore, #tpu.memory_space<semaphore_mem>>) src(%arg12 : memref<8192xf32, #tpu.memory_space<vmem>>) dst(%dma_wait3A_287 : memref<8192xf32, #tpu.memory_space<hbm>>)
      "tpu.trace_stop"() : () -> ()
    } else {
    }
    return
  }
}

module attributes {stable_mosaic.version = 14 : i64} {
  func.func @_tc_project_body(%arg0: i32, %arg1: memref<8x12xf32, #tpu.memory_space<vmem>>, %arg2: memref<8x16xf32, #tpu.memory_space<vmem>>, %arg3: memref<3x8192xf32, #tpu.memory_space<vmem>>, %arg4: memref<8x8192xi32, #tpu.memory_space<vmem>>, %arg5: memref<5x8x8192xf32, #tpu.memory_space<vmem>>) attributes {dimension_semantics = [#tpu.dimension_semantics<arbitrary>], iteration_bounds = array<i64: 32>, scalar_prefetch = 0 : i64, scratch_operands = 0 : i64, tpu.core_type = #tpu.core_type<tc>, window_params = [{pipeline_mode = #tpu.pipeline_mode<synchronous>, transform_indices = @transform_0, window_bounds = array<i64: 8, 12>}, {pipeline_mode = #tpu.pipeline_mode<synchronous>, transform_indices = @transform_1, window_bounds = array<i64: 8, 16>}, {transform_indices = @transform_2, window_bounds = array<i64: 3, 8192>}, {transform_indices = @transform_3, window_bounds = array<i64: 8, 8192>}, {transform_indices = @transform_4, window_bounds = array<i64: 5, 8, 8192>}]} {
    %get3A = arith.constant 0 : index
    %get3A_0 = arith.constant 0 : index
    %get3A_1 = vector.load %arg3[%get3A, %get3A_0] : memref<3x8192xf32, #tpu.memory_space<vmem>>, vector<1x8192xf32>
    %get3A_2 = arith.constant 1 : index
    %get3A_3 = arith.constant 0 : index
    %get3A_4 = vector.load %arg3[%get3A_2, %get3A_3] : memref<3x8192xf32, #tpu.memory_space<vmem>>, vector<1x8192xf32>
    %get3A_5 = arith.constant 2 : index
    %get3A_6 = arith.constant 0 : index
    %get3A_7 = vector.load %arg3[%get3A_5, %get3A_6] : memref<3x8192xf32, #tpu.memory_space<vmem>>, vector<1x8192xf32>
    %convert_element_type3A = arith.truncf %get3A_1 : vector<1x8192xf32> to vector<1x8192xbf16>
    %convert_element_type3A_8 = arith.extf %convert_element_type3A : vector<1x8192xbf16> to vector<1x8192xf32>
    %convert_element_type3A_9 = arith.truncf %get3A_4 : vector<1x8192xf32> to vector<1x8192xbf16>
    %convert_element_type3A_10 = arith.extf %convert_element_type3A_9 : vector<1x8192xbf16> to vector<1x8192xf32>
    %convert_element_type3A_11 = arith.truncf %get3A_7 : vector<1x8192xf32> to vector<1x8192xbf16>
    %convert_element_type3A_12 = arith.extf %convert_element_type3A_11 : vector<1x8192xbf16> to vector<1x8192xf32>
    %get3A_13 = arith.constant 0 : index
    %get3A_14 = arith.constant 0 : index
    %get3A_15 = vector.load %arg1[%get3A_13, %get3A_14] : memref<8x12xf32, #tpu.memory_space<vmem>>, vector<8x12xf32>
    %get3A_16 = arith.constant 0 : index
    %get3A_17 = arith.constant 0 : index
    %get3A_18 = vector.load %arg2[%get3A_16, %get3A_17] : memref<8x16xf32, #tpu.memory_space<vmem>>, vector<8x16xf32>
    %convert_element_type3A_19 = arith.truncf %get3A_15 : vector<8x12xf32> to vector<8x12xbf16>
    %convert_element_type3A_20 = arith.extf %convert_element_type3A_19 : vector<8x12xbf16> to vector<8x12xf32>
    %convert_element_type3A_21 = arith.truncf %get3A_18 : vector<8x16xf32> to vector<8x16xbf16>
    %convert_element_type3A_22 = arith.extf %convert_element_type3A_21 : vector<8x16xbf16> to vector<8x16xf32>
    %slice3A = vector.extract_strided_slice %convert_element_type3A_20 {offsets = [0, 0], sizes = [8, 1], strides = [1, 1]} : vector<8x12xf32> to vector<8x1xf32>
    %mul3A = vector.broadcast %slice3A : vector<8x1xf32> to vector<8x8192xf32>
    %mul3A_23 = vector.broadcast %convert_element_type3A_8 : vector<1x8192xf32> to vector<8x8192xf32>
    %mul3A_24 = arith.mulf %mul3A, %mul3A_23 : vector<8x8192xf32>
    %slice3A_25 = vector.extract_strided_slice %convert_element_type3A_20 {offsets = [0, 1], sizes = [8, 1], strides = [1, 1]} : vector<8x12xf32> to vector<8x1xf32>
    %mul3A_26 = vector.broadcast %slice3A_25 : vector<8x1xf32> to vector<8x8192xf32>
    %mul3A_27 = vector.broadcast %convert_element_type3A_10 : vector<1x8192xf32> to vector<8x8192xf32>
    %mul3A_28 = arith.mulf %mul3A_26, %mul3A_27 : vector<8x8192xf32>
    %add3A = arith.addf %mul3A_24, %mul3A_28 : vector<8x8192xf32>
    %slice3A_29 = vector.extract_strided_slice %convert_element_type3A_20 {offsets = [0, 2], sizes = [8, 1], strides = [1, 1]} : vector<8x12xf32> to vector<8x1xf32>
    %mul3A_30 = vector.broadcast %slice3A_29 : vector<8x1xf32> to vector<8x8192xf32>
    %mul3A_31 = vector.broadcast %convert_element_type3A_12 : vector<1x8192xf32> to vector<8x8192xf32>
    %mul3A_32 = arith.mulf %mul3A_30, %mul3A_31 : vector<8x8192xf32>
    %add3A_33 = arith.addf %add3A, %mul3A_32 : vector<8x8192xf32>
    %slice3A_34 = vector.extract_strided_slice %convert_element_type3A_20 {offsets = [0, 3], sizes = [8, 1], strides = [1, 1]} : vector<8x12xf32> to vector<8x1xf32>
    %add3A_35 = vector.broadcast %slice3A_34 : vector<8x1xf32> to vector<8x8192xf32>
    %add3A_36 = arith.addf %add3A_33, %add3A_35 : vector<8x8192xf32>
    %slice3A_37 = vector.extract_strided_slice %convert_element_type3A_20 {offsets = [0, 4], sizes = [8, 1], strides = [1, 1]} : vector<8x12xf32> to vector<8x1xf32>
    %mul3A_38 = vector.broadcast %slice3A_37 : vector<8x1xf32> to vector<8x8192xf32>
    %mul3A_39 = vector.broadcast %convert_element_type3A_8 : vector<1x8192xf32> to vector<8x8192xf32>
    %mul3A_40 = arith.mulf %mul3A_38, %mul3A_39 : vector<8x8192xf32>
    %slice3A_41 = vector.extract_strided_slice %convert_element_type3A_20 {offsets = [0, 5], sizes = [8, 1], strides = [1, 1]} : vector<8x12xf32> to vector<8x1xf32>
    %mul3A_42 = vector.broadcast %slice3A_41 : vector<8x1xf32> to vector<8x8192xf32>
    %mul3A_43 = vector.broadcast %convert_element_type3A_10 : vector<1x8192xf32> to vector<8x8192xf32>
    %mul3A_44 = arith.mulf %mul3A_42, %mul3A_43 : vector<8x8192xf32>
    %add3A_45 = arith.addf %mul3A_40, %mul3A_44 : vector<8x8192xf32>
    %slice3A_46 = vector.extract_strided_slice %convert_element_type3A_20 {offsets = [0, 6], sizes = [8, 1], strides = [1, 1]} : vector<8x12xf32> to vector<8x1xf32>
    %mul3A_47 = vector.broadcast %slice3A_46 : vector<8x1xf32> to vector<8x8192xf32>
    %mul3A_48 = vector.broadcast %convert_element_type3A_12 : vector<1x8192xf32> to vector<8x8192xf32>
    %mul3A_49 = arith.mulf %mul3A_47, %mul3A_48 : vector<8x8192xf32>
    %add3A_50 = arith.addf %add3A_45, %mul3A_49 : vector<8x8192xf32>
    %slice3A_51 = vector.extract_strided_slice %convert_element_type3A_20 {offsets = [0, 7], sizes = [8, 1], strides = [1, 1]} : vector<8x12xf32> to vector<8x1xf32>
    %add3A_52 = vector.broadcast %slice3A_51 : vector<8x1xf32> to vector<8x8192xf32>
    %add3A_53 = arith.addf %add3A_50, %add3A_52 : vector<8x8192xf32>
    %slice3A_54 = vector.extract_strided_slice %convert_element_type3A_20 {offsets = [0, 8], sizes = [8, 1], strides = [1, 1]} : vector<8x12xf32> to vector<8x1xf32>
    %mul3A_55 = vector.broadcast %slice3A_54 : vector<8x1xf32> to vector<8x8192xf32>
    %mul3A_56 = vector.broadcast %convert_element_type3A_8 : vector<1x8192xf32> to vector<8x8192xf32>
    %mul3A_57 = arith.mulf %mul3A_55, %mul3A_56 : vector<8x8192xf32>
    %slice3A_58 = vector.extract_strided_slice %convert_element_type3A_20 {offsets = [0, 9], sizes = [8, 1], strides = [1, 1]} : vector<8x12xf32> to vector<8x1xf32>
    %mul3A_59 = vector.broadcast %slice3A_58 : vector<8x1xf32> to vector<8x8192xf32>
    %mul3A_60 = vector.broadcast %convert_element_type3A_10 : vector<1x8192xf32> to vector<8x8192xf32>
    %mul3A_61 = arith.mulf %mul3A_59, %mul3A_60 : vector<8x8192xf32>
    %add3A_62 = arith.addf %mul3A_57, %mul3A_61 : vector<8x8192xf32>
    %slice3A_63 = vector.extract_strided_slice %convert_element_type3A_20 {offsets = [0, 10], sizes = [8, 1], strides = [1, 1]} : vector<8x12xf32> to vector<8x1xf32>
    %mul3A_64 = vector.broadcast %slice3A_63 : vector<8x1xf32> to vector<8x8192xf32>
    %mul3A_65 = vector.broadcast %convert_element_type3A_12 : vector<1x8192xf32> to vector<8x8192xf32>
    %mul3A_66 = arith.mulf %mul3A_64, %mul3A_65 : vector<8x8192xf32>
    %add3A_67 = arith.addf %add3A_62, %mul3A_66 : vector<8x8192xf32>
    %slice3A_68 = vector.extract_strided_slice %convert_element_type3A_20 {offsets = [0, 11], sizes = [8, 1], strides = [1, 1]} : vector<8x12xf32> to vector<8x1xf32>
    %add3A_69 = vector.broadcast %slice3A_68 : vector<8x1xf32> to vector<8x8192xf32>
    %add3A_70 = arith.addf %add3A_67, %add3A_69 : vector<8x8192xf32>
    %abs3A = math.absf %add3A_70 : vector<8x8192xf32>
    %lt3A = arith.constant 9.99999993E-9 : f32
    %lt3A_71 = vector.broadcast %lt3A : f32 to vector<8x8192xf32>
    %lt3A_72 = arith.cmpf olt, %abs3A, %lt3A_71 : vector<8x8192xf32>
    %jit3A = arith.constant 9.99999993E-9 : f32
    %broadcast_in_dim3A = vector.broadcast %jit3A : f32 to vector<8x8192xf32>
    %select_n3A = arith.select %lt3A_72, %broadcast_in_dim3A, %add3A_70 : vector<8x8192xi1>, vector<8x8192xf32>
    %div3A = arith.divf %add3A_36, %select_n3A : vector<8x8192xf32>
    %div3A_73 = arith.divf %add3A_53, %select_n3A : vector<8x8192xf32>
    %round3A = math.roundeven %div3A : vector<8x8192xf32>
    %convert_element_type3A_74 = arith.fptosi %round3A : vector<8x8192xf32> to vector<8x8192xi32>
    %round3A_75 = math.roundeven %div3A_73 : vector<8x8192xf32>
    %convert_element_type3A_76 = arith.fptosi %round3A_75 : vector<8x8192xf32> to vector<8x8192xi32>
    %ge3A = arith.constant 0 : i32
    %ge3A_77 = vector.broadcast %ge3A : i32 to vector<8x8192xi32>
    %ge3A_78 = arith.cmpi sge, %convert_element_type3A_74, %ge3A_77 : vector<8x8192xi32>
    %lt3A_79 = arith.constant 256 : i32
    %lt3A_80 = vector.broadcast %lt3A_79 : i32 to vector<8x8192xi32>
    %lt3A_81 = arith.cmpi slt, %convert_element_type3A_74, %lt3A_80 : vector<8x8192xi32>
    %and3A = arith.andi %ge3A_78, %lt3A_81 : vector<8x8192xi1>
    %ge3A_82 = arith.constant 0 : i32
    %ge3A_83 = vector.broadcast %ge3A_82 : i32 to vector<8x8192xi32>
    %ge3A_84 = arith.cmpi sge, %convert_element_type3A_76, %ge3A_83 : vector<8x8192xi32>
    %and3A_85 = arith.andi %and3A, %ge3A_84 : vector<8x8192xi1>
    %lt3A_86 = arith.constant 256 : i32
    %lt3A_87 = vector.broadcast %lt3A_86 : i32 to vector<8x8192xi32>
    %lt3A_88 = arith.cmpi slt, %convert_element_type3A_76, %lt3A_87 : vector<8x8192xi32>
    %and3A_89 = arith.andi %and3A_85, %lt3A_88 : vector<8x8192xi1>
    %gt3A = arith.constant 9.99999993E-9 : f32
    %gt3A_90 = vector.broadcast %gt3A : f32 to vector<8x8192xf32>
    %gt3A_91 = arith.cmpf ogt, %add3A_70, %gt3A_90 : vector<8x8192xf32>
    %and3A_92 = arith.andi %and3A_89, %gt3A_91 : vector<8x8192xi1>
    %jit3A_93 = arith.constant 0 : i32
    %jit3A_94 = arith.constant 255 : i32
    %max3A = vector.broadcast %jit3A_93 : i32 to vector<8x8192xi32>
    %max3A_95 = arith.maxsi %max3A, %convert_element_type3A_74 : vector<8x8192xi32>
    %min3A = vector.broadcast %jit3A_94 : i32 to vector<8x8192xi32>
    %min3A_96 = arith.minsi %min3A, %max3A_95 : vector<8x8192xi32>
    %jit3A_97 = arith.constant 0 : i32
    %jit3A_98 = arith.constant 255 : i32
    %max3A_99 = vector.broadcast %jit3A_97 : i32 to vector<8x8192xi32>
    %max3A_100 = arith.maxsi %max3A_99, %convert_element_type3A_76 : vector<8x8192xi32>
    %min3A_101 = vector.broadcast %jit3A_98 : i32 to vector<8x8192xi32>
    %min3A_102 = arith.minsi %min3A_101, %max3A_100 : vector<8x8192xi32>
    %mul3A_103 = arith.constant 256 : i32
    %mul3A_104 = vector.broadcast %mul3A_103 : i32 to vector<8x8192xi32>
    %mul3A_105 = arith.muli %min3A_102, %mul3A_104 : vector<8x8192xi32>
    %add3A_106 = arith.addi %mul3A_105, %min3A_96 : vector<8x8192xi32>
    %jit3A_107 = arith.constant 65536 : i32
    %broadcast_in_dim3A_108 = vector.broadcast %jit3A_107 : i32 to vector<8x8192xi32>
    %select_n3A_109 = arith.select %and3A_92, %add3A_106, %broadcast_in_dim3A_108 : vector<8x8192xi1>, vector<8x8192xi32>
    %swap3A = arith.constant 0 : index
    %swap3A_110 = arith.constant 0 : index
    %swap3A_111 = vector.load %arg4[%swap3A, %swap3A_110] : memref<8x8192xi32, #tpu.memory_space<vmem>>, vector<8x8192xi32>
    tpu.vector_store %arg4[%swap3A, %swap3A_110], %select_n3A_109 {strides = array<i32>} : memref<8x8192xi32, #tpu.memory_space<vmem>>, vector<8x8192xi32>,
    %slice3A_112 = vector.extract_strided_slice %convert_element_type3A_22 {offsets = [0, 8], sizes = [8, 1], strides = [1, 1]} : vector<8x16xf32> to vector<8x1xf32>
    %mul3A_113 = vector.broadcast %slice3A_112 : vector<8x1xf32> to vector<8x8192xf32>
    %mul3A_114 = vector.broadcast %convert_element_type3A_8 : vector<1x8192xf32> to vector<8x8192xf32>
    %mul3A_115 = arith.mulf %mul3A_113, %mul3A_114 : vector<8x8192xf32>
    %slice3A_116 = vector.extract_strided_slice %convert_element_type3A_22 {offsets = [0, 9], sizes = [8, 1], strides = [1, 1]} : vector<8x16xf32> to vector<8x1xf32>
    %mul3A_117 = vector.broadcast %slice3A_116 : vector<8x1xf32> to vector<8x8192xf32>
    %mul3A_118 = vector.broadcast %convert_element_type3A_10 : vector<1x8192xf32> to vector<8x8192xf32>
    %mul3A_119 = arith.mulf %mul3A_117, %mul3A_118 : vector<8x8192xf32>
    %add3A_120 = arith.addf %mul3A_115, %mul3A_119 : vector<8x8192xf32>
    %slice3A_121 = vector.extract_strided_slice %convert_element_type3A_22 {offsets = [0, 10], sizes = [8, 1], strides = [1, 1]} : vector<8x16xf32> to vector<8x1xf32>
    %mul3A_122 = vector.broadcast %slice3A_121 : vector<8x1xf32> to vector<8x8192xf32>
    %mul3A_123 = vector.broadcast %convert_element_type3A_12 : vector<1x8192xf32> to vector<8x8192xf32>
    %mul3A_124 = arith.mulf %mul3A_122, %mul3A_123 : vector<8x8192xf32>
    %add3A_125 = arith.addf %add3A_120, %mul3A_124 : vector<8x8192xf32>
    %slice3A_126 = vector.extract_strided_slice %convert_element_type3A_22 {offsets = [0, 11], sizes = [8, 1], strides = [1, 1]} : vector<8x16xf32> to vector<8x1xf32>
    %add3A_127 = vector.broadcast %slice3A_126 : vector<8x1xf32> to vector<8x8192xf32>
    %add3A_128 = arith.addf %add3A_125, %add3A_127 : vector<8x8192xf32>
    %slice3A_129 = vector.extract_strided_slice %get3A_18 {offsets = [0, 3], sizes = [8, 1], strides = [1, 1]} : vector<8x16xf32> to vector<8x1xf32>
    %slice3A_130 = vector.extract_strided_slice %get3A_18 {offsets = [0, 7], sizes = [8, 1], strides = [1, 1]} : vector<8x16xf32> to vector<8x1xf32>
    %slice3A_131 = vector.extract_strided_slice %get3A_18 {offsets = [0, 11], sizes = [8, 1], strides = [1, 1]} : vector<8x16xf32> to vector<8x1xf32>
    %slice3A_132 = vector.extract_strided_slice %get3A_18 {offsets = [0, 0], sizes = [8, 1], strides = [1, 1]} : vector<8x16xf32> to vector<8x1xf32>
    %mul3A_133 = arith.mulf %slice3A_132, %slice3A_129 : vector<8x1xf32>
    %slice3A_134 = vector.extract_strided_slice %get3A_18 {offsets = [0, 4], sizes = [8, 1], strides = [1, 1]} : vector<8x16xf32> to vector<8x1xf32>
    %mul3A_135 = arith.mulf %slice3A_134, %slice3A_130 : vector<8x1xf32>
    %add3A_136 = arith.addf %mul3A_133, %mul3A_135 : vector<8x1xf32>
    %slice3A_137 = vector.extract_strided_slice %get3A_18 {offsets = [0, 8], sizes = [8, 1], strides = [1, 1]} : vector<8x16xf32> to vector<8x1xf32>
    %mul3A_138 = arith.mulf %slice3A_137, %slice3A_131 : vector<8x1xf32>
    %add3A_139 = arith.addf %add3A_136, %mul3A_138 : vector<8x1xf32>
    %neg3A = arith.constant 0.000000e+00 : f32
    %neg3A_140 = vector.broadcast %neg3A : f32 to vector<8x1xf32>
    %neg3A_141 = arith.subf %neg3A_140, %add3A_139 : vector<8x1xf32>
    %slice3A_142 = vector.extract_strided_slice %get3A_18 {offsets = [0, 1], sizes = [8, 1], strides = [1, 1]} : vector<8x16xf32> to vector<8x1xf32>
    %mul3A_143 = arith.mulf %slice3A_142, %slice3A_129 : vector<8x1xf32>
    %slice3A_144 = vector.extract_strided_slice %get3A_18 {offsets = [0, 5], sizes = [8, 1], strides = [1, 1]} : vector<8x16xf32> to vector<8x1xf32>
    %mul3A_145 = arith.mulf %slice3A_144, %slice3A_130 : vector<8x1xf32>
    %add3A_146 = arith.addf %mul3A_143, %mul3A_145 : vector<8x1xf32>
    %slice3A_147 = vector.extract_strided_slice %get3A_18 {offsets = [0, 9], sizes = [8, 1], strides = [1, 1]} : vector<8x16xf32> to vector<8x1xf32>
    %mul3A_148 = arith.mulf %slice3A_147, %slice3A_131 : vector<8x1xf32>
    %add3A_149 = arith.addf %add3A_146, %mul3A_148 : vector<8x1xf32>
    %neg3A_150 = arith.constant 0.000000e+00 : f32
    %neg3A_151 = vector.broadcast %neg3A_150 : f32 to vector<8x1xf32>
    %neg3A_152 = arith.subf %neg3A_151, %add3A_149 : vector<8x1xf32>
    %slice3A_153 = vector.extract_strided_slice %get3A_18 {offsets = [0, 2], sizes = [8, 1], strides = [1, 1]} : vector<8x16xf32> to vector<8x1xf32>
    %mul3A_154 = arith.mulf %slice3A_153, %slice3A_129 : vector<8x1xf32>
    %slice3A_155 = vector.extract_strided_slice %get3A_18 {offsets = [0, 6], sizes = [8, 1], strides = [1, 1]} : vector<8x16xf32> to vector<8x1xf32>
    %mul3A_156 = arith.mulf %slice3A_155, %slice3A_130 : vector<8x1xf32>
    %add3A_157 = arith.addf %mul3A_154, %mul3A_156 : vector<8x1xf32>
    %slice3A_158 = vector.extract_strided_slice %get3A_18 {offsets = [0, 10], sizes = [8, 1], strides = [1, 1]} : vector<8x16xf32> to vector<8x1xf32>
    %mul3A_159 = arith.mulf %slice3A_158, %slice3A_131 : vector<8x1xf32>
    %add3A_160 = arith.addf %add3A_157, %mul3A_159 : vector<8x1xf32>
    %neg3A_161 = arith.constant 0.000000e+00 : f32
    %neg3A_162 = vector.broadcast %neg3A_161 : f32 to vector<8x1xf32>
    %neg3A_163 = arith.subf %neg3A_162, %add3A_160 : vector<8x1xf32>
    %sub3A = vector.broadcast %get3A_1 : vector<1x8192xf32> to vector<8x8192xf32>
    %sub3A_164 = vector.broadcast %neg3A_141 : vector<8x1xf32> to vector<8x8192xf32>
    %sub3A_165 = arith.subf %sub3A, %sub3A_164 : vector<8x8192xf32>
    %sub3A_166 = vector.broadcast %get3A_4 : vector<1x8192xf32> to vector<8x8192xf32>
    %sub3A_167 = vector.broadcast %neg3A_152 : vector<8x1xf32> to vector<8x8192xf32>
    %sub3A_168 = arith.subf %sub3A_166, %sub3A_167 : vector<8x8192xf32>
    %sub3A_169 = vector.broadcast %get3A_7 : vector<1x8192xf32> to vector<8x8192xf32>
    %sub3A_170 = vector.broadcast %neg3A_163 : vector<8x1xf32> to vector<8x8192xf32>
    %sub3A_171 = arith.subf %sub3A_169, %sub3A_170 : vector<8x8192xf32>
    %mul3A_172 = arith.mulf %sub3A_165, %sub3A_165 : vector<8x8192xf32>
    %mul3A_173 = arith.mulf %sub3A_168, %sub3A_168 : vector<8x8192xf32>
    %add3A_174 = arith.addf %mul3A_172, %mul3A_173 : vector<8x8192xf32>
    %mul3A_175 = arith.mulf %sub3A_171, %sub3A_171 : vector<8x8192xf32>
    %add3A_176 = arith.addf %add3A_174, %mul3A_175 : vector<8x8192xf32>
    %sqrt3A = math.sqrt %add3A_176 : vector<8x8192xf32>
    %max3A_177 = arith.constant 9.99999993E-9 : f32
    %max3A_178 = vector.broadcast %max3A_177 : f32 to vector<8x8192xf32>
    %max3A_179 = arith.maximumf %sqrt3A, %max3A_178 : vector<8x8192xf32>
    %convert_element_type3A_180 = arith.extui %and3A_92 : vector<8x8192xi1> to vector<8x8192xi32>
    %convert_element_type3A_181 = arith.sitofp %convert_element_type3A_180 : vector<8x8192xi32> to vector<8x8192xf32>
    %div3A_182 = arith.divf %sub3A_165, %max3A_179 : vector<8x8192xf32>
    %div3A_183 = arith.divf %sub3A_168, %max3A_179 : vector<8x8192xf32>
    %div3A_184 = arith.divf %sub3A_171, %max3A_179 : vector<8x8192xf32>
    %stack3A = vector.shape_cast %add3A_128 : vector<8x8192xf32> to vector<1x8x8192xf32>
    %stack3A_185 = vector.shape_cast %convert_element_type3A_181 : vector<8x8192xf32> to vector<1x8x8192xf32>
    %stack3A_186 = vector.shape_cast %div3A_182 : vector<8x8192xf32> to vector<1x8x8192xf32>
    %stack3A_187 = vector.shape_cast %div3A_183 : vector<8x8192xf32> to vector<1x8x8192xf32>
    %stack3A_188 = vector.shape_cast %div3A_184 : vector<8x8192xf32> to vector<1x8x8192xf32>
    %stack3A_189 = tpu.concatenate %stack3A, %stack3A_185, %stack3A_186, %stack3A_187, %stack3A_188 in 0 : vector<1x8x8192xf32>, vector<1x8x8192xf32>, vector<1x8x8192xf32>, vector<1x8x8192xf32>, vector<1x8x8192xf32> -> vector<5x8x8192xf32>
    %swap3A_190 = arith.constant 0 : index
    %swap3A_191 = arith.constant 0 : index
    %swap3A_192 = arith.constant 0 : index
    %swap3A_193 = vector.load %arg5[%swap3A_190, %swap3A_191, %swap3A_192] : memref<5x8x8192xf32, #tpu.memory_space<vmem>>, vector<5x8x8192xf32>
    tpu.vector_store %arg5[%swap3A_190, %swap3A_191, %swap3A_192], %stack3A_189 {strides = array<i32>} : memref<5x8x8192xf32, #tpu.memory_space<vmem>>, vector<5x8x8192xf32>,
    return
  }
  func.func @transform_0(%arg0: i32) -> (i32, i32) {
    %c0_i32 = arith.constant 0 : i32
    %c0_i32_0 = arith.constant 0 : i32
    %c0_i32_1 = arith.constant 0 : i32
    return %c0_i32, %c0_i32_0 : i32, i32
  }
  func.func @transform_1(%arg0: i32) -> (i32, i32) {
    %c0_i32 = arith.constant 0 : i32
    %c0_i32_0 = arith.constant 0 : i32
    %c0_i32_1 = arith.constant 0 : i32
    return %c0_i32, %c0_i32_0 : i32, i32
  }
  func.func @transform_2(%arg0: i32) -> (i32, i32) {
    %c0_i32 = arith.constant 0 : i32
    %c0_i32_0 = arith.constant 0 : i32
    return %c0_i32, %arg0 : i32, i32
  }
  func.func @transform_3(%arg0: i32) -> (i32, i32) {
    %c0_i32 = arith.constant 0 : i32
    %c0_i32_0 = arith.constant 0 : i32
    return %c0_i32, %arg0 : i32, i32
  }
  func.func @transform_4(%arg0: i32) -> (i32, i32, i32) {
    %c0_i32 = arith.constant 0 : i32
    %c0_i32_0 = arith.constant 0 : i32
    %c0_i32_1 = arith.constant 0 : i32
    return %c0_i32, %c0_i32_0, %arg0 : i32, i32, i32
  }
}

</mosaic_0001>

<sc_bundles>
// kernel: kernel.4.cloned.1.call-start
scs
__scs_entry_jumppad:
0x0: {  	(pc) =	sbr.rel $0x88, $3  }
0x1: {  	(tag) =	ssettag $0x0;
	lr =	simm.s32 $0x1  }
0x2: {  	[smem:$0x3F9D] =	sst lr;
	_ =	strace $0xD0000000  }
0x3: {  	_ = 	snop  }
0x4: {  	_ = 	snop  }
0x5: {  	_ = 	snop  }
0x6: {  	_ = 	snop  }
0x7: {  	_ = 	snop  }
__scs_overlays_trampoline_lowered:
0x8: {  	[smem:$0x3FAC] =	sst s0  }
0x9: {  	[smem:$0x3FAD] =	sst s1  }
0xa: {  	[smem:$0x3FAE] =	sst s2  }
0xb: {  	[smem:$0x3FAF] =	sst s3  }
0xc: {  	[smem:$0x3FB0] =	sst s4  }
0xd: {  	[smem:$0x3FB1] =	sst s5  }
0xe: {  	[smem:$0x3FB2] =	sst s6  }
0xf: {  	[smem:$0x3FB3] =	sst s7  }
0x10: {  	[smem:$0x3FB4] =	sst s8  }
0x11: {  	[smem:$0x3FB5] =	sst s9;
	s0 =	simm.s32 @!p0 $0x0  }
0x12: {  	s1 =	sld [smem:$0x3F9B];
	s0 =	simm.s32 @p0 $0x1  }
0x13: {  	[smem:$0x3FB6] =	sst s0;
	s0 =	simm.s32 @!p1 $0x0  }
0x14: {  	s2 =	sld [smem:$0x3F9A];
	s0 =	simm.s32 @p1 $0x1  }
0x15: {  	[smem:$0x3FB7] =	sst s0;
	s0 =	simm.s32 @!p2 $0x0  }
0x16: {  	s3 =	sld [smem:$0x3FDB];
	s0 =	simm.s32 @p2 $0x1  }
0x17: {  	s4 =	simm.s32 $0x1BF5;
	[smem:$0x3FB9] =	sst s0  }
0x18: {  	s0 =	sld [smem:$0x3F9C];
	_ =	swait.ge [sflag:s4], $0x0  }
0x19: {  	s7 =	sld [smem:$0x3F9D]  }
0x1a: {  	s8 =	sadd.s32 $0xFFFFE003, lr  }
0x1b: {  	s9 =	sadd.s32 $0xFFFFFEF7, lr;
	s5 =	simm.s32 $0xFFFFFFFF;
	p2 =	slt.u32 s8, $0xFFFFF086  }
0x1c: {  	p1 =	slt.u32 s9, $0xF7A;
	s5 =	simm.s32 @!p2 $0x0  }
0x1d: {  	s5 =	simm.s32 @p1 $0x1;
	p0 =	seq.s32 s7, s2  }
0x1e: {  	s7 =	smul.u32 @!p0 $0xF7A, s2;
	p2 =	seq.s32 @!p0 s5, $0x0  }
0x1f: {  	s9 =	smul.u32 $0xF7A, s1;
	s8 =	simm.s32 @!p0 $0x1BF5;
	p2 =	por !p2, p0  }
0x20: {  	[sflag:s8] =	ssyncset.s32 @!p0 $0xFFFFF086;
	s6 =	sadd.s32 @!p0 s3, s7;
	s7 =	simm.s32 @!p0 $0x108  }
0x21: {  	s3 =	sadd.s32 s3, s9;
	s6 =	sadd.s32 @!p0 $0x88, s6;
	s7 =	simm.s32 @p2 $0x1082  }
0x22: {  	[simem:s7], [sflag:s8] =	dma.local @!p0 [hbm:s6], $0xF7A  }
0x23: {  	s9 =	sor.u32 $0xD0000000, s2;
	s6 =	simm.s32 $0x108;
	_ =	swait.ge @!p0 [sflag:s8], $0x0  }
0x24: {  	s3 =	sadd.s32 $0x88, s3;
	s6 =	simm.s32 @!p1 $0x1082;
	[sflag:s4] =	ssyncset.s32 $0xFFFFF086  }
0x25: {  	[simem:s6], [sflag:s4] =	dma.local [hbm:s3], $0xF7A  }
0x26: {  	[smem:$0x3F9D] =	sst s1;
	(tag) =	ssettag s2;
	_ =	strace s9  }
0x27: {  	s1 =	sld [smem:$0x3FAD]  }
0x28: {  	s2 =	sld [smem:$0x3FAE]  }
0x29: {  	s4 =	sld [smem:$0x3FB0]  }
0x2a: {  	p0 =	seq.s32 s5, $0x0;
	s5 =	sld [smem:$0x3FB1]  }
0x2b: {  	s6 =	sld [smem:$0x3FB2]  }
0x2c: {  	s7 =	sld [smem:$0x3FB3]  }
0x2d: {  	s3 =	simm.s32 $0x108;
	s8 =	sld [smem:$0x3FB4]  }
0x2e: {  	s3 =	simm.s32 @!p0 $0x1082;
	s9 =	sld [smem:$0x3FB5]  }
0x2f: {  	lr =	sadd.s32 s0, s3;
	s0 =	sld [smem:$0x3FAC]  }
0x30: {  	s3 =	sld [smem:$0x3FAF]  }
0x31: {  	[smem:$0x3FB8] =	sst s10  }
0x32: {  	s10 =	sld [smem:$0x3FB6];
	_ =	sdelay $0x3  }
0x33: {  	p0 =	seq.s32 s10, $0x1;
	s10 =	sld [smem:$0x3FB8];
	_ =	sdelay $0x3  }
0x34: {  	[smem:$0x3FB8] =	sst s10  }
0x35: {  	s10 =	sld [smem:$0x3FB7];
	_ =	sdelay $0x3  }
0x36: {  	p1 =	seq.s32 s10, $0x1;
	s10 =	sld [smem:$0x3FB8];
	_ =	sdelay $0x3  }
0x37: {  	[smem:$0x3FB8] =	sst s10  }
0x38: {  	s10 =	sld [smem:$0x3FB9]  }
0x39: {  	_ = 	snop;
	(pc) =	sbr.ind lr, $3  }
0x3a: {  	_ = 	snop  }
0x3b: {  	_ = 	snop  }
0x3c: {  	p2 =	seq.s32 s10, $0x1;
	s10 =	sld [smem:$0x3FB8]  }
0x3d: {  	_ =	shalt  }
0x3e: {  	_ =	shalt  }
0x3f: {  	_ =	shalt  }
0x40: {  	_ =	shalt  }
0x41: {  	_ =	shalt  }
0x42: {  	_ =	shalt  }
0x43: {  	_ =	shalt  }
0x44: {  	_ =	shalt  }
0x45: {  	_ =	shalt  }
0x46: {  	_ =	shalt  }
0x47: {  	_ =	shalt  }
0x48: {  	_ =	shalt  }
0x49: {  	_ =	shalt  }
0x4a: {  	_ =	shalt  }
0x4b: {  	_ =	shalt  }
0x4c: {  	_ =	shalt  }
0x4d: {  	_ =	shalt  }
0x4e: {  	_ =	shalt  }
0x4f: {  	_ =	shalt  }
0x50: {  	_ =	shalt  }
0x51: {  	_ =	shalt  }
0x52: {  	_ =	shalt  }
0x53: {  	_ =	shalt  }
0x54: {  	_ =	shalt  }
0x55: {  	_ =	shalt  }
0x56: {  	_ =	shalt  }
0x57: {  	_ =	shalt  }
0x58: {  	_ =	shalt  }
0x59: {  	_ =	shalt  }
0x5a: {  	_ =	shalt  }
0x5b: {  	_ =	shalt  }
0x5c: {  	_ =	shalt  }
0x5d: {  	_ =	shalt  }
0x5e: {  	_ =	shalt  }
0x5f: {  	_ =	shalt  }
0x60: {  	_ =	shalt  }
0x61: {  	_ =	shalt  }
0x62: {  	_ =	shalt  }
0x63: {  	_ =	shalt  }
0x64: {  	_ =	shalt  }
0x65: {  	_ =	shalt  }
0x66: {  	_ =	shalt  }
0x67: {  	_ =	shalt  }
0x68: {  	_ =	shalt  }
0x69: {  	_ =	shalt  }
0x6a: {  	_ =	shalt  }
0x6b: {  	_ =	shalt  }
0x6c: {  	_ =	shalt  }
0x6d: {  	_ =	shalt  }
0x6e: {  	_ =	shalt  }
0x6f: {  	_ =	shalt  }
0x70: {  	_ =	shalt  }
0x71: {  	_ =	shalt  }
0x72: {  	_ =	shalt  }
0x73: {  	_ =	shalt  }
0x74: {  	_ =	shalt  }
0x75: {  	_ =	shalt  }
0x76: {  	_ =	shalt  }
0x77: {  	_ =	shalt  }
0x78: {  	_ =	shalt  }
0x79: {  	_ =	shalt  }
0x7a: {  	_ =	shalt  }
0x7b: {  	_ =	shalt  }
0x7c: {  	_ =	shalt  }
0x7d: {  	_ =	shalt  }
0x7e: {  	_ =	shalt  }
0x7f: {  	_ =	shalt  }
0x80: {  	_ =	shalt  }
0x81: {  	_ =	shalt  }
0x82: {  	_ =	shalt  }
0x83: {  	_ =	shalt  }
0x84: {  	_ =	shalt  }
0x85: {  	_ =	shalt  }
0x86: {  	_ =	shalt  }
0x87: {  	_ =	shalt  }
.Lfunc_end0:
.L_simem_size_0:
called_computation.2_lowered:
.L_overlay_start_0:
0x88: {  	s2 =	sld [smem:$0x3FD9]  }
0x89: {  	s3 =	sld [smem:$0x3FFE];
	_ =	sdelay $0x1  }
0x8a: {  	s1 =	srdreg.scid  }
0x8b: {  	s0 =	sand.u32 $0x1, s1  }
0x8c: {  	s16 =	sshll.u32 s0, $0xA;
	s2 =	sadd.s32 s3, s2  }
0x8d: {  	s2 =	sadd.s32 s2, s16  }
0x8e: {  	[smem:$0x3FC4] =	sst s2  }
0x8f: {  	_ = 	snop  }
0x90: {  	(tm) =	ssettm $0x1  }
0x91: {  	s17 =	sld [smem:$0x3FFB];
	_ =	sdelay $0x3  }
0x92: {  	_ =	strace s17  }
0x93: {  	s2 =	sld [smem:$0x3FFC];
	_ =	sdelay $0x3  }
0x94: {  	_ =	strace s2  }
0x95: {  	s2 =	sld [smem:$0x3FFD];
	_ =	sdelay $0x3  }
0x96: {  	_ =	strace s2  }
0x97: {  	_ =	strace $0x8FFFFFFF  }
0x98: {  	s18 =	sld [smem:$0x3FDB];
	_ =	sdelay $0x1  }
0x99: {  	s19 =	simm.s32 $_scs_section_size  }
0x9a: {  	s4 =	simm.s32 $_size__tile_overlayer_lowered;
	s5 =	simm.s32 $_tile_overlayer_lowered  }
0x9b: {  	s22 =	simm.s32 $0x1BFF;
	s21 =	sshll.u32 s5, $0x1;
	s2 =	sadd.s32 s19, s18  }
0x9c: {  	s6 =	simm.s32 $0x0;
	s20 =	sshll.u32 s4, $0x1;
	s4 =	sadd.s32 s21, s2  }
0x9d: {  	[timem:s6], [sflag:s22] =	dma.local [hbm:s4], s20  }
0x9e: {  	_ =	swait.ge [sflag:s22], s20  }
0x9f: {  	s3 =	ssub.s32 $0x0, s20;
	[sflag:s22] =	ssyncset.done $0x0  }
0xa0: {  	[sflag:s22] =	ssyncadd.s32 s3;
	_ =	sdelay $0x1  }
0xa1: {  	s23 =	simm.s32 $0x1B8B  }
0xa2: {  	_ =	swait.ge [sflag:s23], $0x1  }
0xa3: {  	[sflag:s23] =	ssyncset.done $0x0  }
0xa4: {  	s25 =	simm.s32 $0x1B8E;
	s24 =	sld [smem:$0x3FFE];
	[sflag:s23] =	ssyncadd.s32 $0xFFFFFFFF  }
0xa5: {  	s26 =	simm.s32 $execute0_lowered;
	[smem:$0x3FD2] =	sst s25  }
0xa6: {  	s4 =	sshll.u32 s26, $0x1;
	_ =	strace $0x8000004C;
	[dreg:$0x1] =	wrdreg $0xFFFFFFFF  }
0xa7: {  	s28 =	simm.s32 $_size_execute0_lowered;
	s2 =	sadd.s32 s2, s4;
	[dreg:$0x0] =	wrdreg $0x0  }
0xa8: {  	s4 =	sshll.u32 s28, $0x1;
	[dreg:$0x2] =	wrdreg s2  }
0xa9: {  	[dreg:$0x3] =	wrdreg s4  }
0xaa: {  	[dreg:$0x4] =	wrdreg $0xC0  }
0xab: {  	_ =	task [dreg:s6], $0x5FFFF  }
0xac: {  	[dreg:$0x1] =	wrdreg $0xFFFFFFFF  }
0xad: {  	[dreg:$0x0] =	wrdreg $0x60  }
0xae: {  	[dreg:$0x2] =	wrdreg s24  }
0xaf: {  	[dreg:$0x3] =	wrdreg $0x9  }
0xb0: {  	_ =	task.clear_ibuf [dreg:s6], $0x4FFFF;
	_ =	strace $0x9000004C  }
0xb1: {  	s29 =	simm.s32 $0x9;
	_ =	strace $0x80000058  }
0xb2: {  	_ =	swait.ge [sflag:s29], $0x1  }
0xb3: {  	[sflag:s29] =	ssyncadd.s32 $0xFFFFFFFF  }
0xb4: {  	_ =	strace $0x90000058  }
0xb5: {  	_ =	sfence  }
0xb6: {  	s30 =	sld [smem:$0x0];
	_ =	sdelay $0x2  }
0xb7: {  	s31 =	sshll.u32 s1, $0xD;
	s1 =	sshrl.u32 s1, $0x2  }
0xb8: {  	s3 =	sand.u32 $0x4000, s31;
	s1 =	sadd.s32 s1, s30  }
0xb9: {  	s0 =	sor.u32 s3, s0;
	s1 =	sshll.u32 s1, $0x11  }
0xba: {  	s0 =	sor.u32 s1, s0  }
0xbb: {  	s0 =	sadd.s32 $0x8F2B, s0  }
0xbc: {  	[sflag:s0] =	ssyncadd.remote.s32 $0x1  }
0xbd: {  	_ =	sfence.sel $0xFFFF  }
0xbe: {  	[dreg:$0x0] =	wrdreg $0xFFFFFFFF;
	(pc) =	sbr.abs _section_cstart, $3  }
0xbf: {  	[dreg:$0x1] =	wrdreg $0xFFFFFFFF  }
0xc0: {  	_ =	task.clear_ibuf [dreg:s6], $0x2FFFF;
	_ =	strace $0x9FFFFFFF  }
0xc1: {  	(tm) =	ssettm $0x7FFFFFFF  }
tec
execute0_lowered:
.L_overlay_start_1:
0x0: {  	(tag) =	ssettag $0x1  }
0x1: {  	s2 =	rddreg [dreg:$0x0]  }
0x2: {  	s1 =	simm.s32 $0x0;
	s0 =	srdreg.scid;
	s22 =	stileid.u32  }
0x3: {  	[smem:$0x7FF] =	sst s1;
	s5 =	sadd.s32 $0x1600, s2;
	s3 =	sadd.s32 $0x241600, s2  }
0x4: {  	s6 =	sadd.s32 $0x101600, s2;
	s7 =	sand.u32 $0x1, s0;
	s21 =	sshll.u32 s22, $0x1  }
0x5: {  	s9 =	sshrl.u32 s22, $0x1;
	s4 =	sadd.s32 $0x281600, s2;
	s17 =	sshrl.u32 s22, $0x2  }
0x6: {  	p0 =	sgt.u32 s22, $0x3;
	_ =	strace $0x8000004D;
	s8 =	ssub.s32 $0x2, s7  }
0x7: {  	s0 =	sor.u32 s7, s21;
	s12 =	smul.u32 $0x15, s9;
	s21 =	sshll.u32 s17, $0x15  }
0x8: {  	s10 =	sshrl.u32 s8, $0x1;
	s11 =	sshll.u32 s0, $0x2;
	s26 =	sshllo.u32 s0, $0x2  }
0x9: {  	s16 =	sand.u32 $0x7, s0;
	s2 =	ssub.s32 s8, s10;
	s23 =	sand.u32 $0xC, s11  }
0xa: {  	s10 =	sshll.u32 s0, $0xF;
	s13 =	sor.u32 $0x1, s11;
	s20 =	smul.u32 $0x15, s16  }
0xb: {  	s11 =	sor.u32 $0x2, s11;
	s0 =	smul.u32 $0x540000, s0;
	s8 =	sadd.s32 s12, s23  }
0xc: {  	s14 =	sadd.s32 s5, s10;
	s24 =	sand.u32 $0xD, s13;
	s13 =	sshll.u32 s13, $0xD  }
0xd: {  	s25 =	sand.u32 $0xE, s11;
	s11 =	sshll.u32 s11, $0xD;
	s23 =	sshll.u32 s16, $0x12  }
0xe: {  	s2 =	smax.u32 s2, $0x1;
	[dreg:$0x2] =	wrdreg s14;
	s15 =	sadd.s32 s12, s24  }
0xf: {  	s13 =	sadd.s32 s5, s13;
	s18 =	sadd.s32 s12, s25;
	s11 =	sadd.s32 s5, s11  }
0x10: {  	s14 =	sshll.u32 s26, $0xD;
	s20 =	sadd.s32 s17, s20;
	[dreg:$0x8] =	wrdreg s2  }
0x11: {  	s24 =	sshll.u32 s22, $0x13;
	s25 =	sshll.u32 s7, $0x12;
	[dreg:$0x3] =	wrdreg s13  }
0x12: {  	s7 =	smul.u32 $0x540000, s7;
	s0 =	sshrl.u32 s0, $0x3;
	[dreg:$0x4] =	wrdreg s11  }
0x13: {  	s13 =	sand.u32 $0xF, s26;
	s5 =	sadd.s32 s5, s14;
	s11 =	sor.u32 s25, s24  }
0x14: {  	s18 =	sshll.u32 s18, $0x12;
	s0 =	sadd.s32 s4, s0;
	s19 =	sadd.s32 s12, s13  }
0x15: {  	[dreg:$0x5] =	wrdreg s5;
	s12 =	smul.u32 $0x540000, s16;
	s13 =	sor.u32 s21, s23  }
0x16: {  	s5 =	sshll.u32 s17, $0x12;
	s16 =	smul.u32 $0xA80000, s22;
	s21 =	sadd.s32 s10, s6  }
0x17: {  	s17 =	sor.u32 $0x806000, s11;
	s24 =	sor.u32 $0x804000, s11;
	s22 =	simm.s32 $0x1A080  }
0x18: {  	s14 =	sor.u32 $0x6000, s13;
	s26 =	sshrl.u32 s13, $0x3;
	s25 =	sshrl.u32 s24, $0x3  }
0x19: {  	s19 =	sshll.u32 s19, $0x12;
	s5 =	sadd.s32 s5, s12;
	s14 =	sshrl.u32 s14, $0x3  }
0x1a: {  	s23 =	sadd.s32 s6, s26;
	s7 =	sadd.s32 s7, s16;
	s26 =	sshll.u32 s9, $0x12  }
0x1b: {  	s9 =	sshll.u32 s9, $0xF;
	s10 =	sadd.s32 s14, s6;
	s14 =	sor.u32 $0x4000, s13  }
0x1c: {  	s13 =	sshrl.u32 s17, $0x3;
	s16 =	sor.u32 $0x4000, s26;
	s17 =	sshll.u32 s15, $0x12  }
0x1d: {  	s15 =	sshll.u32 s20, $0xF;
	s26 =	sadd.s32 $0x100000, s21;
	[dreg:$0x6] =	wrdreg s23  }
0x1e: {  	s12 =	sshrl.u32 s14, $0x3;
	s14 =	sshll.u32 s8, $0x12;
	s8 =	sadd.s32 s3, s9  }
0x1f: {  	[dreg:$0xb] =	wrdreg s26;
	s9 =	sadd.s32 $0x100400, s21;
	s21 =	sadd.s32 $0x506000, s7  }
0x20: {  	s26 =	sadd.s32 $0x400, s23;
	s11 =	sadd.s32 s12, s6;
	s12 =	sadd.s32 s13, s6  }
0x21: {  	s13 =	sadd.s32 s25, s6;
	s6 =	sadd.s32 s4, s15;
	[dreg:$0xc] =	wrdreg s9  }
0x22: {  	s25 =	sadd.s32 $0x406000, s5;
	s15 =	sadd.s32 $0xA0000, s0;
	[dreg:$0x7] =	wrdreg s8  }
0x23: {  	s0 =	sadd.s32 $0xA0400, s0;
	[dreg:$0x10] =	wrdreg s26;
	s26 =	simm.s32 $0x1  }
0x24: {  	s9 =	simm.s32 $0x0;
	s20 =	sadd.s32 $0x80000, s6;
	[dreg:$0xd] =	wrdreg s15  }
0x25: {  	s24 =	sadd.s32 $0x80400, s6;
	s2 =	sshrl.u32 s25, $0x3;
	[dreg:$0xe] =	wrdreg s0  }
0x26: {  	s25 =	sadd.s32 $0x400, s8;
	s6 =	simm.s32 $0x2;
	[dreg:$0x9] =	wrdreg s20  }
0x27: {  	s8 =	simm.s32 $0x3;
	[dreg:$0xa] =	wrdreg s24;
	s28 =	sadd.s32 s2, s4  }
.Ltmp0:
0x28: {  	s20 =	sadd.s32 $0x404000, s5;
	s24 =	sadd.s32 $0x504000, s7;
	(pc) =	sbr.rel .LBB2_1-.Ltmp0, $4  }
0x29: {  	s2 =	sshrl.u32 s21, $0x3;
	[dreg:$0xf] =	wrdreg s25;
	s25 =	simm.s32 $0x5  }
0x2a: {  	s7 =	simm.s32 $0x16080;
	s21 =	simm.s32 $0x18080;
	s0 =	sshrl.u32 s20, $0x3  }
0x2b: {  	s5 =	sshrl.u32 s24, $0x3;
	s30 =	sadd.s32 s2, s4;
	s20 =	simm.s32 $0x4  }
0x2c: {  	v0 =	vimm.f32 $0.0e+00;
	s29 =	sadd.s32 s0, s4;
	s31 =	sadd.s32 s5, s4;
	s5 =	simm.s32 $0x14080  }
.LBB2_31:
0x2d: {  	s9 =	sadd.s32 $0x1, s9;
	s0 =	rddreg [dreg:$0x8]  }
0x2e: {  	p1 =	sne.s32 s9, s0  }
.Ltmp1:
0x2f: {  	_ = 	snop;
	(pc) =	sbr.rel @!p1 .LBB2_32-.Ltmp1, $1  }
0x30: {  	_ =	sdelay $0x3  }
.LBB2_1:
0x31: {  	s0 =	rddreg [dreg:$0x7];
	s2 =	simm.s32 $0x10080  }
0x32: {  	[tilespmem:s2], [sflag:$0x1] =	stream.linear.gather [hbm4b:s0+s1], $0x2000, $0x38;
	[tilespmem:$0x1C080] =	vst v63  }
0x33: {  	s15 =	rddreg [dreg:$0xf];
	s23 =	simm.s32 $0x12080  }
0x34: {  	[tilespmem:s23], [sflag:$0x2] =	stream.linear.gather [hbm4b:s15+s1], $0x2000, $0x38;
	[tilespmem:$0x1C080] =	vst v63  }
0x35: {  	_ =	strace $0x8000004E  }
0x36: {  	s24 =	rddreg [dreg:$0x2]  }
0x37: {  	[tilespmem:s1], [sflag:$0x5] =	stream.linear.gather [hbm4b:s24+s1], $0x10000, $0x200038;
	[tilespmem:$0x1C080] =	vst v63  }
0x38: {  	_ =	swait.ge [sflag:s25], $0x10000  }
0x39: {  	[sflag:s25] =	ssyncset.done $0x0  }
0x3a: {  	[sflag:s25] =	ssyncadd.s32 $0xFFFF0000  }
0x3b: {  	_ =	strace $0x9000004E;
	[tilespmem:$0x10000] =	vst v0  }
0x3c: {  	s2 =	simm.s32 $0x0;
	_ =	strace $0x8000004F  }
.LBB2_2:
0x3d: {  	_ =	swait.ge [sflag:s26], $0x2000  }
0x3e: {  	p2 =	seq.s32 s2, $0x0;
	[sflag:s26] =	ssyncset.done $0x0  }
0x3f: {  	s0 =	simm.s32 @!p2 $0x3;
	[sflag:s26] =	ssyncadd.s32 $0xFFFFE000  }
0x40: {  	_ =	swait.ge @!p2 [sflag:s0], $0x2000  }
0x41: {  	[sflag:s0] =	ssyncset.done @!p2 $0x0  }
0x42: {  	s24 =	simm.s32 $0x100C0;
	[sflag:s0] =	ssyncadd.s32 @!p2 $0xFFFFE000  }
0x43: {  	v1 =	vld [tilespmem:s24+$0x30]  }
0x44: {  	v2 =	vld [tilespmem:s24+$0xFFFFFFD0]  }
0x45: {  	v3 =	vld [tilespmem:s24+$0xFFFFFFE0]  }
0x46: {  	v4 =	vld [tilespmem:s24+$0xFFFFFFF0]  }
0x47: {  	v7 =	vld [tilespmem:s24+$0x0]  }
0x48: {  	v8 =	vld [tilespmem:s24+$0x10]  }
0x49: {  	v9 =	vld [tilespmem:s24+$0x20]  }
0x4a: {  	v10 =	vld [tilespmem:s24+$0xFFFFFFC0]  }
0x4b: {  	v11 =	vld.idx.msk [tilespmem:v1+s1+$0x0], $0xffff  }
0x4c: {  	v12 =	vld.idx.msk [tilespmem:v2+s1+$0x0], $0xffff  }
0x4d: {  	v6 =	vld.idx.msk [tilespmem:v3+s1+$0x0], $0xffff  }
0x4e: {  	v5 =	vld.idx.msk [tilespmem:v4+s1+$0x0], $0xffff  }
0x4f: {  	v3 =	vld.idx.msk [tilespmem:v7+s1+$0x0], $0xffff  }
0x50: {  	s24 =	simm.s32 $0x140C0;
	v2 =	vld.idx.msk [tilespmem:v8+s1+$0x0], $0xffff  }
0x51: {  	v1 =	vld.idx.msk [tilespmem:v9+s1+$0x0], $0xffff;
	[tilespmem:s24+$0x30] =	vst v11  }
0x52: {  	s23 =	sshll.u32 s2, $0xE;
	s15 =	simm.s32 $0x0;
	s0 =	simm.s32 $0x10140;
	v4 =	vld.idx.msk [tilespmem:v10+s1+$0x0], $0xffff;
	[tilespmem:s24+$0xFFFFFFD0] =	vst v12  }
.LBB2_3:
0x53: {  	v7 =	vld [tilespmem:s0+$0x30];
	s15 =	sadd.s32 $0x8, s15;
	[tilespmem:s24+$0xFFFFFFE0] =	vst v6  }
0x54: {  	v6 =	vld [tilespmem:s0+$0xFFFFFFD0];
	p1 =	slt.u32 s15, $0x1F8;
	[tilespmem:s24+$0xFFFFFFF0] =	vst v5  }
0x55: {  	v5 =	vld [tilespmem:s0+$0xFFFFFFE0];
	[tilespmem:s24+$0x0] =	vst v3  }
0x56: {  	v3 =	vld [tilespmem:s0+$0xFFFFFFF0];
	[tilespmem:s24+$0x10] =	vst v2  }
0x57: {  	v2 =	vld [tilespmem:s0+$0x0];
	[tilespmem:s24+$0x20] =	vst v1  }
0x58: {  	v1 =	vld [tilespmem:s0+$0x10];
	[tilespmem:s24+$0xFFFFFFC0] =	vst v4  }
0x59: {  	v4 =	vld [tilespmem:s0+$0x20]  }
0x5a: {  	v8 =	vld [tilespmem:s0+$0xFFFFFFC0]  }
0x5b: {  	v7 =	vld.idx.msk [tilespmem:v7+s1+$0x0], $0xffff  }
0x5c: {  	v9 =	vld.idx.msk [tilespmem:v6+s1+$0x0], $0xffff  }
0x5d: {  	v6 =	vld.idx.msk [tilespmem:v5+s1+$0x0], $0xffff  }
.Ltmp2:
0x5e: {  	v5 =	vld.idx.msk [tilespmem:v3+s1+$0x0], $0xffff;
	(pc) =	sbr.rel @p1 .LBB2_3-.Ltmp2, $4  }
0x5f: {  	v3 =	vld.idx.msk [tilespmem:v2+s1+$0x0], $0xffff  }
0x60: {  	s24 =	sadd.s32 $0x80, s24;
	v2 =	vld.idx.msk [tilespmem:v1+s1+$0x0], $0xffff  }
0x61: {  	v1 =	vld.idx.msk [tilespmem:v4+s1+$0x0], $0xffff;
	[tilespmem:s24+$0x30] =	vst v7  }
0x62: {  	s0 =	sadd.s32 $0x80, s0;
	v4 =	vld.idx.msk [tilespmem:v8+s1+$0x0], $0xffff;
	[tilespmem:s24+$0xFFFFFFD0] =	vst v9  }
0x63: {  	[tilespmem:s24+$0xFFFFFFE0] =	vst v6  }
0x64: {  	[tilespmem:s24+$0xFFFFFFF0] =	vst v5  }
0x65: {  	p1 =	seq.s32 s2, $0xF;
	[tilespmem:s24+$0x0] =	vst v3  }
0x66: {  	s0 =	sadd.s32 @!p1 s23, s16;
	[tilespmem:s24+$0x10] =	vst v2  }
0x67: {  	s0 =	sshrl.u32 @!p1 s0, $0x3;
	[tilespmem:s24+$0x20] =	vst v1  }
0x68: {  	s15 =	simm.s32 @!p1 $0x0;
	s0 =	sadd.s32 @!p1 s3, s0;
	[tilespmem:s24+$0xFFFFFFC0] =	vst v4;
	s24 =	simm.s32 @!p1 $0x10080  }
0x69: {  	[tilespmem:s24], [sflag:$0x1] =	stream.linear.gather @!p1 [hbm4b:s0+s15], $0x2000, $0x200038;
	[tilespmem:$0x1C080] =	vst v63  }
0x6a: {  	s15 =	sor.u32 s14, s23  }
0x6b: {  	s0 =	sshrl.u32 s15, $0x3  }
0x6c: {  	s0 =	sadd.s32 s4, s0  }
0x6d: {  	[hbm4b:s0+s1] =	stream.linear.scatter [tilespmem:s5], [sflag:$0x3], $0x2000, $0x200038;
	[tilespmem:$0x1C080] =	vst v63  }
0x6e: {  	_ =	swait.ge [sflag:s6], $0x2000  }
0x6f: {  	[sflag:s6] =	ssyncset.done $0x0  }
0x70: {  	s0 =	simm.s32 @!p2 $0x4;
	[sflag:s6] =	ssyncadd.s32 $0xFFFFE000  }
0x71: {  	_ =	swait.ge @!p2 [sflag:s0], $0x2000  }
0x72: {  	[sflag:s0] =	ssyncset.done @!p2 $0x0  }
0x73: {  	s24 =	simm.s32 $0x120C0;
	[sflag:s0] =	ssyncadd.s32 @!p2 $0xFFFFE000  }
0x74: {  	v1 =	vld [tilespmem:s24+$0x30]  }
0x75: {  	v2 =	vld [tilespmem:s24+$0xFFFFFFD0]  }
0x76: {  	v3 =	vld [tilespmem:s24+$0xFFFFFFE0]  }
0x77: {  	v4 =	vld [tilespmem:s24+$0xFFFFFFF0]  }
0x78: {  	v5 =	vld [tilespmem:s24+$0x0]  }
0x79: {  	v7 =	vld [tilespmem:s24+$0x10]  }
0x7a: {  	v8 =	vld [tilespmem:s24+$0x20]  }
0x7b: {  	v9 =	vld [tilespmem:s24+$0xFFFFFFC0]  }
0x7c: {  	v10 =	vld.idx.msk [tilespmem:v1+s1+$0x0], $0xffff  }
0x7d: {  	v11 =	vld.idx.msk [tilespmem:v2+s1+$0x0], $0xffff  }
0x7e: {  	v6 =	vld.idx.msk [tilespmem:v3+s1+$0x0], $0xffff  }
0x7f: {  	v4 =	vld.idx.msk [tilespmem:v4+s1+$0x0], $0xffff  }
0x80: {  	v2 =	vld.idx.msk [tilespmem:v5+s1+$0x0], $0xffff  }
0x81: {  	s24 =	simm.s32 $0x160C0;
	v3 =	vld.idx.msk [tilespmem:v7+s1+$0x0], $0xffff  }
0x82: {  	v1 =	vld.idx.msk [tilespmem:v8+s1+$0x0], $0xffff;
	[tilespmem:s24+$0x30] =	vst v10  }
0x83: {  	s23 =	sor.u32 $0x2000, s23;
	s15 =	simm.s32 $0x0;
	s0 =	simm.s32 $0x12140;
	v5 =	vld.idx.msk [tilespmem:v9+s1+$0x0], $0xffff;
	[tilespmem:s24+$0xFFFFFFD0] =	vst v11  }
.LBB2_5:
0x84: {  	v7 =	vld [tilespmem:s0+$0x30];
	s15 =	sadd.s32 $0x8, s15;
	[tilespmem:s24+$0xFFFFFFE0] =	vst v6  }
0x85: {  	v6 =	vld [tilespmem:s0+$0xFFFFFFD0];
	p2 =	slt.u32 s15, $0x1F8;
	[tilespmem:s24+$0xFFFFFFF0] =	vst v4  }
0x86: {  	v4 =	vld [tilespmem:s0+$0xFFFFFFE0];
	[tilespmem:s24+$0x0] =	vst v2  }
0x87: {  	v2 =	vld [tilespmem:s0+$0xFFFFFFF0];
	[tilespmem:s24+$0x10] =	vst v3  }
0x88: {  	v3 =	vld [tilespmem:s0+$0x0];
	[tilespmem:s24+$0x20] =	vst v1  }
0x89: {  	v1 =	vld [tilespmem:s0+$0x10];
	[tilespmem:s24+$0xFFFFFFC0] =	vst v5  }
0x8a: {  	v5 =	vld [tilespmem:s0+$0x20]  }
0x8b: {  	v8 =	vld [tilespmem:s0+$0xFFFFFFC0]  }
0x8c: {  	v7 =	vld.idx.msk [tilespmem:v7+s1+$0x0], $0xffff  }
0x8d: {  	v9 =	vld.idx.msk [tilespmem:v6+s1+$0x0], $0xffff  }
0x8e: {  	v6 =	vld.idx.msk [tilespmem:v4+s1+$0x0], $0xffff  }
.Ltmp3:
0x8f: {  	v4 =	vld.idx.msk [tilespmem:v2+s1+$0x0], $0xffff;
	(pc) =	sbr.rel @p2 .LBB2_5-.Ltmp3, $4  }
0x90: {  	v2 =	vld.idx.msk [tilespmem:v3+s1+$0x0], $0xffff  }
0x91: {  	s24 =	sadd.s32 $0x80, s24;
	v3 =	vld.idx.msk [tilespmem:v1+s1+$0x0], $0xffff  }
0x92: {  	v1 =	vld.idx.msk [tilespmem:v5+s1+$0x0], $0xffff;
	[tilespmem:s24+$0x30] =	vst v7  }
0x93: {  	s0 =	sadd.s32 $0x80, s0;
	v5 =	vld.idx.msk [tilespmem:v8+s1+$0x0], $0xffff;
	[tilespmem:s24+$0xFFFFFFD0] =	vst v9  }
0x94: {  	[tilespmem:s24+$0xFFFFFFE0] =	vst v6  }
0x95: {  	[tilespmem:s24+$0xFFFFFFF0] =	vst v4  }
0x96: {  	[tilespmem:s24+$0x0] =	vst v2  }
0x97: {  	s0 =	sadd.s32 @!p1 s23, s16;
	[tilespmem:s24+$0x10] =	vst v3  }
0x98: {  	s15 =	simm.s32 @!p1 $0x0;
	s0 =	sshrl.u32 @!p1 s0, $0x3;
	[tilespmem:s24+$0x20] =	vst v1  }
0x99: {  	s2 =	sadd.s32 $0x1, s2;
	s0 =	sadd.s32 @!p1 s3, s0;
	[tilespmem:s24+$0xFFFFFFC0] =	vst v5;
	s24 =	simm.s32 @!p1 $0x12080  }
0x9a: {  	[tilespmem:s24], [sflag:$0x2] =	stream.linear.gather @!p1 [hbm4b:s0+s15], $0x2000, $0x200038;
	[tilespmem:$0x1C080] =	vst v63  }
0x9b: {  	p1 =	sne.s32 s2, $0x10  }
.Ltmp4:
0x9c: {  	_ = 	snop;
	(pc) =	sbr.rel @p1 .LBB2_2-.Ltmp4, $4  }
0x9d: {  	s24 =	sor.u32 s14, s23  }
0x9e: {  	s0 =	sshrl.u32 s24, $0x3  }
0x9f: {  	s0 =	sadd.s32 s4, s0  }
0xa0: {  	[hbm4b:s0+s1] =	stream.linear.scatter [tilespmem:s7], [sflag:$0x4], $0x2000, $0x200038;
	[tilespmem:$0x1C080] =	vst v63  }
0xa1: {  	_ =	swait.ge [sflag:s8], $0x2000  }
0xa2: {  	[sflag:s8] =	ssyncset.done $0x0  }
0xa3: {  	[sflag:s8] =	ssyncadd.s32 $0xFFFFE000  }
0xa4: {  	_ =	swait.ge [sflag:s20], $0x2000  }
0xa5: {  	[sflag:s20] =	ssyncset.done $0x0  }
0xa6: {  	[sflag:s20] =	ssyncadd.s32 $0xFFFFE000  }
0xa7: {  	_ =	strace $0x9000004F  }
0xa8: {  	s2 =	simm.s32 $0x0;
	s15 =	simm.s32 $0x10080;
	s0 =	rddreg [dreg:$0x7]  }
0xa9: {  	[tilespmem:s15], [sflag:$0x1] =	stream.linear.gather [hbm4b:s0+s2], $0x2000, $0x38;
	[tilespmem:$0x1C080] =	vst v63  }
0xaa: {  	s23 =	simm.s32 $0x12080;
	s15 =	rddreg [dreg:$0xf]  }
0xab: {  	[tilespmem:s23], [sflag:$0x2] =	stream.linear.gather [hbm4b:s15+s2], $0x2000, $0x38;
	[tilespmem:$0x1C080] =	vst v63  }
0xac: {  	_ =	strace $0x80000050  }
0xad: {  	s24 =	rddreg [dreg:$0x3]  }
0xae: {  	[tilespmem:s2], [sflag:$0x5] =	stream.linear.gather [hbm4b:s24+s2], $0x10000, $0x200038;
	[tilespmem:$0x1C080] =	vst v63  }
0xaf: {  	_ =	swait.ge [sflag:s25], $0x10000  }
0xb0: {  	[sflag:s25] =	ssyncset.done $0x0  }
0xb1: {  	[sflag:s25] =	ssyncadd.s32 $0xFFFF0000  }
0xb2: {  	_ =	strace $0x90000050;
	[tilespmem:$0x10000] =	vst v0  }
0xb3: {  	_ =	strace $0x80000051  }
.LBB2_8:
0xb4: {  	_ =	swait.ge [sflag:s26], $0x2000  }
0xb5: {  	p2 =	seq.s32 s2, $0x0;
	[sflag:s26] =	ssyncset.done $0x0  }
0xb6: {  	s0 =	simm.s32 @!p2 $0x3;
	[sflag:s26] =	ssyncadd.s32 $0xFFFFE000  }
0xb7: {  	_ =	swait.ge @!p2 [sflag:s0], $0x2000  }
0xb8: {  	[sflag:s0] =	ssyncset.done @!p2 $0x0  }
0xb9: {  	s24 =	simm.s32 $0x100C0;
	[sflag:s0] =	ssyncadd.s32 @!p2 $0xFFFFE000  }
0xba: {  	v1 =	vld [tilespmem:s24+$0x30]  }
0xbb: {  	v2 =	vld [tilespmem:s24+$0xFFFFFFD0]  }
0xbc: {  	v3 =	vld [tilespmem:s24+$0xFFFFFFE0]  }
0xbd: {  	v4 =	vld [tilespmem:s24+$0xFFFFFFF0]  }
0xbe: {  	v7 =	vld [tilespmem:s24+$0x0]  }
0xbf: {  	v8 =	vld [tilespmem:s24+$0x10]  }
0xc0: {  	v9 =	vld [tilespmem:s24+$0x20]  }
0xc1: {  	v10 =	vld [tilespmem:s24+$0xFFFFFFC0]  }
0xc2: {  	v11 =	vld.idx.msk [tilespmem:v1+s1+$0x0], $0xffff  }
0xc3: {  	v12 =	vld.idx.msk [tilespmem:v2+s1+$0x0], $0xffff  }
0xc4: {  	v6 =	vld.idx.msk [tilespmem:v3+s1+$0x0], $0xffff  }
0xc5: {  	v5 =	vld.idx.msk [tilespmem:v4+s1+$0x0], $0xffff  }
0xc6: {  	v3 =	vld.idx.msk [tilespmem:v7+s1+$0x0], $0xffff  }
0xc7: {  	s24 =	simm.s32 $0x140C0;
	v2 =	vld.idx.msk [tilespmem:v8+s1+$0x0], $0xffff  }
0xc8: {  	v1 =	vld.idx.msk [tilespmem:v9+s1+$0x0], $0xffff;
	[tilespmem:s24+$0x30] =	vst v11  }
0xc9: {  	s23 =	sshll.u32 s2, $0xE;
	s15 =	simm.s32 $0x0;
	s0 =	simm.s32 $0x10140;
	v4 =	vld.idx.msk [tilespmem:v10+s1+$0x0], $0xffff;
	[tilespmem:s24+$0xFFFFFFD0] =	vst v12  }
.LBB2_9:
0xca: {  	v7 =	vld [tilespmem:s0+$0x30];
	s15 =	sadd.s32 $0x8, s15;
	[tilespmem:s24+$0xFFFFFFE0] =	vst v6  }
0xcb: {  	v6 =	vld [tilespmem:s0+$0xFFFFFFD0];
	p1 =	slt.u32 s15, $0x1F8;
	[tilespmem:s24+$0xFFFFFFF0] =	vst v5  }
0xcc: {  	v5 =	vld [tilespmem:s0+$0xFFFFFFE0];
	[tilespmem:s24+$0x0] =	vst v3  }
0xcd: {  	v3 =	vld [tilespmem:s0+$0xFFFFFFF0];
	[tilespmem:s24+$0x10] =	vst v2  }
0xce: {  	v2 =	vld [tilespmem:s0+$0x0];
	[tilespmem:s24+$0x20] =	vst v1  }
0xcf: {  	v1 =	vld [tilespmem:s0+$0x10];
	[tilespmem:s24+$0xFFFFFFC0] =	vst v4  }
0xd0: {  	v4 =	vld [tilespmem:s0+$0x20]  }
0xd1: {  	v8 =	vld [tilespmem:s0+$0xFFFFFFC0]  }
0xd2: {  	v7 =	vld.idx.msk [tilespmem:v7+s1+$0x0], $0xffff  }
0xd3: {  	v9 =	vld.idx.msk [tilespmem:v6+s1+$0x0], $0xffff  }
0xd4: {  	v6 =	vld.idx.msk [tilespmem:v5+s1+$0x0], $0xffff  }
.Ltmp5:
0xd5: {  	v5 =	vld.idx.msk [tilespmem:v3+s1+$0x0], $0xffff;
	(pc) =	sbr.rel @p1 .LBB2_9-.Ltmp5, $4  }
0xd6: {  	v3 =	vld.idx.msk [tilespmem:v2+s1+$0x0], $0xffff  }
0xd7: {  	s24 =	sadd.s32 $0x80, s24;
	v2 =	vld.idx.msk [tilespmem:v1+s1+$0x0], $0xffff  }
0xd8: {  	v1 =	vld.idx.msk [tilespmem:v4+s1+$0x0], $0xffff;
	[tilespmem:s24+$0x30] =	vst v7  }
0xd9: {  	s0 =	sadd.s32 $0x80, s0;
	v4 =	vld.idx.msk [tilespmem:v8+s1+$0x0], $0xffff;
	[tilespmem:s24+$0xFFFFFFD0] =	vst v9  }
0xda: {  	[tilespmem:s24+$0xFFFFFFE0] =	vst v6  }
0xdb: {  	[tilespmem:s24+$0xFFFFFFF0] =	vst v5  }
0xdc: {  	p1 =	seq.s32 s2, $0xF;
	[tilespmem:s24+$0x0] =	vst v3  }
0xdd: {  	s0 =	sadd.s32 @!p1 s23, s16;
	[tilespmem:s24+$0x10] =	vst v2  }
0xde: {  	s0 =	sshrl.u32 @!p1 s0, $0x3;
	[tilespmem:s24+$0x20] =	vst v1  }
0xdf: {  	s15 =	simm.s32 @!p1 $0x0;
	s0 =	sadd.s32 @!p1 s3, s0;
	[tilespmem:s24+$0xFFFFFFC0] =	vst v4;
	s24 =	simm.s32 @!p1 $0x10080  }
0xe0: {  	[tilespmem:s24], [sflag:$0x1] =	stream.linear.gather @!p1 [hbm4b:s0+s15], $0x2000, $0x200038;
	[tilespmem:$0x1C080] =	vst v63  }
0xe1: {  	s15 =	sor.u32 s17, s23  }
0xe2: {  	s0 =	sshrl.u32 s15, $0x3  }
0xe3: {  	s0 =	sadd.s32 s4, s0  }
0xe4: {  	[hbm4b:s0+s1] =	stream.linear.scatter [tilespmem:s5], [sflag:$0x3], $0x2000, $0x200038;
	[tilespmem:$0x1C080] =	vst v63  }
0xe5: {  	_ =	swait.ge [sflag:s6], $0x2000  }
0xe6: {  	[sflag:s6] =	ssyncset.done $0x0  }
0xe7: {  	s0 =	simm.s32 @!p2 $0x4;
	[sflag:s6] =	ssyncadd.s32 $0xFFFFE000  }
0xe8: {  	_ =	swait.ge @!p2 [sflag:s0], $0x2000  }
0xe9: {  	[sflag:s0] =	ssyncset.done @!p2 $0x0  }
0xea: {  	s24 =	simm.s32 $0x120C0;
	[sflag:s0] =	ssyncadd.s32 @!p2 $0xFFFFE000  }
0xeb: {  	v1 =	vld [tilespmem:s24+$0x30]  }
0xec: {  	v2 =	vld [tilespmem:s24+$0xFFFFFFD0]  }
0xed: {  	v3 =	vld [tilespmem:s24+$0xFFFFFFE0]  }
0xee: {  	v4 =	vld [tilespmem:s24+$0xFFFFFFF0]  }
0xef: {  	v5 =	vld [tilespmem:s24+$0x0]  }
0xf0: {  	v7 =	vld [tilespmem:s24+$0x10]  }
0xf1: {  	v8 =	vld [tilespmem:s24+$0x20]  }
0xf2: {  	v9 =	vld [tilespmem:s24+$0xFFFFFFC0]  }
0xf3: {  	v10 =	vld.idx.msk [tilespmem:v1+s1+$0x0], $0xffff  }
0xf4: {  	v11 =	vld.idx.msk [tilespmem:v2+s1+$0x0], $0xffff  }
0xf5: {  	v6 =	vld.idx.msk [tilespmem:v3+s1+$0x0], $0xffff  }
0xf6: {  	v4 =	vld.idx.msk [tilespmem:v4+s1+$0x0], $0xffff  }
0xf7: {  	v2 =	vld.idx.msk [tilespmem:v5+s1+$0x0], $0xffff  }
0xf8: {  	s24 =	simm.s32 $0x160C0;
	v3 =	vld.idx.msk [tilespmem:v7+s1+$0x0], $0xffff  }
0xf9: {  	v1 =	vld.idx.msk [tilespmem:v8+s1+$0x0], $0xffff;
	[tilespmem:s24+$0x30] =	vst v10  }
0xfa: {  	s23 =	sor.u32 $0x2000, s23;
	s15 =	simm.s32 $0x0;
	s0 =	simm.s32 $0x12140;
	v5 =	vld.idx.msk [tilespmem:v9+s1+$0x0], $0xffff;
	[tilespmem:s24+$0xFFFFFFD0] =	vst v11  }
.LBB2_11:
0xfb: {  	v7 =	vld [tilespmem:s0+$0x30];
	s15 =	sadd.s32 $0x8, s15;
	[tilespmem:s24+$0xFFFFFFE0] =	vst v6  }
0xfc: {  	v6 =	vld [tilespmem:s0+$0xFFFFFFD0];
	p2 =	slt.u32 s15, $0x1F8;
	[tilespmem:s24+$0xFFFFFFF0] =	vst v4  }
0xfd: {  	v4 =	vld [tilespmem:s0+$0xFFFFFFE0];
	[tilespmem:s24+$0x0] =	vst v2  }
0xfe: {  	v2 =	vld [tilespmem:s0+$0xFFFFFFF0];
	[tilespmem:s24+$0x10] =	vst v3  }
0xff: {  	v3 =	vld [tilespmem:s0+$0x0];
	[tilespmem:s24+$0x20] =	vst v1  }
0x100: {  	v1 =	vld [tilespmem:s0+$0x10];
	[tilespmem:s24+$0xFFFFFFC0] =	vst v5  }
0x101: {  	v5 =	vld [tilespmem:s0+$0x20]  }
0x102: {  	v8 =	vld [tilespmem:s0+$0xFFFFFFC0]  }
0x103: {  	v7 =	vld.idx.msk [tilespmem:v7+s1+$0x0], $0xffff  }
0x104: {  	v9 =	vld.idx.msk [tilespmem:v6+s1+$0x0], $0xffff  }
0x105: {  	v6 =	vld.idx.msk [tilespmem:v4+s1+$0x0], $0xffff  }
.Ltmp6:
0x106: {  	v4 =	vld.idx.msk [tilespmem:v2+s1+$0x0], $0xffff;
	(pc) =	sbr.rel @p2 .LBB2_11-.Ltmp6, $4  }
0x107: {  	v2 =	vld.idx.msk [tilespmem:v3+s1+$0x0], $0xffff  }
0x108: {  	s24 =	sadd.s32 $0x80, s24;
	v3 =	vld.idx.msk [tilespmem:v1+s1+$0x0], $0xffff  }
0x109: {  	v1 =	vld.idx.msk [tilespmem:v5+s1+$0x0], $0xffff;
	[tilespmem:s24+$0x30] =	vst v7  }
0x10a: {  	s0 =	sadd.s32 $0x80, s0;
	v5 =	vld.idx.msk [tilespmem:v8+s1+$0x0], $0xffff;
	[tilespmem:s24+$0xFFFFFFD0] =	vst v9  }
0x10b: {  	[tilespmem:s24+$0xFFFFFFE0] =	vst v6  }
0x10c: {  	[tilespmem:s24+$0xFFFFFFF0] =	vst v4  }
0x10d: {  	[tilespmem:s24+$0x0] =	vst v2  }
0x10e: {  	s0 =	sadd.s32 @!p1 s23, s16;
	[tilespmem:s24+$0x10] =	vst v3  }
0x10f: {  	s15 =	simm.s32 @!p1 $0x0;
	s0 =	sshrl.u32 @!p1 s0, $0x3;
	[tilespmem:s24+$0x20] =	vst v1  }
0x110: {  	s2 =	sadd.s32 $0x1, s2;
	s0 =	sadd.s32 @!p1 s3, s0;
	[tilespmem:s24+$0xFFFFFFC0] =	vst v5;
	s24 =	simm.s32 @!p1 $0x12080  }
0x111: {  	[tilespmem:s24], [sflag:$0x2] =	stream.linear.gather @!p1 [hbm4b:s0+s15], $0x2000, $0x200038;
	[tilespmem:$0x1C080] =	vst v63  }
0x112: {  	p1 =	sne.s32 s2, $0x10  }
.Ltmp7:
0x113: {  	_ = 	snop;
	(pc) =	sbr.rel @p1 .LBB2_8-.Ltmp7, $4  }
0x114: {  	s24 =	sor.u32 s17, s23  }
0x115: {  	s0 =	sshrl.u32 s24, $0x3  }
0x116: {  	s0 =	sadd.s32 s4, s0  }
0x117: {  	[hbm4b:s0+s1] =	stream.linear.scatter [tilespmem:s7], [sflag:$0x4], $0x2000, $0x200038;
	[tilespmem:$0x1C080] =	vst v63  }
0x118: {  	_ =	swait.ge [sflag:s8], $0x2000  }
0x119: {  	[sflag:s8] =	ssyncset.done $0x0  }
0x11a: {  	[sflag:s8] =	ssyncadd.s32 $0xFFFFE000  }
0x11b: {  	_ =	swait.ge [sflag:s20], $0x2000  }
0x11c: {  	[sflag:s20] =	ssyncset.done $0x0  }
0x11d: {  	[sflag:s20] =	ssyncadd.s32 $0xFFFFE000  }
0x11e: {  	_ =	strace $0x90000051  }
0x11f: {  	s2 =	simm.s32 $0x0;
	s15 =	simm.s32 $0x10080;
	s0 =	rddreg [dreg:$0x7]  }
0x120: {  	[tilespmem:s15], [sflag:$0x1] =	stream.linear.gather [hbm4b:s0+s2], $0x2000, $0x38;
	[tilespmem:$0x1C080] =	vst v63  }
0x121: {  	s23 =	simm.s32 $0x12080;
	s15 =	rddreg [dreg:$0xf]  }
0x122: {  	[tilespmem:s23], [sflag:$0x2] =	stream.linear.gather [hbm4b:s15+s2], $0x2000, $0x38;
	[tilespmem:$0x1C080] =	vst v63  }
0x123: {  	_ =	strace $0x80000052  }
0x124: {  	s24 =	rddreg [dreg:$0x4]  }
0x125: {  	[tilespmem:s2], [sflag:$0x5] =	stream.linear.gather [hbm4b:s24+s2], $0x10000, $0x200038;
	[tilespmem:$0x1C080] =	vst v63  }
0x126: {  	_ =	swait.ge [sflag:s25], $0x10000  }
0x127: {  	[sflag:s25] =	ssyncset.done $0x0  }
0x128: {  	[sflag:s25] =	ssyncadd.s32 $0xFFFF0000  }
0x129: {  	_ =	strace $0x90000052;
	[tilespmem:$0x10000] =	vst v0  }
0x12a: {  	_ =	strace $0x80000053  }
.LBB2_14:
0x12b: {  	_ =	swait.ge [sflag:s26], $0x2000  }
0x12c: {  	p2 =	seq.s32 s2, $0x0;
	[sflag:s26] =	ssyncset.done $0x0  }
0x12d: {  	s0 =	simm.s32 @!p2 $0x3;
	[sflag:s26] =	ssyncadd.s32 $0xFFFFE000  }
0x12e: {  	_ =	swait.ge @!p2 [sflag:s0], $0x2000  }
0x12f: {  	[sflag:s0] =	ssyncset.done @!p2 $0x0  }
0x130: {  	s24 =	simm.s32 $0x100C0;
	[sflag:s0] =	ssyncadd.s32 @!p2 $0xFFFFE000  }
0x131: {  	v1 =	vld [tilespmem:s24+$0x30]  }
0x132: {  	v2 =	vld [tilespmem:s24+$0xFFFFFFD0]  }
0x133: {  	v3 =	vld [tilespmem:s24+$0xFFFFFFE0]  }
0x134: {  	v4 =	vld [tilespmem:s24+$0xFFFFFFF0]  }
0x135: {  	v7 =	vld [tilespmem:s24+$0x0]  }
0x136: {  	v8 =	vld [tilespmem:s24+$0x10]  }
0x137: {  	v9 =	vld [tilespmem:s24+$0x20]  }
0x138: {  	v10 =	vld [tilespmem:s24+$0xFFFFFFC0]  }
0x139: {  	v11 =	vld.idx.msk [tilespmem:v1+s1+$0x0], $0xffff  }
0x13a: {  	v12 =	vld.idx.msk [tilespmem:v2+s1+$0x0], $0xffff  }
0x13b: {  	v6 =	vld.idx.msk [tilespmem:v3+s1+$0x0], $0xffff  }
0x13c: {  	v5 =	vld.idx.msk [tilespmem:v4+s1+$0x0], $0xffff  }
0x13d: {  	v3 =	vld.idx.msk [tilespmem:v7+s1+$0x0], $0xffff  }
0x13e: {  	s24 =	simm.s32 $0x140C0;
	v2 =	vld.idx.msk [tilespmem:v8+s1+$0x0], $0xffff  }
0x13f: {  	v1 =	vld.idx.msk [tilespmem:v9+s1+$0x0], $0xffff;
	[tilespmem:s24+$0x30] =	vst v11  }
0x140: {  	s23 =	sshll.u32 s2, $0xE;
	s15 =	simm.s32 $0x0;
	s0 =	simm.s32 $0x10140;
	v4 =	vld.idx.msk [tilespmem:v10+s1+$0x0], $0xffff;
	[tilespmem:s24+$0xFFFFFFD0] =	vst v12  }
.LBB2_15:
0x141: {  	v7 =	vld [tilespmem:s0+$0x30];
	s15 =	sadd.s32 $0x8, s15;
	[tilespmem:s24+$0xFFFFFFE0] =	vst v6  }
0x142: {  	v6 =	vld [tilespmem:s0+$0xFFFFFFD0];
	p1 =	slt.u32 s15, $0x1F8;
	[tilespmem:s24+$0xFFFFFFF0] =	vst v5  }
0x143: {  	v5 =	vld [tilespmem:s0+$0xFFFFFFE0];
	[tilespmem:s24+$0x0] =	vst v3  }
0x144: {  	v3 =	vld [tilespmem:s0+$0xFFFFFFF0];
	[tilespmem:s24+$0x10] =	vst v2  }
0x145: {  	v2 =	vld [tilespmem:s0+$0x0];
	[tilespmem:s24+$0x20] =	vst v1  }
0x146: {  	v1 =	vld [tilespmem:s0+$0x10];
	[tilespmem:s24+$0xFFFFFFC0] =	vst v4  }
0x147: {  	v4 =	vld [tilespmem:s0+$0x20]  }
0x148: {  	v8 =	vld [tilespmem:s0+$0xFFFFFFC0]  }
0x149: {  	v7 =	vld.idx.msk [tilespmem:v7+s1+$0x0], $0xffff  }
0x14a: {  	v9 =	vld.idx.msk [tilespmem:v6+s1+$0x0], $0xffff  }
0x14b: {  	v6 =	vld.idx.msk [tilespmem:v5+s1+$0x0], $0xffff  }
.Ltmp8:
0x14c: {  	v5 =	vld.idx.msk [tilespmem:v3+s1+$0x0], $0xffff;
	(pc) =	sbr.rel @p1 .LBB2_15-.Ltmp8, $4  }
0x14d: {  	v3 =	vld.idx.msk [tilespmem:v2+s1+$0x0], $0xffff  }
0x14e: {  	s24 =	sadd.s32 $0x80, s24;
	v2 =	vld.idx.msk [tilespmem:v1+s1+$0x0], $0xffff  }
0x14f: {  	v1 =	vld.idx.msk [tilespmem:v4+s1+$0x0], $0xffff;
	[tilespmem:s24+$0x30] =	vst v7  }
0x150: {  	s0 =	sadd.s32 $0x80, s0;
	v4 =	vld.idx.msk [tilespmem:v8+s1+$0x0], $0xffff;
	[tilespmem:s24+$0xFFFFFFD0] =	vst v9  }
0x151: {  	[tilespmem:s24+$0xFFFFFFE0] =	vst v6  }
0x152: {  	[tilespmem:s24+$0xFFFFFFF0] =	vst v5  }
0x153: {  	p1 =	seq.s32 s2, $0xF;
	[tilespmem:s24+$0x0] =	vst v3  }
0x154: {  	s0 =	sadd.s32 @!p1 s23, s16;
	[tilespmem:s24+$0x10] =	vst v2  }
0x155: {  	s0 =	sshrl.u32 @!p1 s0, $0x3;
	[tilespmem:s24+$0x20] =	vst v1  }
0x156: {  	s15 =	simm.s32 @!p1 $0x0;
	s0 =	sadd.s32 @!p1 s3, s0;
	[tilespmem:s24+$0xFFFFFFC0] =	vst v4;
	s24 =	simm.s32 @!p1 $0x10080  }
0x157: {  	[tilespmem:s24], [sflag:$0x1] =	stream.linear.gather @!p1 [hbm4b:s0+s15], $0x2000, $0x200038;
	[tilespmem:$0x1C080] =	vst v63  }
0x158: {  	s15 =	sor.u32 s18, s23  }
0x159: {  	s0 =	sshrl.u32 s15, $0x3  }
0x15a: {  	s0 =	sadd.s32 s4, s0  }
0x15b: {  	[hbm4b:s0+s1] =	stream.linear.scatter [tilespmem:s5], [sflag:$0x3], $0x2000, $0x200038;
	[tilespmem:$0x1C080] =	vst v63  }
0x15c: {  	_ =	swait.ge [sflag:s6], $0x2000  }
0x15d: {  	[sflag:s6] =	ssyncset.done $0x0  }
0x15e: {  	s0 =	simm.s32 @!p2 $0x4;
	[sflag:s6] =	ssyncadd.s32 $0xFFFFE000  }
0x15f: {  	_ =	swait.ge @!p2 [sflag:s0], $0x2000  }
0x160: {  	[sflag:s0] =	ssyncset.done @!p2 $0x0  }
0x161: {  	s24 =	simm.s32 $0x120C0;
	[sflag:s0] =	ssyncadd.s32 @!p2 $0xFFFFE000  }
0x162: {  	v1 =	vld [tilespmem:s24+$0x30]  }
0x163: {  	v2 =	vld [tilespmem:s24+$0xFFFFFFD0]  }
0x164: {  	v3 =	vld [tilespmem:s24+$0xFFFFFFE0]  }
0x165: {  	v4 =	vld [tilespmem:s24+$0xFFFFFFF0]  }
0x166: {  	v5 =	vld [tilespmem:s24+$0x0]  }
0x167: {  	v7 =	vld [tilespmem:s24+$0x10]  }
0x168: {  	v8 =	vld [tilespmem:s24+$0x20]  }
0x169: {  	v9 =	vld [tilespmem:s24+$0xFFFFFFC0]  }
0x16a: {  	v10 =	vld.idx.msk [tilespmem:v1+s1+$0x0], $0xffff  }
0x16b: {  	v11 =	vld.idx.msk [tilespmem:v2+s1+$0x0], $0xffff  }
0x16c: {  	v6 =	vld.idx.msk [tilespmem:v3+s1+$0x0], $0xffff  }
0x16d: {  	v4 =	vld.idx.msk [tilespmem:v4+s1+$0x0], $0xffff  }
0x16e: {  	v2 =	vld.idx.msk [tilespmem:v5+s1+$0x0], $0xffff  }
0x16f: {  	s24 =	simm.s32 $0x160C0;
	v3 =	vld.idx.msk [tilespmem:v7+s1+$0x0], $0xffff  }
0x170: {  	v1 =	vld.idx.msk [tilespmem:v8+s1+$0x0], $0xffff;
	[tilespmem:s24+$0x30] =	vst v10  }
0x171: {  	s23 =	sor.u32 $0x2000, s23;
	s15 =	simm.s32 $0x0;
	s0 =	simm.s32 $0x12140;
	v5 =	vld.idx.msk [tilespmem:v9+s1+$0x0], $0xffff;
	[tilespmem:s24+$0xFFFFFFD0] =	vst v11  }
.LBB2_17:
0x172: {  	v7 =	vld [tilespmem:s0+$0x30];
	s15 =	sadd.s32 $0x8, s15;
	[tilespmem:s24+$0xFFFFFFE0] =	vst v6  }
0x173: {  	v6 =	vld [tilespmem:s0+$0xFFFFFFD0];
	p2 =	slt.u32 s15, $0x1F8;
	[tilespmem:s24+$0xFFFFFFF0] =	vst v4  }
0x174: {  	v4 =	vld [tilespmem:s0+$0xFFFFFFE0];
	[tilespmem:s24+$0x0] =	vst v2  }
0x175: {  	v2 =	vld [tilespmem:s0+$0xFFFFFFF0];
	[tilespmem:s24+$0x10] =	vst v3  }
0x176: {  	v3 =	vld [tilespmem:s0+$0x0];
	[tilespmem:s24+$0x20] =	vst v1  }
0x177: {  	v1 =	vld [tilespmem:s0+$0x10];
	[tilespmem:s24+$0xFFFFFFC0] =	vst v5  }
0x178: {  	v5 =	vld [tilespmem:s0+$0x20]  }
0x179: {  	v8 =	vld [tilespmem:s0+$0xFFFFFFC0]  }
0x17a: {  	v7 =	vld.idx.msk [tilespmem:v7+s1+$0x0], $0xffff  }
0x17b: {  	v9 =	vld.idx.msk [tilespmem:v6+s1+$0x0], $0xffff  }
0x17c: {  	v6 =	vld.idx.msk [tilespmem:v4+s1+$0x0], $0xffff  }
.Ltmp9:
0x17d: {  	v4 =	vld.idx.msk [tilespmem:v2+s1+$0x0], $0xffff;
	(pc) =	sbr.rel @p2 .LBB2_17-.Ltmp9, $4  }
0x17e: {  	v2 =	vld.idx.msk [tilespmem:v3+s1+$0x0], $0xffff  }
0x17f: {  	s24 =	sadd.s32 $0x80, s24;
	v3 =	vld.idx.msk [tilespmem:v1+s1+$0x0], $0xffff  }
0x180: {  	v1 =	vld.idx.msk [tilespmem:v5+s1+$0x0], $0xffff;
	[tilespmem:s24+$0x30] =	vst v7  }
0x181: {  	s0 =	sadd.s32 $0x80, s0;
	v5 =	vld.idx.msk [tilespmem:v8+s1+$0x0], $0xffff;
	[tilespmem:s24+$0xFFFFFFD0] =	vst v9  }
0x182: {  	[tilespmem:s24+$0xFFFFFFE0] =	vst v6  }
0x183: {  	[tilespmem:s24+$0xFFFFFFF0] =	vst v4  }
0x184: {  	[tilespmem:s24+$0x0] =	vst v2  }
0x185: {  	s0 =	sadd.s32 @!p1 s23, s16;
	[tilespmem:s24+$0x10] =	vst v3  }
0x186: {  	s15 =	simm.s32 @!p1 $0x0;
	s0 =	sshrl.u32 @!p1 s0, $0x3;
	[tilespmem:s24+$0x20] =	vst v1  }
0x187: {  	s2 =	sadd.s32 $0x1, s2;
	s0 =	sadd.s32 @!p1 s3, s0;
	[tilespmem:s24+$0xFFFFFFC0] =	vst v5;
	s24 =	simm.s32 @!p1 $0x12080  }
0x188: {  	[tilespmem:s24], [sflag:$0x2] =	stream.linear.gather @!p1 [hbm4b:s0+s15], $0x2000, $0x200038;
	[tilespmem:$0x1C080] =	vst v63  }
0x189: {  	p1 =	sne.s32 s2, $0x10  }
.Ltmp10:
0x18a: {  	_ = 	snop;
	(pc) =	sbr.rel @p1 .LBB2_14-.Ltmp10, $4  }
0x18b: {  	s24 =	sor.u32 s18, s23  }
0x18c: {  	s0 =	sshrl.u32 s24, $0x3  }
0x18d: {  	s0 =	sadd.s32 s4, s0  }
0x18e: {  	[hbm4b:s0+s1] =	stream.linear.scatter [tilespmem:s7], [sflag:$0x4], $0x2000, $0x200038;
	[tilespmem:$0x1C080] =	vst v63  }
0x18f: {  	_ =	swait.ge [sflag:s8], $0x2000  }
0x190: {  	[sflag:s8] =	ssyncset.done $0x0  }
0x191: {  	[sflag:s8] =	ssyncadd.s32 $0xFFFFE000  }
0x192: {  	_ =	swait.ge [sflag:s20], $0x2000  }
0x193: {  	[sflag:s20] =	ssyncset.done $0x0  }
0x194: {  	[sflag:s20] =	ssyncadd.s32 $0xFFFFE000  }
0x195: {  	_ =	strace $0x90000053  }
0x196: {  	s2 =	simm.s32 $0x0;
	s15 =	simm.s32 $0x10080;
	s0 =	rddreg [dreg:$0x7]  }
0x197: {  	[tilespmem:s15], [sflag:$0x1] =	stream.linear.gather [hbm4b:s0+s2], $0x2000, $0x38;
	[tilespmem:$0x1C080] =	vst v63  }
0x198: {  	s23 =	simm.s32 $0x12080;
	s15 =	rddreg [dreg:$0xf]  }
0x199: {  	[tilespmem:s23], [sflag:$0x2] =	stream.linear.gather [hbm4b:s15+s2], $0x2000, $0x38;
	[tilespmem:$0x1C080] =	vst v63  }
0x19a: {  	_ =	strace $0x80000054  }
0x19b: {  	s24 =	rddreg [dreg:$0x5]  }
0x19c: {  	[tilespmem:s2], [sflag:$0x5] =	stream.linear.gather [hbm4b:s24+s2], $0x10000, $0x200038;
	[tilespmem:$0x1C080] =	vst v63  }
0x19d: {  	_ =	swait.ge [sflag:s25], $0x10000  }
0x19e: {  	[sflag:s25] =	ssyncset.done $0x0  }
0x19f: {  	[sflag:s25] =	ssyncadd.s32 $0xFFFF0000  }
0x1a0: {  	_ =	strace $0x90000054;
	[tilespmem:$0x10000] =	vst v0  }
0x1a1: {  	_ =	strace $0x80000055  }
.LBB2_20:
0x1a2: {  	_ =	swait.ge [sflag:s26], $0x2000  }
0x1a3: {  	p2 =	seq.s32 s2, $0x0;
	[sflag:s26] =	ssyncset.done $0x0  }
0x1a4: {  	s0 =	simm.s32 @!p2 $0x3;
	[sflag:s26] =	ssyncadd.s32 $0xFFFFE000  }
0x1a5: {  	_ =	swait.ge @!p2 [sflag:s0], $0x2000  }
0x1a6: {  	[sflag:s0] =	ssyncset.done @!p2 $0x0  }
0x1a7: {  	s24 =	simm.s32 $0x100C0;
	[sflag:s0] =	ssyncadd.s32 @!p2 $0xFFFFE000  }
0x1a8: {  	v1 =	vld [tilespmem:s24+$0x30]  }
0x1a9: {  	v2 =	vld [tilespmem:s24+$0xFFFFFFD0]  }
0x1aa: {  	v3 =	vld [tilespmem:s24+$0xFFFFFFE0]  }
0x1ab: {  	v4 =	vld [tilespmem:s24+$0xFFFFFFF0]  }
0x1ac: {  	v7 =	vld [tilespmem:s24+$0x0]  }
0x1ad: {  	v8 =	vld [tilespmem:s24+$0x10]  }
0x1ae: {  	v9 =	vld [tilespmem:s24+$0x20]  }
0x1af: {  	v10 =	vld [tilespmem:s24+$0xFFFFFFC0]  }
0x1b0: {  	v11 =	vld.idx.msk [tilespmem:v1+s1+$0x0], $0xffff  }
0x1b1: {  	v12 =	vld.idx.msk [tilespmem:v2+s1+$0x0], $0xffff  }
0x1b2: {  	v6 =	vld.idx.msk [tilespmem:v3+s1+$0x0], $0xffff  }
0x1b3: {  	v5 =	vld.idx.msk [tilespmem:v4+s1+$0x0], $0xffff  }
0x1b4: {  	v3 =	vld.idx.msk [tilespmem:v7+s1+$0x0], $0xffff  }
0x1b5: {  	s24 =	simm.s32 $0x140C0;
	v2 =	vld.idx.msk [tilespmem:v8+s1+$0x0], $0xffff  }
0x1b6: {  	v1 =	vld.idx.msk [tilespmem:v9+s1+$0x0], $0xffff;
	[tilespmem:s24+$0x30] =	vst v11  }
0x1b7: {  	s23 =	sshll.u32 s2, $0xE;
	s15 =	simm.s32 $0x0;
	s0 =	simm.s32 $0x10140;
	v4 =	vld.idx.msk [tilespmem:v10+s1+$0x0], $0xffff;
	[tilespmem:s24+$0xFFFFFFD0] =	vst v12  }
.LBB2_21:
0x1b8: {  	v7 =	vld [tilespmem:s0+$0x30];
	s15 =	sadd.s32 $0x8, s15;
	[tilespmem:s24+$0xFFFFFFE0] =	vst v6  }
0x1b9: {  	v6 =	vld [tilespmem:s0+$0xFFFFFFD0];
	p1 =	slt.u32 s15, $0x1F8;
	[tilespmem:s24+$0xFFFFFFF0] =	vst v5  }
0x1ba: {  	v5 =	vld [tilespmem:s0+$0xFFFFFFE0];
	[tilespmem:s24+$0x0] =	vst v3  }
0x1bb: {  	v3 =	vld [tilespmem:s0+$0xFFFFFFF0];
	[tilespmem:s24+$0x10] =	vst v2  }
0x1bc: {  	v2 =	vld [tilespmem:s0+$0x0];
	[tilespmem:s24+$0x20] =	vst v1  }
0x1bd: {  	v1 =	vld [tilespmem:s0+$0x10];
	[tilespmem:s24+$0xFFFFFFC0] =	vst v4  }
0x1be: {  	v4 =	vld [tilespmem:s0+$0x20]  }
0x1bf: {  	v8 =	vld [tilespmem:s0+$0xFFFFFFC0]  }
0x1c0: {  	v7 =	vld.idx.msk [tilespmem:v7+s1+$0x0], $0xffff  }
0x1c1: {  	v9 =	vld.idx.msk [tilespmem:v6+s1+$0x0], $0xffff  }
0x1c2: {  	v6 =	vld.idx.msk [tilespmem:v5+s1+$0x0], $0xffff  }
.Ltmp11:
0x1c3: {  	v5 =	vld.idx.msk [tilespmem:v3+s1+$0x0], $0xffff;
	(pc) =	sbr.rel @p1 .LBB2_21-.Ltmp11, $4  }
0x1c4: {  	v3 =	vld.idx.msk [tilespmem:v2+s1+$0x0], $0xffff  }
0x1c5: {  	s24 =	sadd.s32 $0x80, s24;
	v2 =	vld.idx.msk [tilespmem:v1+s1+$0x0], $0xffff  }
0x1c6: {  	v1 =	vld.idx.msk [tilespmem:v4+s1+$0x0], $0xffff;
	[tilespmem:s24+$0x30] =	vst v7  }
0x1c7: {  	s0 =	sadd.s32 $0x80, s0;
	v4 =	vld.idx.msk [tilespmem:v8+s1+$0x0], $0xffff;
	[tilespmem:s24+$0xFFFFFFD0] =	vst v9  }
0x1c8: {  	[tilespmem:s24+$0xFFFFFFE0] =	vst v6  }
0x1c9: {  	[tilespmem:s24+$0xFFFFFFF0] =	vst v5  }
0x1ca: {  	p1 =	seq.s32 s2, $0xF;
	[tilespmem:s24+$0x0] =	vst v3  }
0x1cb: {  	s0 =	sadd.s32 @!p1 s23, s16;
	[tilespmem:s24+$0x10] =	vst v2  }
0x1cc: {  	s0 =	sshrl.u32 @!p1 s0, $0x3;
	[tilespmem:s24+$0x20] =	vst v1  }
0x1cd: {  	s15 =	simm.s32 @!p1 $0x0;
	s0 =	sadd.s32 @!p1 s3, s0;
	[tilespmem:s24+$0xFFFFFFC0] =	vst v4;
	s24 =	simm.s32 @!p1 $0x10080  }
0x1ce: {  	[tilespmem:s24], [sflag:$0x1] =	stream.linear.gather @!p1 [hbm4b:s0+s15], $0x2000, $0x200038;
	[tilespmem:$0x1C080] =	vst v63  }
0x1cf: {  	s15 =	sor.u32 s19, s23  }
0x1d0: {  	s0 =	sshrl.u32 s15, $0x3  }
0x1d1: {  	s0 =	sadd.s32 s4, s0  }
0x1d2: {  	[hbm4b:s0+s1] =	stream.linear.scatter [tilespmem:s5], [sflag:$0x3], $0x2000, $0x200038;
	[tilespmem:$0x1C080] =	vst v63  }
0x1d3: {  	_ =	swait.ge [sflag:s6], $0x2000  }
0x1d4: {  	[sflag:s6] =	ssyncset.done $0x0  }
0x1d5: {  	s0 =	simm.s32 @!p2 $0x4;
	[sflag:s6] =	ssyncadd.s32 $0xFFFFE000  }
0x1d6: {  	_ =	swait.ge @!p2 [sflag:s0], $0x2000  }
0x1d7: {  	[sflag:s0] =	ssyncset.done @!p2 $0x0  }
0x1d8: {  	s24 =	simm.s32 $0x120C0;
	[sflag:s0] =	ssyncadd.s32 @!p2 $0xFFFFE000  }
0x1d9: {  	v1 =	vld [tilespmem:s24+$0x30]  }
0x1da: {  	v2 =	vld [tilespmem:s24+$0xFFFFFFD0]  }
0x1db: {  	v3 =	vld [tilespmem:s24+$0xFFFFFFE0]  }
0x1dc: {  	v4 =	vld [tilespmem:s24+$0xFFFFFFF0]  }
0x1dd: {  	v5 =	vld [tilespmem:s24+$0x0]  }
0x1de: {  	v7 =	vld [tilespmem:s24+$0x10]  }
0x1df: {  	v8 =	vld [tilespmem:s24+$0x20]  }
0x1e0: {  	v9 =	vld [tilespmem:s24+$0xFFFFFFC0]  }
0x1e1: {  	v10 =	vld.idx.msk [tilespmem:v1+s1+$0x0], $0xffff  }
0x1e2: {  	v11 =	vld.idx.msk [tilespmem:v2+s1+$0x0], $0xffff  }
0x1e3: {  	v6 =	vld.idx.msk [tilespmem:v3+s1+$0x0], $0xffff  }
0x1e4: {  	v4 =	vld.idx.msk [tilespmem:v4+s1+$0x0], $0xffff  }
0x1e5: {  	v2 =	vld.idx.msk [tilespmem:v5+s1+$0x0], $0xffff  }
0x1e6: {  	s24 =	simm.s32 $0x160C0;
	v3 =	vld.idx.msk [tilespmem:v7+s1+$0x0], $0xffff  }
0x1e7: {  	v1 =	vld.idx.msk [tilespmem:v8+s1+$0x0], $0xffff;
	[tilespmem:s24+$0x30] =	vst v10  }
0x1e8: {  	s23 =	sor.u32 $0x2000, s23;
	s15 =	simm.s32 $0x0;
	s0 =	simm.s32 $0x12140;
	v5 =	vld.idx.msk [tilespmem:v9+s1+$0x0], $0xffff;
	[tilespmem:s24+$0xFFFFFFD0] =	vst v11  }
.LBB2_23:
0x1e9: {  	v7 =	vld [tilespmem:s0+$0x30];
	s15 =	sadd.s32 $0x8, s15;
	[tilespmem:s24+$0xFFFFFFE0] =	vst v6  }
0x1ea: {  	v6 =	vld [tilespmem:s0+$0xFFFFFFD0];
	p2 =	slt.u32 s15, $0x1F8;
	[tilespmem:s24+$0xFFFFFFF0] =	vst v4  }
0x1eb: {  	v4 =	vld [tilespmem:s0+$0xFFFFFFE0];
	[tilespmem:s24+$0x0] =	vst v2  }
0x1ec: {  	v2 =	vld [tilespmem:s0+$0xFFFFFFF0];
	[tilespmem:s24+$0x10] =	vst v3  }
0x1ed: {  	v3 =	vld [tilespmem:s0+$0x0];
	[tilespmem:s24+$0x20] =	vst v1  }
0x1ee: {  	v1 =	vld [tilespmem:s0+$0x10];
	[tilespmem:s24+$0xFFFFFFC0] =	vst v5  }
0x1ef: {  	v5 =	vld [tilespmem:s0+$0x20]  }
0x1f0: {  	v8 =	vld [tilespmem:s0+$0xFFFFFFC0]  }
0x1f1: {  	v7 =	vld.idx.msk [tilespmem:v7+s1+$0x0], $0xffff  }
0x1f2: {  	v9 =	vld.idx.msk [tilespmem:v6+s1+$0x0], $0xffff  }
0x1f3: {  	v6 =	vld.idx.msk [tilespmem:v4+s1+$0x0], $0xffff  }
.Ltmp12:
0x1f4: {  	v4 =	vld.idx.msk [tilespmem:v2+s1+$0x0], $0xffff;
	(pc) =	sbr.rel @p2 .LBB2_23-.Ltmp12, $4  }
0x1f5: {  	v2 =	vld.idx.msk [tilespmem:v3+s1+$0x0], $0xffff  }
0x1f6: {  	s24 =	sadd.s32 $0x80, s24;
	v3 =	vld.idx.msk [tilespmem:v1+s1+$0x0], $0xffff  }
0x1f7: {  	v1 =	vld.idx.msk [tilespmem:v5+s1+$0x0], $0xffff;
	[tilespmem:s24+$0x30] =	vst v7  }
0x1f8: {  	s0 =	sadd.s32 $0x80, s0;
	v5 =	vld.idx.msk [tilespmem:v8+s1+$0x0], $0xffff;
	[tilespmem:s24+$0xFFFFFFD0] =	vst v9  }
0x1f9: {  	[tilespmem:s24+$0xFFFFFFE0] =	vst v6  }
0x1fa: {  	[tilespmem:s24+$0xFFFFFFF0] =	vst v4  }
0x1fb: {  	[tilespmem:s24+$0x0] =	vst v2  }
0x1fc: {  	s0 =	sadd.s32 @!p1 s23, s16;
	[tilespmem:s24+$0x10] =	vst v3  }
0x1fd: {  	s15 =	simm.s32 @!p1 $0x0;
	s0 =	sshrl.u32 @!p1 s0, $0x3;
	[tilespmem:s24+$0x20] =	vst v1  }
0x1fe: {  	s2 =	sadd.s32 $0x1, s2;
	s0 =	sadd.s32 @!p1 s3, s0;
	[tilespmem:s24+$0xFFFFFFC0] =	vst v5;
	s24 =	simm.s32 @!p1 $0x12080  }
0x1ff: {  	[tilespmem:s24], [sflag:$0x2] =	stream.linear.gather @!p1 [hbm4b:s0+s15], $0x2000, $0x200038;
	[tilespmem:$0x1C080] =	vst v63  }
0x200: {  	p1 =	sne.s32 s2, $0x10  }
.Ltmp13:
0x201: {  	_ = 	snop;
	(pc) =	sbr.rel @p1 .LBB2_20-.Ltmp13, $4  }
0x202: {  	s24 =	sor.u32 s19, s23  }
0x203: {  	s0 =	sshrl.u32 s24, $0x3  }
0x204: {  	s0 =	sadd.s32 s4, s0  }
0x205: {  	[hbm4b:s0+s1] =	stream.linear.scatter [tilespmem:s7], [sflag:$0x4], $0x2000, $0x200038;
	[tilespmem:$0x1C080] =	vst v63  }
0x206: {  	_ =	swait.ge [sflag:s8], $0x2000  }
0x207: {  	[sflag:s8] =	ssyncset.done $0x0  }
0x208: {  	[sflag:s8] =	ssyncadd.s32 $0xFFFFE000  }
0x209: {  	_ =	swait.ge [sflag:s20], $0x2000  }
0x20a: {  	[sflag:s20] =	ssyncset.done $0x0  }
0x20b: {  	[sflag:s20] =	ssyncadd.s32 $0xFFFFE000  }
0x20c: {  	_ =	strace $0x90000055  }
0x20d: {  	_ =	strace $0x80000056  }
0x20e: {  	s0 =	simm.s32 $0x0;
	s2 =	rddreg [dreg:$0x6]  }
0x20f: {  	[tilespmem:s21], [sflag:$0x1] =	stream.linear.gather [hbm4b:s2+s0], $0x2000, $0x200038;
	[tilespmem:$0x1C080] =	vst v63  }
0x210: {  	_ =	swait.ge [sflag:s26], $0x2000  }
0x211: {  	[sflag:s26] =	ssyncset.done $0x0  }
0x212: {  	s15 =	rddreg [dreg:$0x9];
	[sflag:s26] =	ssyncadd.s32 $0xFFFFE000  }
0x213: {  	[hbm4b:s15+s0] =	stream.linear.scatter [tilespmem:s21], [sflag:$0x3], $0x2000, $0x200038;
	[tilespmem:$0x1C080] =	vst v63  }
0x214: {  	s23 =	rddreg [dreg:$0x10]  }
0x215: {  	[tilespmem:s22], [sflag:$0x2] =	stream.linear.gather [hbm4b:s23+s0], $0x2000, $0x200038;
	[tilespmem:$0x1C080] =	vst v63  }
0x216: {  	_ =	swait.ge [sflag:s6], $0x2000  }
0x217: {  	[sflag:s6] =	ssyncset.done $0x0  }
0x218: {  	s24 =	rddreg [dreg:$0xa];
	[sflag:s6] =	ssyncadd.s32 $0xFFFFE000  }
0x219: {  	[hbm4b:s24+s0] =	stream.linear.scatter [tilespmem:s22], [sflag:$0x4], $0x2000, $0x200038;
	[tilespmem:$0x1C080] =	vst v63  }
0x21a: {  	_ =	swait.ge [sflag:s8], $0x2000  }
0x21b: {  	[sflag:s8] =	ssyncset.done $0x0  }
0x21c: {  	s15 =	sadd.s32 $0x0, s11;
	[sflag:s8] =	ssyncadd.s32 $0xFFFFE000  }
0x21d: {  	[tilespmem:s21], [sflag:$0x1] =	stream.linear.gather [hbm4b:s15+s1], $0x2000, $0x200038;
	[tilespmem:$0x1C080] =	vst v63  }
0x21e: {  	_ =	swait.ge [sflag:s26], $0x2000  }
0x21f: {  	[sflag:s26] =	ssyncset.done $0x0  }
0x220: {  	s23 =	sadd.s32 $0x0, s29;
	[sflag:s26] =	ssyncadd.s32 $0xFFFFE000  }
0x221: {  	[hbm4b:s23+s1] =	stream.linear.scatter [tilespmem:s21], [sflag:$0x3], $0x2000, $0x200038;
	[tilespmem:$0x1C080] =	vst v63  }
0x222: {  	_ =	swait.ge [sflag:s20], $0x2000  }
0x223: {  	[sflag:s20] =	ssyncset.done $0x0  }
0x224: {  	s24 =	sadd.s32 $0x0, s10;
	[sflag:s20] =	ssyncadd.s32 $0xFFFFE000  }
0x225: {  	[tilespmem:s22], [sflag:$0x2] =	stream.linear.gather [hbm4b:s24+s1], $0x2000, $0x200038;
	[tilespmem:$0x1C080] =	vst v63  }
0x226: {  	_ =	swait.ge [sflag:s6], $0x2000  }
0x227: {  	[sflag:s6] =	ssyncset.done $0x0  }
0x228: {  	s2 =	sadd.s32 $0x0, s28;
	s0 =	simm.s32 $0x800;
	[sflag:s6] =	ssyncadd.s32 $0xFFFFE000  }
.LBB2_26:
0x229: {  	[hbm4b:s2+s1] =	stream.linear.scatter [tilespmem:s22], [sflag:$0x4], $0x2000, $0x200038;
	[tilespmem:$0x1C080] =	vst v63  }
0x22a: {  	s2 =	smov.u32 s0  }
0x22b: {  	p1 =	sne.s32 s0, $0x7000;
	s0 =	sadd.s32 $0x800, s0;
	_ =	swait.ge [sflag:s8], $0x2000  }
0x22c: {  	[sflag:s8] =	ssyncset.done $0x0  }
0x22d: {  	s15 =	sadd.s32 s2, s11;
	[sflag:s8] =	ssyncadd.s32 $0xFFFFE000  }
0x22e: {  	[tilespmem:s21], [sflag:$0x1] =	stream.linear.gather [hbm4b:s15+s1], $0x2000, $0x200038;
	[tilespmem:$0x1C080] =	vst v63  }
0x22f: {  	_ =	swait.ge [sflag:s26], $0x2000  }
0x230: {  	[sflag:s26] =	ssyncset.done $0x0  }
0x231: {  	s15 =	sadd.s32 s2, s29;
	[sflag:s26] =	ssyncadd.s32 $0xFFFFE000  }
0x232: {  	[hbm4b:s15+s1] =	stream.linear.scatter [tilespmem:s21], [sflag:$0x3], $0x2000, $0x200038;
	[tilespmem:$0x1C080] =	vst v63  }
0x233: {  	_ =	swait.ge [sflag:s20], $0x2000  }
0x234: {  	[sflag:s20] =	ssyncset.done $0x0  }
.Ltmp14:
0x235: {  	s15 =	sadd.s32 s2, s10;
	[sflag:s20] =	ssyncadd.s32 $0xFFFFE000;
	(pc) =	sbr.rel @p1 .LBB2_26-.Ltmp14, $4  }
0x236: {  	[tilespmem:s22], [sflag:$0x2] =	stream.linear.gather [hbm4b:s15+s1], $0x2000, $0x200038;
	[tilespmem:$0x1C080] =	vst v63  }
0x237: {  	_ =	swait.ge [sflag:s6], $0x2000  }
0x238: {  	[sflag:s6] =	ssyncset.done $0x0  }
0x239: {  	s2 =	sadd.s32 s2, s28;
	[sflag:s6] =	ssyncadd.s32 $0xFFFFE000  }
0x23a: {  	[hbm4b:s2+s1] =	stream.linear.scatter [tilespmem:s22], [sflag:$0x4], $0x2000, $0x200038;
	[tilespmem:$0x1C080] =	vst v63  }
0x23b: {  	_ =	swait.ge [sflag:s8], $0x2000  }
0x23c: {  	[sflag:s8] =	ssyncset.done $0x0  }
.Ltmp15:
0x23d: {  	[sflag:s8] =	ssyncadd.s32 $0xFFFFE000;
	(pc) =	sbr.rel @p0 .LBB2_31-.Ltmp15, $4  }
0x23e: {  	_ =	swait.ge [sflag:s20], $0x2000  }
0x23f: {  	[sflag:s20] =	ssyncset.done $0x0  }
0x240: {  	[sflag:s20] =	ssyncadd.s32 $0xFFFFE000  }
0x241: {  	_ =	strace $0x90000056  }
0x242: {  	_ =	strace $0x80000057  }
0x243: {  	s0 =	simm.s32 $0x0;
	s2 =	rddreg [dreg:$0xb]  }
0x244: {  	[tilespmem:s21], [sflag:$0x1] =	stream.linear.gather [hbm4b:s2+s0], $0x2000, $0x200038;
	[tilespmem:$0x1C080] =	vst v63  }
0x245: {  	_ =	swait.ge [sflag:s26], $0x2000  }
0x246: {  	[sflag:s26] =	ssyncset.done $0x0  }
0x247: {  	s15 =	rddreg [dreg:$0xd];
	[sflag:s26] =	ssyncadd.s32 $0xFFFFE000  }
0x248: {  	[hbm4b:s15+s0] =	stream.linear.scatter [tilespmem:s21], [sflag:$0x3], $0x2000, $0x200038;
	[tilespmem:$0x1C080] =	vst v63  }
0x249: {  	s23 =	rddreg [dreg:$0xc]  }
0x24a: {  	[tilespmem:s22], [sflag:$0x2] =	stream.linear.gather [hbm4b:s23+s0], $0x2000, $0x200038;
	[tilespmem:$0x1C080] =	vst v63  }
0x24b: {  	_ =	swait.ge [sflag:s6], $0x2000  }
0x24c: {  	[sflag:s6] =	ssyncset.done $0x0  }
0x24d: {  	s24 =	rddreg [dreg:$0xe];
	[sflag:s6] =	ssyncadd.s32 $0xFFFFE000  }
0x24e: {  	[hbm4b:s24+s0] =	stream.linear.scatter [tilespmem:s22], [sflag:$0x4], $0x2000, $0x200038;
	[tilespmem:$0x1C080] =	vst v63  }
0x24f: {  	_ =	swait.ge [sflag:s8], $0x2000  }
0x250: {  	[sflag:s8] =	ssyncset.done $0x0  }
0x251: {  	s15 =	sadd.s32 $0x0, s13;
	[sflag:s8] =	ssyncadd.s32 $0xFFFFE000  }
0x252: {  	[tilespmem:s21], [sflag:$0x1] =	stream.linear.gather [hbm4b:s15+s1], $0x2000, $0x200038;
	[tilespmem:$0x1C080] =	vst v63  }
0x253: {  	_ =	swait.ge [sflag:s26], $0x2000  }
0x254: {  	[sflag:s26] =	ssyncset.done $0x0  }
0x255: {  	s23 =	sadd.s32 $0x0, s31;
	[sflag:s26] =	ssyncadd.s32 $0xFFFFE000  }
0x256: {  	[hbm4b:s23+s1] =	stream.linear.scatter [tilespmem:s21], [sflag:$0x3], $0x2000, $0x200038;
	[tilespmem:$0x1C080] =	vst v63  }
0x257: {  	_ =	swait.ge [sflag:s20], $0x2000  }
0x258: {  	[sflag:s20] =	ssyncset.done $0x0  }
0x259: {  	s24 =	sadd.s32 $0x0, s12;
	[sflag:s20] =	ssyncadd.s32 $0xFFFFE000  }
0x25a: {  	[tilespmem:s22], [sflag:$0x2] =	stream.linear.gather [hbm4b:s24+s1], $0x2000, $0x200038;
	[tilespmem:$0x1C080] =	vst v63  }
0x25b: {  	_ =	swait.ge [sflag:s6], $0x2000  }
0x25c: {  	[sflag:s6] =	ssyncset.done $0x0  }
0x25d: {  	s2 =	sadd.s32 $0x0, s30;
	s0 =	simm.s32 $0x800;
	[sflag:s6] =	ssyncadd.s32 $0xFFFFE000  }
.LBB2_29:
0x25e: {  	[hbm4b:s2+s1] =	stream.linear.scatter [tilespmem:s22], [sflag:$0x4], $0x2000, $0x200038;
	[tilespmem:$0x1C080] =	vst v63  }
0x25f: {  	s2 =	smov.u32 s0  }
0x260: {  	p1 =	sne.s32 s0, $0x7000;
	s0 =	sadd.s32 $0x800, s0;
	_ =	swait.ge [sflag:s8], $0x2000  }
0x261: {  	[sflag:s8] =	ssyncset.done $0x0  }
0x262: {  	s15 =	sadd.s32 s2, s13;
	[sflag:s8] =	ssyncadd.s32 $0xFFFFE000  }
0x263: {  	[tilespmem:s21], [sflag:$0x1] =	stream.linear.gather [hbm4b:s15+s1], $0x2000, $0x200038;
	[tilespmem:$0x1C080] =	vst v63  }
0x264: {  	_ =	swait.ge [sflag:s26], $0x2000  }
0x265: {  	[sflag:s26] =	ssyncset.done $0x0  }
0x266: {  	s15 =	sadd.s32 s2, s31;
	[sflag:s26] =	ssyncadd.s32 $0xFFFFE000  }
0x267: {  	[hbm4b:s15+s1] =	stream.linear.scatter [tilespmem:s21], [sflag:$0x3], $0x2000, $0x200038;
	[tilespmem:$0x1C080] =	vst v63  }
0x268: {  	_ =	swait.ge [sflag:s20], $0x2000  }
0x269: {  	[sflag:s20] =	ssyncset.done $0x0  }
.Ltmp16:
0x26a: {  	s15 =	sadd.s32 s2, s12;
	[sflag:s20] =	ssyncadd.s32 $0xFFFFE000;
	(pc) =	sbr.rel @p1 .LBB2_29-.Ltmp16, $4  }
0x26b: {  	[tilespmem:s22], [sflag:$0x2] =	stream.linear.gather [hbm4b:s15+s1], $0x2000, $0x200038;
	[tilespmem:$0x1C080] =	vst v63  }
0x26c: {  	_ =	swait.ge [sflag:s6], $0x2000  }
0x26d: {  	[sflag:s6] =	ssyncset.done $0x0  }
0x26e: {  	s2 =	sadd.s32 s2, s30;
	[sflag:s6] =	ssyncadd.s32 $0xFFFFE000  }
0x26f: {  	[hbm4b:s2+s1] =	stream.linear.scatter [tilespmem:s22], [sflag:$0x4], $0x2000, $0x200038;
	[tilespmem:$0x1C080] =	vst v63  }
0x270: {  	_ =	swait.ge [sflag:s8], $0x2000  }
0x271: {  	[sflag:s8] =	ssyncset.done $0x0  }
.Ltmp17:
0x272: {  	[sflag:s8] =	ssyncadd.s32 $0xFFFFE000;
	(pc) =	sbr.rel .LBB2_31-.Ltmp17, $4  }
0x273: {  	_ =	swait.ge [sflag:s20], $0x2000  }
0x274: {  	[sflag:s20] =	ssyncset.done $0x0  }
0x275: {  	[sflag:s20] =	ssyncadd.s32 $0xFFFFE000  }
0x276: {  	_ =	strace $0x90000057  }
.LBB2_32:
0x277: {  	_ =	sfence.sel $0x180000  }
0x278: {  	[bflag:$0x0] =	sbarrier.arrive $0xFFFF  }
0x279: {  	_ =	strace $0x9000004D  }
0x27a: {  	s0 =	stileid.u32;
	[bflag:$0x2] =	sbarrier.arrive $0xFFFF  }
0x27b: {  	p0 =	sne.s32 s0, $0x0;
	s0 =	rddreg [dreg:$0x1]  }
0x27c: {  	s0 =	sadd.s32 @!p0 $0x100000, s0  }
0x27d: {  	[sflag:s0] =	ssyncadd.tile.s32 @!p0 $0x1;
	_ =	shalt  }
.Lfunc_end2:
_tile_overlayer_lowered:
.L_overlay_start_2:
0x27e: {  	(tag) =	ssettag $0x2  }
0x27f: {  	s0 =	rddreg [dreg:$0x0];
	s2 =	stileid.u32  }
0x280: {  	s1 =	rddreg [dreg:$0x1];
	p0 =	sne.s32 s2, $0x0  }
0x281: {  	s3 =	rddreg [dreg:$0x2];
	[bflag:$0x3] =	sbarrier.arrive $0xFFFF;
	s2 =	simm.s32 @!p0 $0x1C05  }
0x282: {  	[timem:s3], [sflag:s2] =	dma.local @!p0 [hbm:s0], s1  }
0x283: {  	s0 =	simm.s32 @!p0 $0x5  }
0x284: {  	_ =	swait.ge @!p0 [sflag:s0], s1  }
0x285: {  	s1 =	ssub.s32 @!p0 $0x0, s1;
	[sflag:s0] =	ssyncset.done @!p0 $0x0  }
0x286: {  	[sflag:s0] =	ssyncadd.s32 @!p0 s1  }
0x287: {  	[bflag:$0x3] =	sbarrier.arrive $0xFFFF  }
0x288: {  	_ =	shalt  }

// kernel: sparse-core-data-format-call.1.cloned.1.call-start
scs
called_computation.1_lowered:
.L_overlay_start_0:
0x0: {  	s2 =	sld [smem:$0x3FD9]  }
0x1: {  	s3 =	sld [smem:$0x3FFE];
	_ =	sdelay $0x1  }
0x2: {  	s1 =	srdreg.scid  }
0x3: {  	s0 =	sand.u32 $0x1, s1  }
0x4: {  	s18 =	sshll.u32 s0, $0xA;
	s2 =	sadd.s32 s3, s2  }
0x5: {  	s2 =	sadd.s32 s2, s18  }
0x6: {  	[smem:$0x3FC4] =	sst s2  }
0x7: {  	_ = 	snop  }
0x8: {  	s2 =	sld [smem:$0x3FC9];
	(tm) =	ssettm $0x1  }
0x9: {  	s19 =	sld [smem:$0x3FFB];
	_ =	sdelay $0x3  }
0xa: {  	_ =	strace s19  }
0xb: {  	s3 =	sld [smem:$0x3FFC];
	_ =	sdelay $0x3  }
0xc: {  	_ =	strace s3  }
0xd: {  	s3 =	sld [smem:$0x3FFD];
	_ =	sdelay $0x3  }
0xe: {  	_ =	strace s3  }
0xf: {  	_ =	strace $0x8FFFFFFF  }
0x10: {  	s20 =	sld [smem:$0x3FDB];
	_ =	sdelay $0x1  }
0x11: {  	s4 =	simm.s32 $_scs_section_size  }
0x12: {  	s5 =	simm.s32 $_size__tile_overlayer_lowered;
	s6 =	simm.s32 $_tile_overlayer_lowered  }
0x13: {  	s23 =	simm.s32 $0x1BFF;
	s22 =	sshll.u32 s6, $0x1;
	s3 =	sadd.s32 s4, s20  }
0x14: {  	s7 =	simm.s32 $0x0;
	s21 =	sshll.u32 s5, $0x1;
	s5 =	sadd.s32 s22, s3  }
0x15: {  	[timem:s7], [sflag:s23] =	dma.local [hbm:s5], s21  }
0x16: {  	_ =	swait.ge [sflag:s23], s21  }
0x17: {  	s4 =	ssub.s32 $0x0, s21;
	[sflag:s23] =	ssyncset.done $0x0  }
0x18: {  	[sflag:s23] =	ssyncadd.s32 s4;
	_ =	sdelay $0x1  }
0x19: {  	s24 =	simm.s32 $0x1B8B  }
0x1a: {  	_ =	swait.ge [sflag:s24], $0x1  }
0x1b: {  	[sflag:s24] =	ssyncset.done $0x0  }
0x1c: {  	s26 =	simm.s32 $0x1B8E;
	s25 =	sld [smem:$0x3FFE];
	[sflag:s24] =	ssyncadd.s32 $0xFFFFFFFF  }
0x1d: {  	s27 =	simm.s32 $execute0_lowered;
	[smem:$0x3FD2] =	sst s26  }
0x1e: {  	s5 =	sshll.u32 s27, $0x1;
	_ =	strace $0x80000046;
	[dreg:$0x1] =	wrdreg $0xFFFFFFFF  }
0x1f: {  	s28 =	simm.s32 $_size_execute0_lowered;
	s3 =	sadd.s32 s3, s5;
	[dreg:$0x0] =	wrdreg $0x0  }
0x20: {  	s5 =	sshll.u32 s28, $0x1;
	[dreg:$0x2] =	wrdreg s3  }
0x21: {  	[dreg:$0x3] =	wrdreg s5  }
0x22: {  	[dreg:$0x4] =	wrdreg $0xC0  }
0x23: {  	_ =	task [dreg:s7], $0x5FFFF  }
0x24: {  	[dreg:$0x1] =	wrdreg $0xFFFFFFFF  }
0x25: {  	[dreg:$0x0] =	wrdreg $0x60  }
0x26: {  	[dreg:$0x2] =	wrdreg s2  }
0x27: {  	[dreg:$0x3] =	wrdreg s25  }
0x28: {  	[dreg:$0x4] =	wrdreg $0xA  }
0x29: {  	_ =	task.clear_ibuf [dreg:s7], $0x5FFFF;
	_ =	strace $0x90000046  }
0x2a: {  	s29 =	simm.s32 $0xA;
	_ =	strace $0x80000048  }
0x2b: {  	_ =	swait.ge [sflag:s29], $0x1  }
0x2c: {  	[sflag:s29] =	ssyncadd.s32 $0xFFFFFFFF  }
0x2d: {  	_ =	strace $0x90000048  }
0x2e: {  	_ =	sfence  }
0x2f: {  	s30 =	sld [smem:$0x0];
	_ =	sdelay $0x2  }
0x30: {  	s31 =	sshll.u32 s1, $0xD;
	s1 =	sshrl.u32 s1, $0x2  }
0x31: {  	s3 =	sand.u32 $0x4000, s31;
	s1 =	sadd.s32 s1, s30  }
0x32: {  	s0 =	sor.u32 s3, s0;
	s1 =	sshll.u32 s1, $0x11  }
0x33: {  	s0 =	sor.u32 s1, s0  }
0x34: {  	s0 =	sadd.s32 $0x8F2B, s0  }
0x35: {  	[sflag:s0] =	ssyncadd.remote.s32 $0x1  }
0x36: {  	_ =	sfence.sel $0xFFFF  }
0x37: {  	[dreg:$0x0] =	wrdreg $0xFFFFFFFF;
	(pc) =	sbr.abs _section_cstart, $3  }
0x38: {  	[dreg:$0x1] =	wrdreg $0xFFFFFFFF  }
0x39: {  	_ =	task.clear_ibuf [dreg:s7], $0x2FFFF;
	_ =	strace $0x9FFFFFFF  }
0x3a: {  	(tm) =	ssettm $0x7FFFFFFF  }
0x3b: {  	_ =	shalt  }
tec
execute0_lowered:
.L_overlay_start_1:
0x0: {  	(tag) =	ssettag $0x1  }
0x1: {  	s0 =	srdreg.scid  }
0x2: {  	s1 =	sshll.u32 s0, $0x4  }
0x3: {  	s2 =	rddreg [dreg:$0x0];
	s0 =	stileid.u32;
	s1 =	sand.u32 $0x10, s1  }
0x4: {  	s4 =	rddreg [dreg:$0x1];
	s7 =	simm.s32 $0x1;
	s1 =	sor.u32 s0, s1  }
0x5: {  	s8 =	simm.s32 $0x2;
	s9 =	simm.s32 $0x0;
	s3 =	sshll.u32 s1, $0x3  }
0x6: {  	s12 =	simm.s32 $0x0;
	s11 =	simm.s32 $0x0;
	s6 =	ssub.s32 $0x1000, s3  }
.Ltmp0:
0x7: {  	s4 =	sadd.s32 $0x1600, s4;
	s5 =	sand.u32 $0xF8, s6;
	(pc) =	sbr.rel .LBB1_1-.Ltmp0, $4  }
0x8: {  	s1 =	rddreg [dreg:$0x2];
	_ =	strace $0x80000047;
	p0 =	sne.s32 s5, $0x0  }
0x9: {  	s6 =	sshrl.u32 s6, $0x8;
	s5 =	simm.s32 $0x1;
	s7 =	simm.s32 @!p0 $0x0  }
0xa: {  	s10 =	smov.u32 s3;
	[sflag:s5] =	ssyncpa.u1 $0x0;
	s6 =	sadd.s32 s7, s6  }
0xb: {  	[sflag:s8] =	ssyncpa.u1 $0x0;
	s8 =	simm.s32 $0x0;
	s7 =	sadd.s32 $0x1, s6  }
.LBB1_9:
0xc: {  	s14 =	sadd.s32 $0x100, s10  }
0xd: {  	p1 =	sgt.s32 s14, $0xFFF  }
0xe: {  	s14 =	smov.u32 @p1 s3;
	p1 =	sne.s32 s11, s7  }
.Ltmp1:
0xf: {  	p0 =	slt.u32 s11, $0x2;
	(pc) =	sbr.rel @!p1 .LBB1_10-.Ltmp1, $4  }
0x10: {  	s13 =	simm.s32 @!p0 $0x2  }
0x11: {  	s15 =	sadd.s32 $0x1, s11;
	_ =	swait.ge @!p0 [sflag:s13], $0x4000  }
0x12: {  	s12 =	smov.u32 s10;
	s9 =	sadd.s32 $0x4000, s9;
	[sflag:s13] =	ssyncset.done @!p0 $0x0  }
0x13: {  	s11 =	smov.u32 s15;
	s10 =	smov.u32 s14;
	[sflag:s13] =	ssyncadd.s32 @!p0 $0xFFFFC000  }
.LBB1_1:
0x14: {  	p0 =	sge.u32 s11, s6  }
0x15: {  	s13 =	sxor.u32 @!p0 $0xFFFFFFFF, s11  }
0x16: {  	s31 =	sadd.s32 $0xFFFFFFFF, s11;
	s14 =	sshll.u32 @!p0 s10, $0x8;
	s13 =	sshll.u32 @!p0 s13, $0xE  }
0x17: {  	s15 =	simm.s32 @!p0 $0x0;
	s14 =	sadd.s32 @!p0 s2, s14;
	s13 =	sand.u32 @!p0 $0x4000, s13  }
0x18: {  	[tilespmem:s13], [sflag:$0x1] =	stream.linear.gather @!p0 [hbm4b:s14+s15], $0x4000, $0x38;
	[tilespmem:$0x10000] =	vst v63  }
0x19: {  	p0 =	sge.u32 s31, s6  }
.Ltmp2:
0x1a: {  	_ = 	snop;
	(pc) =	sbr.rel @p0 .LBB1_9-.Ltmp2, $1  }
0x1b: {  	_ =	sdelay $0x3  }
0x1c: {  	s13 =	sshll.u32 s9, $0x2;
	_ =	swait.ge [sflag:s5], $0x4000;
	s14 =	sshll.u32 s11, $0xE  }
0x1d: {  	s16 =	simm.s32 $0x0;
	s17 =	simm.s32 $0x0;
	s15 =	sand.u32 $0x10000, s13  }
0x1e: {  	[sflag:s5] =	ssyncset.done $0x0;
	s31 =	sand.u32 $0x4000, s14;
	s14 =	sshrl.u32 s15, $0x2  }
0x1f: {  	[sflag:s5] =	ssyncadd.s32 $0xFFFFC000;
	s13 =	sor.u32 $0x8000, s31;
	s15 =	sor.u32 $0x8000, s14  }
.LBB1_3:
0x20: {  	s18 =	sshra.s32 s16, $0x2  }
0x21: {  	v0 =	vmov s18;
	_ =	sdelay $0x3  }
0x22: {  	p1 =	por $0x1, $0x1;
	s18 =	simm.s32 $0x0  }
.LBB1_4:
0x23: {  	_ = 	snop  }
0x24: {  	s19 =	sshll.u32 s18, $0xA  }
0x25: {  	s19 =	sand.u32 $0x3FFFFC00, s19  }
0x26: {  	s19 =	sadd.s32 s19, s14  }
0x27: {  	v5 =	vld.idx.msk [tilespmem:v0+s19+$0x70 ss:$0x1], $0xffff  }
0x28: {  	v6 =	vld.idx.msk [tilespmem:v0+s19+$0x10 ss:$0x1], $0xffff  }
0x29: {  	v7 =	vld.idx.msk [tilespmem:v0+s19+$0x20 ss:$0x1], $0xffff  }
0x2a: {  	s31 =	sshll.u32 s18, $0x7;
	v1 =	vld.idx.msk [tilespmem:v0+s19+$0x30 ss:$0x1], $0xffff  }
0x2b: {  	s18 =	sand.u32 $0x3FFFFF80, s31;
	v2 =	vld.idx.msk [tilespmem:v0+s19+$0x40 ss:$0x1], $0xffff  }
0x2c: {  	s18 =	sadd.s32 s18, s15;
	v3 =	vld.idx.msk [tilespmem:v0+s19+$0x50 ss:$0x1], $0xffff  }
0x2d: {  	v4 =	vld.idx.msk [tilespmem:v0+s19+$0x60 ss:$0x1], $0xffff;
	[tilespmem:v0+s18+$0x70 ss:$0x1] =	vst.idx.msk $0xffff, v5  }
0x2e: {  	v5 =	vld.idx.msk [tilespmem:v0+s19+$0x0 ss:$0x1], $0xffff;
	[tilespmem:v0+s18+$0x10 ss:$0x1] =	vst.idx.msk $0xffff, v6;
	s19 =	sadd.s32 $0x80, s19  }
0x2f: {  	p0 =	por p1, p1;
	s20 =	simm.s32 $0x6;
	[tilespmem:v0+s18+$0x20 ss:$0x1] =	vst.idx.msk $0xffff, v7;
	v6 =	vld.idx.msk [tilespmem:v0+s19+$0x70 ss:$0x1], $0xffff  }
.LBB1_5:
0x30: {  	p1 =	sne.s32 s20, $0x1;
	v7 =	vld.idx.msk [tilespmem:v0+s19+$0x10 ss:$0x1], $0xffff;
	[tilespmem:v0+s18+$0x30 ss:$0x1] =	vst.idx.msk $0xffff, v1  }
0x31: {  	v8 =	vld.idx.msk [tilespmem:v0+s19+$0x20 ss:$0x1], $0xffff;
	[tilespmem:v0+s18+$0x40 ss:$0x1] =	vst.idx.msk $0xffff, v2  }
0x32: {  	v1 =	vld.idx.msk [tilespmem:v0+s19+$0x30 ss:$0x1], $0xffff;
	[tilespmem:v0+s18+$0x50 ss:$0x1] =	vst.idx.msk $0xffff, v3  }
.Ltmp3:
0x33: {  	v2 =	vld.idx.msk [tilespmem:v0+s19+$0x40 ss:$0x1], $0xffff;
	[tilespmem:v0+s18+$0x60 ss:$0x1] =	vst.idx.msk $0xffff, v4;
	(pc) =	sbr.rel @p1 .LBB1_5-.Ltmp3, $4  }
0x34: {  	v3 =	vld.idx.msk [tilespmem:v0+s19+$0x50 ss:$0x1], $0xffff;
	[tilespmem:v0+s18+$0x0 ss:$0x1] =	vst.idx.msk $0xffff, v5;
	s18 =	sadd.s32 $0x100, s18  }
0x35: {  	v4 =	vld.idx.msk [tilespmem:v0+s19+$0x60 ss:$0x1], $0xffff;
	[tilespmem:v0+s18+$0x70 ss:$0x1] =	vst.idx.msk $0xffff, v6  }
0x36: {  	v5 =	vld.idx.msk [tilespmem:v0+s19+$0x0 ss:$0x1], $0xffff;
	[tilespmem:v0+s18+$0x10 ss:$0x1] =	vst.idx.msk $0xffff, v7;
	s19 =	sadd.s32 $0x80, s19  }
0x37: {  	s20 =	sadd.s32 $0xFFFFFFFF, s20;
	v6 =	vld.idx.msk [tilespmem:v0+s19+$0x70 ss:$0x1], $0xffff;
	[tilespmem:v0+s18+$0x20 ss:$0x1] =	vst.idx.msk $0xffff, v8  }
0x38: {  	_ =	sdelay $0x3  }
0x39: {  	[tilespmem:v0+s18+$0x30 ss:$0x1] =	vst.idx.msk $0xffff, v1  }
0x3a: {  	v1 =	vld.idx.msk [tilespmem:v0+s19+$0x10 ss:$0x1], $0xffff;
	[tilespmem:v0+s18+$0x40 ss:$0x1] =	vst.idx.msk $0xffff, v2  }
0x3b: {  	v2 =	vld.idx.msk [tilespmem:v0+s19+$0x20 ss:$0x1], $0xffff;
	[tilespmem:v0+s18+$0x50 ss:$0x1] =	vst.idx.msk $0xffff, v3  }
0x3c: {  	v61 =	vld.idx.msk [tilespmem:v0+s19+$0x40 ss:$0x1], $0xffff;
	[tilespmem:v0+s18+$0x60 ss:$0x1] =	vst.idx.msk $0xffff, v4  }
0x3d: {  	s31 =	sadd.s32 $0x100, s18;
	v62 =	vld.idx.msk [tilespmem:v0+s19+$0x50 ss:$0x1], $0xffff;
	[tilespmem:v0+s18+$0x0 ss:$0x1] =	vst.idx.msk $0xffff, v5  }
0x3e: {  	v63 =	vld.idx.msk [tilespmem:v0+s19+$0x60 ss:$0x1], $0xffff;
	[tilespmem:v0+s31+$0x70 ss:$0x1] =	vst.idx.msk $0xffff, v6  }
0x3f: {  	v3 =	vld.idx.msk [tilespmem:v0+s19+$0x30 ss:$0x1], $0xffff;
	[tilespmem:v0+s31+$0x10 ss:$0x1] =	vst.idx.msk $0xffff, v1  }
0x40: {  	v1 =	vld.idx.msk [tilespmem:v0+s19+$0x0 ss:$0x1], $0xffff;
	[tilespmem:v0+s31+$0x20 ss:$0x1] =	vst.idx.msk $0xffff, v2  }
.Ltmp4:
0x41: {  	[tilespmem:v0+s31+$0x40 ss:$0x1] =	vst.idx.msk $0xffff, v61;
	(pc) =	sbr.rel @p0 .LBB1_4-.Ltmp4, $4  }
0x42: {  	[tilespmem:v0+s31+$0x50 ss:$0x1] =	vst.idx.msk $0xffff, v62  }
0x43: {  	[tilespmem:v0+s31+$0x60 ss:$0x1] =	vst.idx.msk $0xffff, v63  }
0x44: {  	[tilespmem:v0+s31+$0x30 ss:$0x1] =	vst.idx.msk $0xffff, v3  }
0x45: {  	p1 =	por $0x0, $0x0;
	s18 =	simm.s32 $0x1;
	[tilespmem:v0+s31+$0x0 ss:$0x1] =	vst.idx.msk $0xffff, v1  }
0x46: {  	s17 =	sadd.s32 $0x1, s17  }
0x47: {  	p0 =	sne.s32 s17, $0x8  }
.Ltmp5:
0x48: {  	_ = 	snop;
	(pc) =	sbr.rel @p0 .LBB1_3-.Ltmp5, $2  }
0x49: {  	_ =	sdelay $0x2  }
0x4a: {  	s16 =	sadd.s32 $0x2000, s16  }
.Ltmp6:
0x4b: {  	(pc) =	sbr.rel .LBB1_9-.Ltmp6, $4  }
0x4c: {  	_ = 	snop  }
0x4d: {  	s12 =	sshll.u32 s12, $0x8  }
0x4e: {  	s12 =	sadd.s32 s4, s12  }
0x4f: {  	[hbm4b:s12+s8] =	stream.linear.scatter [tilespmem:s13], [sflag:$0x2], $0x4000, $0x38;
	[tilespmem:$0x10000] =	vst v63  }
.LBB1_10:
0x50: {  	_ =	sfence.sel $0x180000  }
0x51: {  	s2 =	simm.s32 $0x1;
	[bflag:$0x0] =	sbarrier.arrive $0xFFFF  }
0x52: {  	s31 =	simm.s32 $0x2;
	[sflag:s2] =	ssyncpa.u1 $0x1  }
0x53: {  	[sflag:s31] =	ssyncpa.u1 $0x1  }
0x54: {  	p0 =	sne.s32 s0, $0x0;
	_ =	strace $0x90000047  }
0x55: {  	s0 =	sadd.s32 @!p0 $0x100000, s1;
	[bflag:$0x2] =	sbarrier.arrive $0xFFFF  }
0x56: {  	[sflag:s0] =	ssyncadd.tile.s32 @!p0 $0x1;
	_ =	shalt  }
.Lfunc_end1:
_tile_overlayer_lowered:
.L_overlay_start_2:
0x57: {  	(tag) =	ssettag $0x2  }
0x58: {  	s0 =	rddreg [dreg:$0x0];
	s2 =	stileid.u32  }
0x59: {  	s1 =	rddreg [dreg:$0x1];
	p0 =	sne.s32 s2, $0x0  }
0x5a: {  	s3 =	rddreg [dreg:$0x2];
	[bflag:$0x3] =	sbarrier.arrive $0xFFFF;
	s2 =	simm.s32 @!p0 $0x1C01  }
0x5b: {  	[timem:s3], [sflag:s2] =	dma.local @!p0 [hbm:s0], s1  }
0x5c: {  	s0 =	simm.s32 @!p0 $0x1  }
0x5d: {  	_ =	swait.ge @!p0 [sflag:s0], s1  }
0x5e: {  	s1 =	ssub.s32 @!p0 $0x0, s1;
	[sflag:s0] =	ssyncset.done @!p0 $0x0  }
0x5f: {  	[sflag:s0] =	ssyncadd.s32 @!p0 s1  }
0x60: {  	[bflag:$0x3] =	sbarrier.arrive $0xFFFF  }
0x61: {  	_ =	shalt  }

// kernel: sparse-core-data-format-call.cloned.1.call-start
scs
called_computation_lowered:
.L_overlay_start_0:
0x0: {  	s2 =	sld [smem:$0x3FD9]  }
0x1: {  	s3 =	sld [smem:$0x3FFE];
	_ =	sdelay $0x1  }
0x2: {  	s1 =	srdreg.scid  }
0x3: {  	s0 =	sand.u32 $0x1, s1  }
0x4: {  	s16 =	sshll.u32 s0, $0xA;
	s2 =	sadd.s32 s3, s2  }
0x5: {  	s2 =	sadd.s32 s2, s16  }
0x6: {  	[smem:$0x3FC4] =	sst s2  }
0x7: {  	_ = 	snop  }
0x8: {  	s2 =	sld [smem:$0x3FD0];
	_ =	sdelay $0x2  }
0x9: {  	s17 =	simm.s32 $0xB;
	s4 =	simm.s32 $0x10  }
0xa: {  	[smem:s4], [sflag:s17] =	dma.local [hbm:s2], $0x1  }
0xb: {  	_ =	swait.eq [sflag:s17], $0x1  }
0xc: {  	[sflag:s17] =	ssyncset.done $0x0  }
0xd: {  	[sflag:s17] =	ssyncadd.s32 $0xFFFFFFFF  }
0xe: {  	s18 =	sld [smem:$0x10];
	(tm) =	ssettm $0x1  }
0xf: {  	s19 =	sld [smem:$0x3FFB];
	_ =	sdelay $0x3  }
0x10: {  	_ =	strace s19  }
0x11: {  	s2 =	sld [smem:$0x3FFC];
	_ =	sdelay $0x3  }
0x12: {  	_ =	strace s2  }
0x13: {  	s2 =	sld [smem:$0x3FFD];
	_ =	sdelay $0x3  }
0x14: {  	_ =	strace s2  }
0x15: {  	_ =	strace $0x8FFFFFFF  }
0x16: {  	s20 =	sld [smem:$0x3FDB];
	_ =	sdelay $0x1  }
0x17: {  	s21 =	simm.s32 $_scs_section_size  }
0x18: {  	s5 =	simm.s32 $_size__tile_overlayer_lowered;
	s6 =	simm.s32 $_tile_overlayer_lowered  }
0x19: {  	s7 =	simm.s32 $0x1BFF;
	s22 =	sshll.u32 s6, $0x1;
	s4 =	sadd.s32 s21, s20  }
0x1a: {  	s23 =	simm.s32 $0x0;
	s5 =	sshll.u32 s5, $0x1;
	s6 =	sadd.s32 s22, s4  }
0x1b: {  	[timem:s23], [sflag:s7] =	dma.local [hbm:s6], s5  }
0x1c: {  	_ =	swait.ge [sflag:s7], s5  }
0x1d: {  	s5 =	ssub.s32 $0x0, s5;
	[sflag:s7] =	ssyncset.done $0x0  }
0x1e: {  	[sflag:s7] =	ssyncadd.s32 s5;
	_ =	sdelay $0x1  }
0x1f: {  	s24 =	simm.s32 $0x1B8B  }
0x20: {  	_ =	swait.ge [sflag:s24], $0x1  }
0x21: {  	[sflag:s24] =	ssyncset.done $0x0  }
0x22: {  	[sflag:s24] =	ssyncadd.s32 $0xFFFFFFFF  }
0x23: {  	s5 =	sld [smem:$0x0]  }
0x24: {  	s6 =	sand.u32 $0xFFFFFFFE, s1  }
0x25: {  	p0 =	sne.s32 s1, s6  }
0x26: {  	s6 =	sshll.u32 @p0 s6, $0xE  }
0x27: {  	s6 =	sadd.s32 @p0 $0x11B8D, s6;
	s7 =	sshll.u32 @p0 s5, $0x11  }
0x28: {  	s6 =	sor.u32 @p0 s7, s6  }
0x29: {  	[sflag:s6] =	ssyncadd.remote.s32 @p0 $0x1;
	_ =	sdelay $0x1  }
0x2a: {  	s6 =	simm.s32 @p0 $0x1B8D  }
0x2b: {  	_ =	swait.eq @p0 [sflag:s6], $0x1  }
0x2c: {  	[sflag:s6] =	ssyncadd.s32 @p0 $0xFFFFFFFF  }
0x2d: {  	s7 =	sshll.u32 @!p0 s1, $0xE  }
0x2e: {  	s7 =	sor.u32 @!p0 $0x4000, s7;
	s6 =	simm.s32 @!p0 $0x1B8D  }
0x2f: {  	s5 =	sshll.u32 @!p0 s5, $0x11;
	s7 =	sadd.s32 @!p0 $0x11B8D, s7;
	_ =	swait.eq @!p0 [sflag:s6], $0x1  }
0x30: {  	s5 =	sor.u32 @!p0 s5, s7;
	[sflag:s6] =	ssyncadd.s32 @!p0 $0xFFFFFFFF  }
0x31: {  	s26 =	simm.s32 $0x1B8E;
	s25 =	sld [smem:$0x3FFE];
	[sflag:s5] =	ssyncadd.remote.s32 @!p0 $0x1  }
0x32: {  	s27 =	simm.s32 $execute0_lowered;
	[smem:$0x3FD2] =	sst s26  }
0x33: {  	s6 =	sshll.u32 s27, $0x1;
	_ =	strace $0x80000049;
	[dreg:$0x1] =	wrdreg $0xFFFFFFFF  }
0x34: {  	s28 =	simm.s32 $_size_execute0_lowered;
	s4 =	sadd.s32 s4, s6;
	[dreg:$0x0] =	wrdreg $0x0  }
0x35: {  	s6 =	sshll.u32 s28, $0x1;
	[dreg:$0x2] =	wrdreg s4  }
0x36: {  	[dreg:$0x3] =	wrdreg s6  }
0x37: {  	[dreg:$0x4] =	wrdreg $0xC0  }
0x38: {  	_ =	task [dreg:s23], $0x5FFFF  }
0x39: {  	[dreg:$0x1] =	wrdreg $0xFFFFFFFF  }
0x3a: {  	[dreg:$0x0] =	wrdreg $0x60  }
0x3b: {  	[dreg:$0x2] =	wrdreg s18  }
0x3c: {  	[dreg:$0x3] =	wrdreg s25  }
0x3d: {  	[dreg:$0x4] =	wrdreg $0x9  }
0x3e: {  	_ =	task.clear_ibuf [dreg:s23], $0x5FFFF;
	_ =	strace $0x90000049  }
0x3f: {  	s29 =	simm.s32 $0x9;
	_ =	strace $0x8000004B  }
0x40: {  	_ =	swait.ge [sflag:s29], $0x1  }
0x41: {  	[sflag:s29] =	ssyncadd.s32 $0xFFFFFFFF  }
0x42: {  	_ =	strace $0x9000004B  }
0x43: {  	_ =	sfence  }
0x44: {  	s30 =	sld [smem:$0x0];
	_ =	sdelay $0x2  }
0x45: {  	s31 =	sshll.u32 s1, $0xD;
	s1 =	sshrl.u32 s1, $0x2  }
0x46: {  	s4 =	sand.u32 $0x4000, s31;
	s1 =	sadd.s32 s1, s30  }
0x47: {  	s0 =	sor.u32 s4, s0;
	s1 =	sshll.u32 s1, $0x11  }
0x48: {  	s0 =	sor.u32 s1, s0  }
0x49: {  	s0 =	sadd.s32 $0x8F2B, s0  }
0x4a: {  	[sflag:s0] =	ssyncadd.remote.s32 $0x1  }
0x4b: {  	_ =	sfence.sel $0xFFFF  }
0x4c: {  	[dreg:$0x0] =	wrdreg $0xFFFFFFFF;
	(pc) =	sbr.abs _section_cstart, $3  }
0x4d: {  	[dreg:$0x1] =	wrdreg $0xFFFFFFFF  }
0x4e: {  	_ =	task.clear_ibuf [dreg:s23], $0x2FFFF;
	_ =	strace $0x9FFFFFFF  }
0x4f: {  	(tm) =	ssettm $0x7FFFFFFF  }
tec
execute0_lowered:
.L_overlay_start_1:
0x0: {  	(tag) =	ssettag $0x1  }
0x1: {  	s0 =	srdreg.scid  }
0x2: {  	s1 =	sshll.u32 s0, $0x4  }
0x3: {  	s0 =	stileid.u32;
	s1 =	sand.u32 $0x10, s1  }
0x4: {  	s3 =	rddreg [dreg:$0x0];
	s1 =	sor.u32 s0, s1  }
0x5: {  	s6 =	rddreg [dreg:$0x1];
	s7 =	simm.s32 $0x2;
	s2 =	sshll.u32 s1, $0x4  }
0x6: {  	s14 =	simm.s32 $0x0;
	s8 =	simm.s32 $0x800;
	s1 =	ssub.s32 $0x800, s2  }
0x7: {  	s9 =	simm.s32 $0x40000;
	s10 =	simm.s32 $0x0;
	s4 =	sand.u32 $0x1F0, s1  }
0x8: {  	s15 =	simm.s32 $0x0;
	p0 =	sne.s32 s4, $0x0;
	s4 =	simm.s32 $0x1  }
.Ltmp0:
0x9: {  	s5 =	sshrl.u32 s1, $0x9;
	s4 =	simm.s32 @!p0 $0x0;
	(pc) =	sbr.rel .LBB1_1-.Ltmp0, $4  }
0xa: {  	s12 =	simm.s32 $0x0;
	s1 =	rddreg [dreg:$0x2];
	s5 =	sadd.s32 s4, s5  }
0xb: {  	_ =	strace $0x8000004A;
	s4 =	simm.s32 $0x1;
	s5 =	smul.u32 $0x5, s5  }
0xc: {  	s13 =	simm.s32 $0x0;
	s6 =	sadd.s32 $0x101600, s6;
	[sflag:s4] =	ssyncpa.u1 $0x0  }
0xd: {  	s11 =	smov.u32 s2;
	[sflag:s7] =	ssyncpa.u1 $0x0;
	s7 =	sadd.s32 $0x1, s5  }
.LBB1_7:
0xe: {  	s16 =	sadd.s32 $0x200, s11  }
0xf: {  	s14 =	simm.s32 $0x1;
	p1 =	sgt.s32 s16, $0x7FF  }
0x10: {  	s14 =	simm.s32 @!p1 $0x0  }
0x11: {  	s18 =	sadd.s32 s14, s12  }
0x12: {  	s16 =	smov.u32 @p1 s2;
	p1 =	sgt.s32 s18, $0x4  }
0x13: {  	s18 =	simm.s32 @p1 $0x0;
	p1 =	sne.s32 s13, s7  }
.Ltmp1:
0x14: {  	p0 =	slt.u32 s13, $0x2;
	(pc) =	sbr.rel @!p1 .LBB1_8-.Ltmp1, $4  }
0x15: {  	s17 =	simm.s32 @!p0 $0x2  }
0x16: {  	s15 =	smov.u32 s12;
	s10 =	sadd.s32 $0x4000, s10;
	_ =	swait.ge @!p0 [sflag:s17], $0x4000  }
0x17: {  	[sflag:s17] =	ssyncset.done @!p0 $0x0;
	s14 =	smov.u32 s11;
	s11 =	smov.u32 s16  }
0x18: {  	[sflag:s17] =	ssyncadd.s32 @!p0 $0xFFFFC000;
	s13 =	sadd.s32 $0x1, s13;
	s12 =	smov.u32 s18  }
.LBB1_1:
0x19: {  	p0 =	sge.u32 s13, s5  }
0x1a: {  	s31 =	sadd.s32 $0xFFFFFFFF, s13;
	s16 =	sxor.u32 @!p0 $0xFFFFFFFF, s13;
	s17 =	sshll.u32 @!p0 s12, $0x12  }
0x1b: {  	s18 =	sshll.u32 @!p0 s11, $0x7;
	s16 =	sshll.u32 @!p0 s16, $0xE;
	s17 =	sadd.s32 @!p0 s3, s17  }
0x1c: {  	s16 =	sand.u32 @!p0 $0x4000, s16;
	s17 =	sadd.s32 @!p0 s18, s17;
	s18 =	simm.s32 @!p0 $0x0  }
0x1d: {  	[tilespmem:s16], [sflag:$0x1] =	stream.linear.gather @!p0 [hbm4b:s17+s18], $0x4000, $0x38;
	[tilespmem:$0x10000] =	vst v63  }
0x1e: {  	p0 =	sge.u32 s31, s5  }
.Ltmp2:
0x1f: {  	_ = 	snop;
	(pc) =	sbr.rel @p0 .LBB1_7-.Ltmp2, $1  }
0x20: {  	_ =	sdelay $0x3  }
0x21: {  	s17 =	sand.u32 $0x4000, s10  }
0x22: {  	_ =	swait.ge [sflag:s4], $0x4000;
	s19 =	sshll.u32 s13, $0xE;
	s16 =	sor.u32 $0x8040, s17  }
0x23: {  	s18 =	sor.u32 $0x40, s17;
	[sflag:s4] =	ssyncset.done $0x0;
	s31 =	sand.u32 $0x4000, s19  }
0x24: {  	s19 =	simm.s32 $0x0;
	[sflag:s4] =	ssyncadd.s32 $0xFFFFC000;
	s17 =	sor.u32 $0x8000, s31  }
.LBB1_3:
0x25: {  	v0 =	vmov s18;
	_ =	sdelay $0x3  }
0x26: {  	s21 =	simm.s32 $0x0  }
0x27: {  	v6 =	vld.idx.msk [tilespmem:v0+s21+$0x30 ss:$0x1], $0xffff  }
0x28: {  	v7 =	vld.idx.msk [tilespmem:v0+s21+$0xFFFFFFC0 ss:$0x1], $0xffff  }
0x29: {  	v5 =	vld.idx.msk [tilespmem:v0+s21+$0xFFFFFFD0 ss:$0x1], $0xffff  }
0x2a: {  	v4 =	vld.idx.msk [tilespmem:v0+s21+$0xFFFFFFE0 ss:$0x1], $0xffff  }
0x2b: {  	v3 =	vld.idx.msk [tilespmem:v0+s21+$0xFFFFFFF0 ss:$0x1], $0xffff  }
0x2c: {  	v1 =	vld.idx.msk [tilespmem:v0+s21+$0x0 ss:$0x1], $0xffff  }
0x2d: {  	v2 =	vld.idx.msk [tilespmem:v0+s21+$0x10 ss:$0x1], $0xffff;
	[tilespmem:s16+$0x30] =	vst v6  }
0x2e: {  	s20 =	simm.s32 $0x80;
	s22 =	simm.s32 $0x400;
	[tilespmem:s16+$0xFFFFFFC0] =	vst v7;
	v6 =	vld.idx.msk [tilespmem:v0+s21+$0x20 ss:$0x1], $0xffff;
	s21 =	smov.u32 s16  }
.LBB1_4:
0x2f: {  	p0 =	sne.s32 s22, $0xE00;
	v7 =	vld.idx.msk [tilespmem:v0+s20+$0x30 ss:$0x1], $0xffff;
	[tilespmem:s21+$0xFFFFFFD0] =	vst v5  }
0x30: {  	v8 =	vld.idx.msk [tilespmem:v0+s20+$0xFFFFFFC0 ss:$0x1], $0xffff;
	[tilespmem:s21+$0xFFFFFFE0] =	vst v4  }
0x31: {  	v5 =	vld.idx.msk [tilespmem:v0+s20+$0xFFFFFFD0 ss:$0x1], $0xffff;
	[tilespmem:s21+$0xFFFFFFF0] =	vst v3  }
.Ltmp3:
0x32: {  	v4 =	vld.idx.msk [tilespmem:v0+s20+$0xFFFFFFE0 ss:$0x1], $0xffff;
	[tilespmem:s21+$0x0] =	vst v1;
	(pc) =	sbr.rel @p0 .LBB1_4-.Ltmp3, $4  }
0x33: {  	v3 =	vld.idx.msk [tilespmem:v0+s20+$0xFFFFFFF0 ss:$0x1], $0xffff;
	[tilespmem:s21+$0x10] =	vst v2  }
0x34: {  	v1 =	vld.idx.msk [tilespmem:v0+s20+$0x0 ss:$0x1], $0xffff;
	[tilespmem:s21+$0x20] =	vst v6;
	s21 =	sadd.s32 $0x800, s21  }
0x35: {  	v2 =	vld.idx.msk [tilespmem:v0+s20+$0x10 ss:$0x1], $0xffff;
	[tilespmem:s21+$0x30] =	vst v7  }
0x36: {  	[tilespmem:s21+$0xFFFFFFC0] =	vst v8;
	v6 =	vld.idx.msk [tilespmem:v0+s20+$0x20 ss:$0x1], $0xffff;
	s20 =	sshra.s32 s22, $0x2;
	s22 =	sadd.s32 $0x200, s22  }
0x37: {  	_ =	sdelay $0x2  }
0x38: {  	[tilespmem:s21+$0xFFFFFFD0] =	vst v5  }
0x39: {  	v56 =	vld.idx.msk [tilespmem:v0+s20+$0x30 ss:$0x1], $0xffff;
	[tilespmem:s21+$0xFFFFFFE0] =	vst v4  }
0x3a: {  	v57 =	vld.idx.msk [tilespmem:v0+s20+$0xFFFFFFC0 ss:$0x1], $0xffff;
	[tilespmem:s21+$0xFFFFFFF0] =	vst v3  }
0x3b: {  	v58 =	vld.idx.msk [tilespmem:v0+s20+$0xFFFFFFD0 ss:$0x1], $0xffff;
	[tilespmem:s21+$0x0] =	vst v1  }
0x3c: {  	v59 =	vld.idx.msk [tilespmem:v0+s20+$0xFFFFFFE0 ss:$0x1], $0xffff;
	[tilespmem:s21+$0x10] =	vst v2  }
0x3d: {  	v60 =	vld.idx.msk [tilespmem:v0+s20+$0xFFFFFFF0 ss:$0x1], $0xffff;
	s31 =	sadd.s32 $0x800, s21;
	[tilespmem:s21+$0x20] =	vst v6  }
0x3e: {  	v61 =	vld.idx.msk [tilespmem:v0+s20+$0x0 ss:$0x1], $0xffff;
	[tilespmem:s31+$0x30] =	vst v56  }
0x3f: {  	v62 =	vld.idx.msk [tilespmem:v0+s20+$0x10 ss:$0x1], $0xffff;
	s19 =	sadd.s32 $0x1, s19;
	[tilespmem:s31+$0xFFFFFFC0] =	vst v57  }
0x40: {  	v63 =	vld.idx.msk [tilespmem:v0+s20+$0x20 ss:$0x1], $0xffff;
	p0 =	sne.s32 s19, $0x10;
	[tilespmem:s31+$0xFFFFFFD0] =	vst v58  }
.Ltmp4:
0x41: {  	[tilespmem:s31+$0xFFFFFFE0] =	vst v59;
	(pc) =	sbr.rel @p0 .LBB1_3-.Ltmp4, $4  }
0x42: {  	[tilespmem:s31+$0xFFFFFFF0] =	vst v60  }
0x43: {  	[tilespmem:s31+$0x0] =	vst v61  }
0x44: {  	[tilespmem:s31+$0x10] =	vst v62  }
0x45: {  	s16 =	sadd.s32 $0x80, s16;
	s18 =	sadd.s32 $0x400, s18;
	[tilespmem:s31+$0x20] =	vst v63  }
.Ltmp5:
0x46: {  	(pc) =	sbr.rel .LBB1_7-.Ltmp5, $4  }
0x47: {  	s15 =	sshll.u32 s15, $0x12;
	s14 =	sshll.u32 s14, $0x4  }
0x48: {  	s14 =	sand.u32 $0x7FF0, s14;
	s15 =	sadd.s32 s6, s15  }
0x49: {  	s14 =	sadd.s32 s14, s15  }
0x4a: {  	[hbm4b:s14+s8] =	stream.strided.scatter [tilespmem:s17], [sflag:$0x2], $0x4000, s9, s8, $0x38;
	[tilespmem:$0x10000] =	vst v63  }
.LBB1_8:
0x4b: {  	_ =	sfence.sel $0x180000  }
0x4c: {  	s2 =	simm.s32 $0x1;
	[bflag:$0x0] =	sbarrier.arrive $0xFFFF  }
0x4d: {  	s31 =	simm.s32 $0x2;
	[sflag:s2] =	ssyncpa.u1 $0x1  }
0x4e: {  	[sflag:s31] =	ssyncpa.u1 $0x1  }
0x4f: {  	p0 =	sne.s32 s0, $0x0;
	_ =	strace $0x9000004A  }
0x50: {  	s0 =	sadd.s32 @!p0 $0x100000, s1;
	[bflag:$0x2] =	sbarrier.arrive $0xFFFF  }
0x51: {  	[sflag:s0] =	ssyncadd.tile.s32 @!p0 $0x1;
	_ =	shalt  }
.Lfunc_end1:
_tile_overlayer_lowered:
.L_overlay_start_2:
0x52: {  	(tag) =	ssettag $0x2  }
0x53: {  	s0 =	rddreg [dreg:$0x0];
	s2 =	stileid.u32  }
0x54: {  	s1 =	rddreg [dreg:$0x1];
	p0 =	sne.s32 s2, $0x0  }
0x55: {  	s3 =	rddreg [dreg:$0x2];
	[bflag:$0x3] =	sbarrier.arrive $0xFFFF;
	s2 =	simm.s32 @!p0 $0x1C01  }
0x56: {  	[timem:s3], [sflag:s2] =	dma.local @!p0 [hbm:s0], s1  }
0x57: {  	s0 =	simm.s32 @!p0 $0x1  }
0x58: {  	_ =	swait.ge @!p0 [sflag:s0], s1  }
0x59: {  	s1 =	ssub.s32 @!p0 $0x0, s1;
	[sflag:s0] =	ssyncset.done @!p0 $0x0  }
0x5a: {  	[sflag:s0] =	ssyncadd.s32 @!p0 s1  }
0x5b: {  	[bflag:$0x3] =	sbarrier.arrive $0xFFFF  }
0x5c: {  	_ =	shalt  }

</sc_bundles>
